<compile_context>
chip_gen: v7x
topology: tpu7x:2x2x1
jax: 0.10.2.dev20260603
libtpu: 0.0.44.dev20260713+nightly
codegen_flags: <defaults>
</compile_context>

<pallas_src>
import jax
import jax.numpy as jnp
from jax import lax
from jax.experimental import pallas as pl
from jax.experimental.pallas import tpu as pltpu
from jax.experimental.pallas import tpu_sc as plsc

B, L = 4096, 200
ITEM_DIM, GENRE_DIM = 64, 32
EMB_DIM = ITEM_DIM + GENRE_DIM
OUT_DIM = 128
TOK = B * L

NH = 2
TOK_H = TOK // NH

NC, NS = 2, 16
NW = NC * NS
PER_W = TOK_H // NW
CHUNK = 128
N_CHUNKS = PER_W // CHUNK
NBUF = 4
SENT = -1

BR = 64
T_BLK = BR * L
GRID_H = TOK_H // T_BLK


def _sc_gather(item_hbm, genre_hbm, iid_hbm, gid_hbm, zrow_hbm,
               out_hbm, iidx_v, gidx_v, *scr):
    wid = lax.axis_index("s") * NC + lax.axis_index("c")
    base = wid * PER_W
    fidx = scr[0:NBUF]
    irows = scr[NBUF:2 * NBUF]
    grows = scr[2 * NBUF:3 * NBUF]
    sem_i = scr[3 * NBUF:4 * NBUF]
    sem_g = scr[4 * NBUF:5 * NBUF]
    sem_f = scr[5 * NBUF]

    pltpu.sync_copy(iid_hbm.at[pl.ds(base, PER_W)], iidx_v)
    pltpu.sync_copy(gid_hbm.at[pl.ds(base, PER_W)], gidx_v)

    def body(t, carry):
        j0 = t * NBUF
        cps = []
        for b in range(NBUF):
            loc = (j0 + b) * CHUNK
            cp_i = pltpu.async_copy(
                item_hbm.at[iidx_v.at[pl.ds(loc, CHUNK)]], irows[b], sem_i[b])
            cp_g = pltpu.async_copy(
                genre_hbm.at[gidx_v.at[pl.ds(loc, CHUNK)]], grows[b], sem_g[b])
            cps.append((cp_i, cp_g))
        for b in range(NBUF):
            loc = (j0 + b) * CHUNK
            off = base + loc
            cp_i, cp_g = cps[b]
            for k in range(CHUNK // 16):
                v = iidx_v[pl.ds(loc + k * 16, 16)]
                fidx[b][pl.ds(k * 16, 16)] = jnp.where(
                    v == 0, jnp.zeros_like(v), jnp.full_like(v, SENT))
            cp_i.wait()
            pltpu.async_copy(
                zrow_hbm.at[plsc.Indices(fidx[b], ignored_value=SENT)],
                irows[b], sem_f).wait()
            cp_g.wait()
            pltpu.sync_copy(
                irows[b], out_hbm.at[pl.ds(off, CHUNK), pl.ds(0, ITEM_DIM)])
            pltpu.sync_copy(
                grows[b],
                out_hbm.at[pl.ds(off, CHUNK), pl.ds(ITEM_DIM, GENRE_DIM)])
        return carry

    lax.fori_loop(0, N_CHUNKS // NBUF, body, 0)


def _tc_body(emb_ref, w_ref, b_ref, pos_ref, out_ref):
    e = emb_ref[:, :EMB_DIM]
    acc = jnp.dot(e, w_ref[...], preferred_element_type=jnp.float32)
    out_ref[...] = acc + b_ref[...] + pos_ref[...]


def _tc_body_chained(emb_ref, w_ref, b_ref, pos_ref, prev_ref, out_ref):
    del prev_ref
    e = emb_ref[:, :EMB_DIM]
    acc = jnp.dot(e, w_ref[...], preferred_element_type=jnp.float32)
    out_ref[...] = acc + b_ref[...] + pos_ref[...]


def kernel(hist_item_id, hist_genre_id, item_table, genre_table, W, b,
           pos_table):
    iid_flat = hist_item_id.reshape(TOK)
    gid_flat = hist_genre_id.reshape(TOK)
    gt = genre_table.at[0].set(0.0)
    zrow = jnp.zeros((8, ITEM_DIM), dtype=jnp.float32)

    mesh = plsc.VectorSubcoreMesh(core_axis_name="c", subcore_axis_name="s")
    sc_gather = pl.kernel(
        _sc_gather,
        out_type=[
            jax.ShapeDtypeStruct((TOK_H, 128), jnp.float32),
        ],
        mesh=mesh,
        scratch_types=[
            pltpu.VMEM((PER_W,), jnp.int32),
            pltpu.VMEM((PER_W,), jnp.int32),
        ] + [pltpu.VMEM((CHUNK,), jnp.int32)] * NBUF
          + [pltpu.VMEM((CHUNK, ITEM_DIM), jnp.float32)] * NBUF
          + [pltpu.VMEM((CHUNK, GENRE_DIM), jnp.float32)] * NBUF
          + [pltpu.SemaphoreType.DMA] * NBUF
          + [pltpu.SemaphoreType.DMA] * NBUF
          + [pltpu.SemaphoreType.DMA],
        compiler_params=pltpu.CompilerParams(use_tc_tiling_on_sc=False),
    )
    embs = []
    for h in range(NH):
        (emb_h,) = sc_gather(
            item_table, gt,
            lax.slice_in_dim(iid_flat, h * TOK_H, (h + 1) * TOK_H),
            lax.slice_in_dim(gid_flat, h * TOK_H, (h + 1) * TOK_H),
            zrow)
        embs.append(emb_h)

    b2 = b.reshape(1, OUT_DIM)
    pos_blk = jnp.tile(pos_table, (BR, 1))

    out = None
    for h in range(NH):
        emb_specs = [
            pl.BlockSpec((T_BLK, 128), lambda i: (i, 0)),
            pl.BlockSpec((EMB_DIM, OUT_DIM), lambda i: (0, 0)),
            pl.BlockSpec((1, OUT_DIM), lambda i: (0, 0)),
            pl.BlockSpec((T_BLK, OUT_DIM), lambda i: (0, 0)),
        ]
        out_spec = pl.BlockSpec((T_BLK, OUT_DIM),
                                lambda i, h=h: (i + h * GRID_H, 0))
        if h == 0:
            out = pl.pallas_call(
                _tc_body,
                grid=(GRID_H,),
                in_specs=emb_specs,
                out_specs=out_spec,
                out_shape=jax.ShapeDtypeStruct((TOK, OUT_DIM), jnp.float32),
            )(embs[h], W, b2, pos_blk)
        else:
            out = pl.pallas_call(
                _tc_body_chained,
                grid=(GRID_H,),
                in_specs=emb_specs + [pl.BlockSpec(memory_space=pl.ANY)],
                out_specs=out_spec,
                out_shape=jax.ShapeDtypeStruct((TOK, OUT_DIM), jnp.float32),
                input_output_aliases={4: 0},
            )(embs[h], W, b2, pos_blk, out)

    return out.reshape(B, L, OUT_DIM)

# --- scband reference (transcript-rebuilt; emitter-appended) ---
"""Pipeline reference for scband-sequence-feature-processor-82334523064931 (READ-ONLY COPY).

The authoritative reference and input builder live on the scoring server;
editing this copy changes nothing except your own understanding.
"""

import jax, jax.numpy as jnp
import numpy as np

B, L = 4096, 200
ITEM_VOCAB, ITEM_DIM = 1000000, 64
GENRE_VOCAB, GENRE_DIM = 1000, 32
TARGET_DIM = 128
MAX_SEQ_LEN = 200


def setup_inputs(seed: int = 0) -> dict:
    key = jax.random.key(seed)
    ks = jax.random.split(key, 7)
    hist_item_id = jax.random.randint(ks[0], (B, L), 0, ITEM_VOCAB, dtype=jnp.int64 if jax.config.read('jax_enable_x64') else jnp.int32)
    hist_genre_id = jax.random.randint(ks[1], (B, L), 0, GENRE_VOCAB, dtype=jnp.int64 if jax.config.read('jax_enable_x64') else jnp.int32)
    item_table = jax.random.normal(ks[2], (ITEM_VOCAB, ITEM_DIM), dtype=jnp.float32)
    genre_table = jax.random.normal(ks[3], (GENRE_VOCAB, GENRE_DIM), dtype=jnp.float32)
    W = jax.random.normal(ks[4], (ITEM_DIM + GENRE_DIM, TARGET_DIM), dtype=jnp.float32) * 0.05
    b = jnp.zeros((TARGET_DIM,), dtype=jnp.float32)
    pos_table = jax.random.normal(ks[5], (MAX_SEQ_LEN, TARGET_DIM), dtype=jnp.float32) * 0.02
    return {
        'hist_item_id': hist_item_id,
        'hist_genre_id': hist_genre_id,
        'item_table': item_table,
        'genre_table': genre_table,
        'W': W,
        'b': b,
        'pos_table': pos_table,
    }


def reference(hist_item_id, hist_genre_id, item_table, genre_table, W, b, pos_table):
    # padding_idx=0: row 0 of each embedding table is zero (as in nn.Embedding with padding_idx)
    it = item_table.at[0].set(0.0)
    gt = genre_table.at[0].set(0.0)
    # embedding lookups (gather)
    emb_item = jnp.take(it, hist_item_id, axis=0)    # [B, L, 64]
    emb_genre = jnp.take(gt, hist_genre_id, axis=0)  # [B, L, 32]
    concat_emb = jnp.concatenate([emb_item, emb_genre], axis=-1)  # [B, L, 96]
    total_emb = concat_emb @ W + b                   # [B, L, 128] (dropout is identity in eval)
    seq_len = total_emb.shape[1]
    positions = jnp.arange(seq_len)
    total_emb = total_emb + jnp.take(pos_table, positions, axis=0)[None, :, :]
    # F.dropout with training=False is identity
    return total_emb

if __name__ == "__main__":
    import jax
    _d = setup_inputs()
    print(jax.jit(kernel)(*tuple(_d.values())))

</pallas_src>

<mosaic_0001>
#map = affine_map<(d0, d1) -> (0, 0)>
#map1 = affine_map<(d0, d1) -> (0)>
module attributes {stable_mosaic.version = 14 : i64} {
  func.func @_sc_gather(%arg0: i32, %arg1: i32, %arg2: memref<1000000x64xf32, #tpu.memory_space<hbm>>, %arg3: memref<1000x32xf32, #tpu.memory_space<hbm>>, %arg4: memref<409600xi32, #tpu.memory_space<hbm>>, %arg5: memref<409600xi32, #tpu.memory_space<hbm>>, %arg6: memref<8x64xf32, #tpu.memory_space<hbm>>, %arg7: memref<409600x128xf32, #tpu.memory_space<hbm>>, %arg8: memref<12800xi32, #tpu.memory_space<vmem>>, %arg9: memref<12800xi32, #tpu.memory_space<vmem>>, %arg10: memref<128xi32, #tpu.memory_space<vmem>>, %arg11: memref<128xi32, #tpu.memory_space<vmem>>, %arg12: memref<128xi32, #tpu.memory_space<vmem>>, %arg13: memref<128xi32, #tpu.memory_space<vmem>>, %arg14: memref<128x64xf32, #tpu.memory_space<vmem>>, %arg15: memref<128x64xf32, #tpu.memory_space<vmem>>, %arg16: memref<128x64xf32, #tpu.memory_space<vmem>>, %arg17: memref<128x64xf32, #tpu.memory_space<vmem>>, %arg18: memref<128x32xf32, #tpu.memory_space<vmem>>, %arg19: memref<128x32xf32, #tpu.memory_space<vmem>>, %arg20: memref<128x32xf32, #tpu.memory_space<vmem>>, %arg21: memref<128x32xf32, #tpu.memory_space<vmem>>, %arg22: memref<!tpu.dma_semaphore, #tpu.memory_space<semaphore_mem>>, %arg23: memref<!tpu.dma_semaphore, #tpu.memory_space<semaphore_mem>>, %arg24: memref<!tpu.dma_semaphore, #tpu.memory_space<semaphore_mem>>, %arg25: memref<!tpu.dma_semaphore, #tpu.memory_space<semaphore_mem>>, %arg26: memref<!tpu.dma_semaphore, #tpu.memory_space<semaphore_mem>>, %arg27: memref<!tpu.dma_semaphore, #tpu.memory_space<semaphore_mem>>, %arg28: memref<!tpu.dma_semaphore, #tpu.memory_space<semaphore_mem>>, %arg29: memref<!tpu.dma_semaphore, #tpu.memory_space<semaphore_mem>>, %arg30: memref<!tpu.dma_semaphore, #tpu.memory_space<semaphore_mem>>) attributes {dimension_semantics = [#tpu.dimension_semantics<core_parallel>, #tpu.dimension_semantics<subcore_parallel>], iteration_bounds = array<i64: 2, 16>, scalar_prefetch = 0 : i64, scratch_operands = 23 : i64, tpu.core_type = #tpu.core_type<sc_vector_subcore>, window_params = [{transform_indices = #map}, {transform_indices = #map}, {transform_indices = #map1}, {transform_indices = #map1}, {transform_indices = #map}, {transform_indices = #map}]} {
    %mul3A = arith.constant 2 : i32
    %mul3A_0 = arith.muli %arg1, %mul3A : i32
    %add3A = arith.addi %mul3A_0, %arg0 : i32
    %mul3A_1 = arith.constant 12800 : i32
    %mul3A_2 = arith.muli %add3A, %mul3A_1 : i32
    "tpu.region"() ({
      %run_scoped3A = tpu.sem_alloc : memref<!tpu.dma_semaphore, #tpu.memory_space<semaphore_mem>>
      %dma_start3A = tpu.memref_slice %arg4[%mul3A_2] : memref<409600xi32, #tpu.memory_space<hbm>> -> memref<12800xi32, #tpu.memory_space<hbm>>
      %dma_start3A_8 = tpu.memref_slice %arg4[%mul3A_2] : memref<409600xi32, #tpu.memory_space<hbm>> -> memref<12800xi32, #tpu.memory_space<hbm>>
      tpu.enqueue_dma source(%dma_start3A_8 : memref<12800xi32, #tpu.memory_space<hbm>>) target(%arg8 : memref<12800xi32, #tpu.memory_space<vmem>>) target_semaphore(%run_scoped3A : memref<!tpu.dma_semaphore, #tpu.memory_space<semaphore_mem>>)
      %dma_wait3A = tpu.memref_slice %arg4[%mul3A_2] : memref<409600xi32, #tpu.memory_space<hbm>> -> memref<12800xi32, #tpu.memory_space<hbm>>
      %dma_wait3A_9 = tpu.memref_slice %arg4[%mul3A_2] : memref<409600xi32, #tpu.memory_space<hbm>> -> memref<12800xi32, #tpu.memory_space<hbm>>
      tpu.wait_dma2 semaphore(%run_scoped3A : memref<!tpu.dma_semaphore, #tpu.memory_space<semaphore_mem>>) src(%dma_wait3A_9 : memref<12800xi32, #tpu.memory_space<hbm>>) dst(%arg8 : memref<12800xi32, #tpu.memory_space<vmem>>)
      tpu.yield
    }) : () -> ()
    "tpu.region"() ({
      %run_scoped3A = tpu.sem_alloc : memref<!tpu.dma_semaphore, #tpu.memory_space<semaphore_mem>>
      %dma_start3A = tpu.memref_slice %arg5[%mul3A_2] : memref<409600xi32, #tpu.memory_space<hbm>> -> memref<12800xi32, #tpu.memory_space<hbm>>
      %dma_start3A_8 = tpu.memref_slice %arg5[%mul3A_2] : memref<409600xi32, #tpu.memory_space<hbm>> -> memref<12800xi32, #tpu.memory_space<hbm>>
      tpu.enqueue_dma source(%dma_start3A_8 : memref<12800xi32, #tpu.memory_space<hbm>>) target(%arg9 : memref<12800xi32, #tpu.memory_space<vmem>>) target_semaphore(%run_scoped3A : memref<!tpu.dma_semaphore, #tpu.memory_space<semaphore_mem>>)
      %dma_wait3A = tpu.memref_slice %arg5[%mul3A_2] : memref<409600xi32, #tpu.memory_space<hbm>> -> memref<12800xi32, #tpu.memory_space<hbm>>
      %dma_wait3A_9 = tpu.memref_slice %arg5[%mul3A_2] : memref<409600xi32, #tpu.memory_space<hbm>> -> memref<12800xi32, #tpu.memory_space<hbm>>
      tpu.wait_dma2 semaphore(%run_scoped3A : memref<!tpu.dma_semaphore, #tpu.memory_space<semaphore_mem>>) src(%dma_wait3A_9 : memref<12800xi32, #tpu.memory_space<hbm>>) dst(%arg9 : memref<12800xi32, #tpu.memory_space<vmem>>)
      tpu.yield
    }) : () -> ()
    %scan3A = arith.constant 0 : i32
    %scan3A_3 = arith.constant 0 : i32
    %scan3A_4 = arith.constant 25 : i32
    %scan3A_5 = arith.addi %scan3A_3, %scan3A_4 : i32
    %scan3A_6 = arith.constant 1 : i32
    scf.for %scan3A_8 = %scan3A_3 to %scan3A_5 step %scan3A_6  : i32 {
      %mul3A_9 = arith.constant 4 : i32
      %mul3A_10 = arith.muli %scan3A_8, %mul3A_9 : i32
      %add3A_11 = arith.constant 0 : i32
      %add3A_12 = arith.addi %mul3A_10, %add3A_11 : i32
      %mul3A_13 = arith.constant 128 : i32
      %mul3A_14 = arith.muli %add3A_12, %mul3A_13 : i32
      %dma_start3A = tpu.memref_slice %arg8[%mul3A_14] : memref<12800xi32, #tpu.memory_space<vmem>> -> memref<128xi32, #tpu.memory_space<vmem>>
      %dma_start3A_15 = arith.constant 0 : i32
      %dma_start3A_16 = arith.constant 0 : i32
      %dma_start3A_17 = tpu.memref_slice %arg2[%dma_start3A_15, %dma_start3A_16] : memref<1000000x64xf32, #tpu.memory_space<hbm>> -> memref<1000000x64xf32, #tpu.memory_space<hbm>>
      tpu.enqueue_indirect_dma source(%dma_start3A_17 : memref<1000000x64xf32, #tpu.memory_space<hbm>>) target(%arg14 : memref<128x64xf32, #tpu.memory_space<vmem>>) offsets(%dma_start3A : memref<128xi32, #tpu.memory_space<vmem>>) semaphore(%arg22 : memref<!tpu.dma_semaphore, #tpu.memory_space<semaphore_mem>>)
      %dma_start3A_18 = tpu.memref_slice %arg9[%mul3A_14] : memref<12800xi32, #tpu.memory_space<vmem>> -> memref<128xi32, #tpu.memory_space<vmem>>
      %dma_start3A_19 = arith.constant 0 : i32
      %dma_start3A_20 = arith.constant 0 : i32
      %dma_start3A_21 = tpu.memref_slice %arg3[%dma_start3A_19, %dma_start3A_20] : memref<1000x32xf32, #tpu.memory_space<hbm>> -> memref<1000x32xf32, #tpu.memory_space<hbm>>
      tpu.enqueue_indirect_dma source(%dma_start3A_21 : memref<1000x32xf32, #tpu.memory_space<hbm>>) target(%arg18 : memref<128x32xf32, #tpu.memory_space<vmem>>) offsets(%dma_start3A_18 : memref<128xi32, #tpu.memory_space<vmem>>) semaphore(%arg26 : memref<!tpu.dma_semaphore, #tpu.memory_space<semaphore_mem>>)
      %add3A_22 = arith.constant 1 : i32
      %add3A_23 = arith.addi %mul3A_10, %add3A_22 : i32
      %mul3A_24 = arith.constant 128 : i32
      %mul3A_25 = arith.muli %add3A_23, %mul3A_24 : i32
      %dma_start3A_26 = tpu.memref_slice %arg8[%mul3A_25] : memref<12800xi32, #tpu.memory_space<vmem>> -> memref<128xi32, #tpu.memory_space<vmem>>
      %dma_start3A_27 = arith.constant 0 : i32
      %dma_start3A_28 = arith.constant 0 : i32
      %dma_start3A_29 = tpu.memref_slice %arg2[%dma_start3A_27, %dma_start3A_28] : memref<1000000x64xf32, #tpu.memory_space<hbm>> -> memref<1000000x64xf32, #tpu.memory_space<hbm>>
      tpu.enqueue_indirect_dma source(%dma_start3A_29 : memref<1000000x64xf32, #tpu.memory_space<hbm>>) target(%arg15 : memref<128x64xf32, #tpu.memory_space<vmem>>) offsets(%dma_start3A_26 : memref<128xi32, #tpu.memory_space<vmem>>) semaphore(%arg23 : memref<!tpu.dma_semaphore, #tpu.memory_space<semaphore_mem>>)
      %dma_start3A_30 = tpu.memref_slice %arg9[%mul3A_25] : memref<12800xi32, #tpu.memory_space<vmem>> -> memref<128xi32, #tpu.memory_space<vmem>>
      %dma_start3A_31 = arith.constant 0 : i32
      %dma_start3A_32 = arith.constant 0 : i32
      %dma_start3A_33 = tpu.memref_slice %arg3[%dma_start3A_31, %dma_start3A_32] : memref<1000x32xf32, #tpu.memory_space<hbm>> -> memref<1000x32xf32, #tpu.memory_space<hbm>>
      tpu.enqueue_indirect_dma source(%dma_start3A_33 : memref<1000x32xf32, #tpu.memory_space<hbm>>) target(%arg19 : memref<128x32xf32, #tpu.memory_space<vmem>>) offsets(%dma_start3A_30 : memref<128xi32, #tpu.memory_space<vmem>>) semaphore(%arg27 : memref<!tpu.dma_semaphore, #tpu.memory_space<semaphore_mem>>)
      %add3A_34 = arith.constant 2 : i32
      %add3A_35 = arith.addi %mul3A_10, %add3A_34 : i32
      %mul3A_36 = arith.constant 128 : i32
      %mul3A_37 = arith.muli %add3A_35, %mul3A_36 : i32
      %dma_start3A_38 = tpu.memref_slice %arg8[%mul3A_37] : memref<12800xi32, #tpu.memory_space<vmem>> -> memref<128xi32, #tpu.memory_space<vmem>>
      %dma_start3A_39 = arith.constant 0 : i32
      %dma_start3A_40 = arith.constant 0 : i32
      %dma_start3A_41 = tpu.memref_slice %arg2[%dma_start3A_39, %dma_start3A_40] : memref<1000000x64xf32, #tpu.memory_space<hbm>> -> memref<1000000x64xf32, #tpu.memory_space<hbm>>
      tpu.enqueue_indirect_dma source(%dma_start3A_41 : memref<1000000x64xf32, #tpu.memory_space<hbm>>) target(%arg16 : memref<128x64xf32, #tpu.memory_space<vmem>>) offsets(%dma_start3A_38 : memref<128xi32, #tpu.memory_space<vmem>>) semaphore(%arg24 : memref<!tpu.dma_semaphore, #tpu.memory_space<semaphore_mem>>)
      %dma_start3A_42 = tpu.memref_slice %arg9[%mul3A_37] : memref<12800xi32, #tpu.memory_space<vmem>> -> memref<128xi32, #tpu.memory_space<vmem>>
      %dma_start3A_43 = arith.constant 0 : i32
      %dma_start3A_44 = arith.constant 0 : i32
      %dma_start3A_45 = tpu.memref_slice %arg3[%dma_start3A_43, %dma_start3A_44] : memref<1000x32xf32, #tpu.memory_space<hbm>> -> memref<1000x32xf32, #tpu.memory_space<hbm>>
      tpu.enqueue_indirect_dma source(%dma_start3A_45 : memref<1000x32xf32, #tpu.memory_space<hbm>>) target(%arg20 : memref<128x32xf32, #tpu.memory_space<vmem>>) offsets(%dma_start3A_42 : memref<128xi32, #tpu.memory_space<vmem>>) semaphore(%arg28 : memref<!tpu.dma_semaphore, #tpu.memory_space<semaphore_mem>>)
      %add3A_46 = arith.constant 3 : i32
      %add3A_47 = arith.addi %mul3A_10, %add3A_46 : i32
      %mul3A_48 = arith.constant 128 : i32
      %mul3A_49 = arith.muli %add3A_47, %mul3A_48 : i32
      %dma_start3A_50 = tpu.memref_slice %arg8[%mul3A_49] : memref<12800xi32, #tpu.memory_space<vmem>> -> memref<128xi32, #tpu.memory_space<vmem>>
      %dma_start3A_51 = arith.constant 0 : i32
      %dma_start3A_52 = arith.constant 0 : i32
      %dma_start3A_53 = tpu.memref_slice %arg2[%dma_start3A_51, %dma_start3A_52] : memref<1000000x64xf32, #tpu.memory_space<hbm>> -> memref<1000000x64xf32, #tpu.memory_space<hbm>>
      tpu.enqueue_indirect_dma source(%dma_start3A_53 : memref<1000000x64xf32, #tpu.memory_space<hbm>>) target(%arg17 : memref<128x64xf32, #tpu.memory_space<vmem>>) offsets(%dma_start3A_50 : memref<128xi32, #tpu.memory_space<vmem>>) semaphore(%arg25 : memref<!tpu.dma_semaphore, #tpu.memory_space<semaphore_mem>>)
      %dma_start3A_54 = tpu.memref_slice %arg9[%mul3A_49] : memref<12800xi32, #tpu.memory_space<vmem>> -> memref<128xi32, #tpu.memory_space<vmem>>
      %dma_start3A_55 = arith.constant 0 : i32
      %dma_start3A_56 = arith.constant 0 : i32
      %dma_start3A_57 = tpu.memref_slice %arg3[%dma_start3A_55, %dma_start3A_56] : memref<1000x32xf32, #tpu.memory_space<hbm>> -> memref<1000x32xf32, #tpu.memory_space<hbm>>
      tpu.enqueue_indirect_dma source(%dma_start3A_57 : memref<1000x32xf32, #tpu.memory_space<hbm>>) target(%arg21 : memref<128x32xf32, #tpu.memory_space<vmem>>) offsets(%dma_start3A_54 : memref<128xi32, #tpu.memory_space<vmem>>) semaphore(%arg29 : memref<!tpu.dma_semaphore, #tpu.memory_space<semaphore_mem>>)
      %add3A_58 = arith.constant 0 : i32
      %add3A_59 = arith.addi %mul3A_10, %add3A_58 : i32
      %mul3A_60 = arith.constant 128 : i32
      %mul3A_61 = arith.muli %add3A_59, %mul3A_60 : i32
      %add3A_62 = arith.addi %mul3A_2, %mul3A_61 : i32
      %add3A_63 = arith.constant 0 : i32
      %add3A_64 = arith.addi %mul3A_61, %add3A_63 : i32
      %get3A = arith.index_cast %add3A_64 : i32 to index
      %get3A_65 = tpu.vector_load %arg8[%get3A] {strides = array<i32>} : memref<12800xi32, #tpu.memory_space<vmem>>, vector<16xi32>,
      %get3A_66 = vector.shape_cast %get3A_65 : vector<16xi32> to vector<16xi32>
      %eq3A = arith.constant 0 : i32
      %eq3A_67 = vector.broadcast %eq3A : i32 to vector<16xi32>
      %eq3A_68 = arith.cmpi eq, %get3A_66, %eq3A_67 : vector<16xi32>
      %broadcast_in_dim3A = arith.constant 0 : i32
      %broadcast_in_dim3A_69 = vector.broadcast %broadcast_in_dim3A : i32 to vector<16xi32>
      %broadcast_in_dim3A_70 = arith.constant -1 : i32
      %broadcast_in_dim3A_71 = vector.broadcast %broadcast_in_dim3A_70 : i32 to vector<16xi32>
      %select_n3A = arith.select %eq3A_68, %broadcast_in_dim3A_69, %broadcast_in_dim3A_71 : vector<16xi1>, vector<16xi32>
      %swap3A = arith.constant 0 : index
      %swap3A_72 = tpu.vector_load %arg10[%swap3A] {strides = array<i32>} : memref<128xi32, #tpu.memory_space<vmem>>, vector<16xi32>,
      %swap3A_73 = vector.shape_cast %swap3A_72 : vector<16xi32> to vector<16xi32>
      %swap3A_74 = vector.shape_cast %select_n3A : vector<16xi32> to vector<16xi32>
      tpu.vector_store %arg10[%swap3A], %swap3A_74 {strides = array<i32>} : memref<128xi32, #tpu.memory_space<vmem>>, vector<16xi32>,
      %add3A_75 = arith.constant 16 : i32
      %add3A_76 = arith.addi %mul3A_61, %add3A_75 : i32
      %get3A_77 = arith.index_cast %add3A_76 : i32 to index
      %get3A_78 = tpu.vector_load %arg8[%get3A_77] {strides = array<i32>} : memref<12800xi32, #tpu.memory_space<vmem>>, vector<16xi32>,
      %get3A_79 = vector.shape_cast %get3A_78 : vector<16xi32> to vector<16xi32>
      %eq3A_80 = arith.constant 0 : i32
      %eq3A_81 = vector.broadcast %eq3A_80 : i32 to vector<16xi32>
      %eq3A_82 = arith.cmpi eq, %get3A_79, %eq3A_81 : vector<16xi32>
      %broadcast_in_dim3A_83 = arith.constant 0 : i32
      %broadcast_in_dim3A_84 = vector.broadcast %broadcast_in_dim3A_83 : i32 to vector<16xi32>
      %broadcast_in_dim3A_85 = arith.constant -1 : i32
      %broadcast_in_dim3A_86 = vector.broadcast %broadcast_in_dim3A_85 : i32 to vector<16xi32>
      %select_n3A_87 = arith.select %eq3A_82, %broadcast_in_dim3A_84, %broadcast_in_dim3A_86 : vector<16xi1>, vector<16xi32>
      %swap3A_88 = arith.constant 16 : index
      %swap3A_89 = tpu.vector_load %arg10[%swap3A_88] {strides = array<i32>} : memref<128xi32, #tpu.memory_space<vmem>>, vector<16xi32>,
      %swap3A_90 = vector.shape_cast %swap3A_89 : vector<16xi32> to vector<16xi32>
      %swap3A_91 = vector.shape_cast %select_n3A_87 : vector<16xi32> to vector<16xi32>
      tpu.vector_store %arg10[%swap3A_88], %swap3A_91 {strides = array<i32>} : memref<128xi32, #tpu.memory_space<vmem>>, vector<16xi32>,
      %add3A_92 = arith.constant 32 : i32
      %add3A_93 = arith.addi %mul3A_61, %add3A_92 : i32
      %get3A_94 = arith.index_cast %add3A_93 : i32 to index
      %get3A_95 = tpu.vector_load %arg8[%get3A_94] {strides = array<i32>} : memref<12800xi32, #tpu.memory_space<vmem>>, vector<16xi32>,
      %get3A_96 = vector.shape_cast %get3A_95 : vector<16xi32> to vector<16xi32>
      %eq3A_97 = arith.constant 0 : i32
      %eq3A_98 = vector.broadcast %eq3A_97 : i32 to vector<16xi32>
      %eq3A_99 = arith.cmpi eq, %get3A_96, %eq3A_98 : vector<16xi32>
      %broadcast_in_dim3A_100 = arith.constant 0 : i32
      %broadcast_in_dim3A_101 = vector.broadcast %broadcast_in_dim3A_100 : i32 to vector<16xi32>
      %broadcast_in_dim3A_102 = arith.constant -1 : i32
      %broadcast_in_dim3A_103 = vector.broadcast %broadcast_in_dim3A_102 : i32 to vector<16xi32>
      %select_n3A_104 = arith.select %eq3A_99, %broadcast_in_dim3A_101, %broadcast_in_dim3A_103 : vector<16xi1>, vector<16xi32>
      %swap3A_105 = arith.constant 32 : index
      %swap3A_106 = tpu.vector_load %arg10[%swap3A_105] {strides = array<i32>} : memref<128xi32, #tpu.memory_space<vmem>>, vector<16xi32>,
      %swap3A_107 = vector.shape_cast %swap3A_106 : vector<16xi32> to vector<16xi32>
      %swap3A_108 = vector.shape_cast %select_n3A_104 : vector<16xi32> to vector<16xi32>
      tpu.vector_store %arg10[%swap3A_105], %swap3A_108 {strides = array<i32>} : memref<128xi32, #tpu.memory_space<vmem>>, vector<16xi32>,
      %add3A_109 = arith.constant 48 : i32
      %add3A_110 = arith.addi %mul3A_61, %add3A_109 : i32
      %get3A_111 = arith.index_cast %add3A_110 : i32 to index
      %get3A_112 = tpu.vector_load %arg8[%get3A_111] {strides = array<i32>} : memref<12800xi32, #tpu.memory_space<vmem>>, vector<16xi32>,
      %get3A_113 = vector.shape_cast %get3A_112 : vector<16xi32> to vector<16xi32>
      %eq3A_114 = arith.constant 0 : i32
      %eq3A_115 = vector.broadcast %eq3A_114 : i32 to vector<16xi32>
      %eq3A_116 = arith.cmpi eq, %get3A_113, %eq3A_115 : vector<16xi32>
      %broadcast_in_dim3A_117 = arith.constant 0 : i32
      %broadcast_in_dim3A_118 = vector.broadcast %broadcast_in_dim3A_117 : i32 to vector<16xi32>
      %broadcast_in_dim3A_119 = arith.constant -1 : i32
      %broadcast_in_dim3A_120 = vector.broadcast %broadcast_in_dim3A_119 : i32 to vector<16xi32>
      %select_n3A_121 = arith.select %eq3A_116, %broadcast_in_dim3A_118, %broadcast_in_dim3A_120 : vector<16xi1>, vector<16xi32>
      %swap3A_122 = arith.constant 48 : index
      %swap3A_123 = tpu.vector_load %arg10[%swap3A_122] {strides = array<i32>} : memref<128xi32, #tpu.memory_space<vmem>>, vector<16xi32>,
      %swap3A_124 = vector.shape_cast %swap3A_123 : vector<16xi32> to vector<16xi32>
      %swap3A_125 = vector.shape_cast %select_n3A_121 : vector<16xi32> to vector<16xi32>
      tpu.vector_store %arg10[%swap3A_122], %swap3A_125 {strides = array<i32>} : memref<128xi32, #tpu.memory_space<vmem>>, vector<16xi32>,
      %add3A_126 = arith.constant 64 : i32
      %add3A_127 = arith.addi %mul3A_61, %add3A_126 : i32
      %get3A_128 = arith.index_cast %add3A_127 : i32 to index
      %get3A_129 = tpu.vector_load %arg8[%get3A_128] {strides = array<i32>} : memref<12800xi32, #tpu.memory_space<vmem>>, vector<16xi32>,
      %get3A_130 = vector.shape_cast %get3A_129 : vector<16xi32> to vector<16xi32>
      %eq3A_131 = arith.constant 0 : i32
      %eq3A_132 = vector.broadcast %eq3A_131 : i32 to vector<16xi32>
      %eq3A_133 = arith.cmpi eq, %get3A_130, %eq3A_132 : vector<16xi32>
      %broadcast_in_dim3A_134 = arith.constant 0 : i32
      %broadcast_in_dim3A_135 = vector.broadcast %broadcast_in_dim3A_134 : i32 to vector<16xi32>
      %broadcast_in_dim3A_136 = arith.constant -1 : i32
      %broadcast_in_dim3A_137 = vector.broadcast %broadcast_in_dim3A_136 : i32 to vector<16xi32>
      %select_n3A_138 = arith.select %eq3A_133, %broadcast_in_dim3A_135, %broadcast_in_dim3A_137 : vector<16xi1>, vector<16xi32>
      %swap3A_139 = arith.constant 64 : index
      %swap3A_140 = tpu.vector_load %arg10[%swap3A_139] {strides = array<i32>} : memref<128xi32, #tpu.memory_space<vmem>>, vector<16xi32>,
      %swap3A_141 = vector.shape_cast %swap3A_140 : vector<16xi32> to vector<16xi32>
      %swap3A_142 = vector.shape_cast %select_n3A_138 : vector<16xi32> to vector<16xi32>
      tpu.vector_store %arg10[%swap3A_139], %swap3A_142 {strides = array<i32>} : memref<128xi32, #tpu.memory_space<vmem>>, vector<16xi32>,
      %add3A_143 = arith.constant 80 : i32
      %add3A_144 = arith.addi %mul3A_61, %add3A_143 : i32
      %get3A_145 = arith.index_cast %add3A_144 : i32 to index
      %get3A_146 = tpu.vector_load %arg8[%get3A_145] {strides = array<i32>} : memref<12800xi32, #tpu.memory_space<vmem>>, vector<16xi32>,
      %get3A_147 = vector.shape_cast %get3A_146 : vector<16xi32> to vector<16xi32>
      %eq3A_148 = arith.constant 0 : i32
      %eq3A_149 = vector.broadcast %eq3A_148 : i32 to vector<16xi32>
      %eq3A_150 = arith.cmpi eq, %get3A_147, %eq3A_149 : vector<16xi32>
      %broadcast_in_dim3A_151 = arith.constant 0 : i32
      %broadcast_in_dim3A_152 = vector.broadcast %broadcast_in_dim3A_151 : i32 to vector<16xi32>
      %broadcast_in_dim3A_153 = arith.constant -1 : i32
      %broadcast_in_dim3A_154 = vector.broadcast %broadcast_in_dim3A_153 : i32 to vector<16xi32>
      %select_n3A_155 = arith.select %eq3A_150, %broadcast_in_dim3A_152, %broadcast_in_dim3A_154 : vector<16xi1>, vector<16xi32>
      %swap3A_156 = arith.constant 80 : index
      %swap3A_157 = tpu.vector_load %arg10[%swap3A_156] {strides = array<i32>} : memref<128xi32, #tpu.memory_space<vmem>>, vector<16xi32>,
      %swap3A_158 = vector.shape_cast %swap3A_157 : vector<16xi32> to vector<16xi32>
      %swap3A_159 = vector.shape_cast %select_n3A_155 : vector<16xi32> to vector<16xi32>
      tpu.vector_store %arg10[%swap3A_156], %swap3A_159 {strides = array<i32>} : memref<128xi32, #tpu.memory_space<vmem>>, vector<16xi32>,
      %add3A_160 = arith.constant 96 : i32
      %add3A_161 = arith.addi %mul3A_61, %add3A_160 : i32
      %get3A_162 = arith.index_cast %add3A_161 : i32 to index
      %get3A_163 = tpu.vector_load %arg8[%get3A_162] {strides = array<i32>} : memref<12800xi32, #tpu.memory_space<vmem>>, vector<16xi32>,
      %get3A_164 = vector.shape_cast %get3A_163 : vector<16xi32> to vector<16xi32>
      %eq3A_165 = arith.constant 0 : i32
      %eq3A_166 = vector.broadcast %eq3A_165 : i32 to vector<16xi32>
      %eq3A_167 = arith.cmpi eq, %get3A_164, %eq3A_166 : vector<16xi32>
      %broadcast_in_dim3A_168 = arith.constant 0 : i32
      %broadcast_in_dim3A_169 = vector.broadcast %broadcast_in_dim3A_168 : i32 to vector<16xi32>
      %broadcast_in_dim3A_170 = arith.constant -1 : i32
      %broadcast_in_dim3A_171 = vector.broadcast %broadcast_in_dim3A_170 : i32 to vector<16xi32>
      %select_n3A_172 = arith.select %eq3A_167, %broadcast_in_dim3A_169, %broadcast_in_dim3A_171 : vector<16xi1>, vector<16xi32>
      %swap3A_173 = arith.constant 96 : index
      %swap3A_174 = tpu.vector_load %arg10[%swap3A_173] {strides = array<i32>} : memref<128xi32, #tpu.memory_space<vmem>>, vector<16xi32>,
      %swap3A_175 = vector.shape_cast %swap3A_174 : vector<16xi32> to vector<16xi32>
      %swap3A_176 = vector.shape_cast %select_n3A_172 : vector<16xi32> to vector<16xi32>
      tpu.vector_store %arg10[%swap3A_173], %swap3A_176 {strides = array<i32>} : memref<128xi32, #tpu.memory_space<vmem>>, vector<16xi32>,
      %add3A_177 = arith.constant 112 : i32
      %add3A_178 = arith.addi %mul3A_61, %add3A_177 : i32
      %get3A_179 = arith.index_cast %add3A_178 : i32 to index
      %get3A_180 = tpu.vector_load %arg8[%get3A_179] {strides = array<i32>} : memref<12800xi32, #tpu.memory_space<vmem>>, vector<16xi32>,
      %get3A_181 = vector.shape_cast %get3A_180 : vector<16xi32> to vector<16xi32>
      %eq3A_182 = arith.constant 0 : i32
      %eq3A_183 = vector.broadcast %eq3A_182 : i32 to vector<16xi32>
      %eq3A_184 = arith.cmpi eq, %get3A_181, %eq3A_183 : vector<16xi32>
      %broadcast_in_dim3A_185 = arith.constant 0 : i32
      %broadcast_in_dim3A_186 = vector.broadcast %broadcast_in_dim3A_185 : i32 to vector<16xi32>
      %broadcast_in_dim3A_187 = arith.constant -1 : i32
      %broadcast_in_dim3A_188 = vector.broadcast %broadcast_in_dim3A_187 : i32 to vector<16xi32>
      %select_n3A_189 = arith.select %eq3A_184, %broadcast_in_dim3A_186, %broadcast_in_dim3A_188 : vector<16xi1>, vector<16xi32>
      %swap3A_190 = arith.constant 112 : index
      %swap3A_191 = tpu.vector_load %arg10[%swap3A_190] {strides = array<i32>} : memref<128xi32, #tpu.memory_space<vmem>>, vector<16xi32>,
      %swap3A_192 = vector.shape_cast %swap3A_191 : vector<16xi32> to vector<16xi32>
      %swap3A_193 = vector.shape_cast %select_n3A_189 : vector<16xi32> to vector<16xi32>
      tpu.vector_store %arg10[%swap3A_190], %swap3A_193 {strides = array<i32>} : memref<128xi32, #tpu.memory_space<vmem>>, vector<16xi32>,
      %dma_wait3A = tpu.memref_slice %arg8[%mul3A_14] : memref<12800xi32, #tpu.memory_space<vmem>> -> memref<128xi32, #tpu.memory_space<vmem>>
      %dma_wait3A_194 = arith.constant 0 : i32
      %dma_wait3A_195 = arith.constant 0 : i32
      %dma_wait3A_196 = tpu.memref_slice %arg2[%dma_wait3A_194, %dma_wait3A_195] : memref<1000000x64xf32, #tpu.memory_space<hbm>> -> memref<1000000x64xf32, #tpu.memory_space<hbm>>
      tpu.wait_indirect_dma semaphore(%arg22 : memref<!tpu.dma_semaphore, #tpu.memory_space<semaphore_mem>>) src(%dma_wait3A_196 : memref<1000000x64xf32, #tpu.memory_space<hbm>>) dst(%arg14 : memref<128x64xf32, #tpu.memory_space<vmem>>)
      %dma_start3A_197 = arith.constant 0 : i32
      %dma_start3A_198 = arith.constant 0 : i32
      %dma_start3A_199 = tpu.memref_slice %arg6[%dma_start3A_197, %dma_start3A_198] : memref<8x64xf32, #tpu.memory_space<hbm>> -> memref<8x64xf32, #tpu.memory_space<hbm>>
      %dma_start3A_200 = arith.constant -1 : i32
      tpu.enqueue_indirect_dma source(%dma_start3A_199 : memref<8x64xf32, #tpu.memory_space<hbm>>) target(%arg14 : memref<128x64xf32, #tpu.memory_space<vmem>>) offsets(%arg10 : memref<128xi32, #tpu.memory_space<vmem>>) offset_filter(%dma_start3A_200) semaphore(%arg30 : memref<!tpu.dma_semaphore, #tpu.memory_space<semaphore_mem>>)
      %dma_wait3A_201 = arith.constant 0 : i32
      %dma_wait3A_202 = arith.constant 0 : i32
      %dma_wait3A_203 = tpu.memref_slice %arg6[%dma_wait3A_201, %dma_wait3A_202] : memref<8x64xf32, #tpu.memory_space<hbm>> -> memref<8x64xf32, #tpu.memory_space<hbm>>
      tpu.wait_indirect_dma semaphore(%arg30 : memref<!tpu.dma_semaphore, #tpu.memory_space<semaphore_mem>>) src(%dma_wait3A_203 : memref<8x64xf32, #tpu.memory_space<hbm>>) dst(%arg14 : memref<128x64xf32, #tpu.memory_space<vmem>>)
      %dma_wait3A_204 = tpu.memref_slice %arg9[%mul3A_14] : memref<12800xi32, #tpu.memory_space<vmem>> -> memref<128xi32, #tpu.memory_space<vmem>>
      %dma_wait3A_205 = arith.constant 0 : i32
      %dma_wait3A_206 = arith.constant 0 : i32
      %dma_wait3A_207 = tpu.memref_slice %arg3[%dma_wait3A_205, %dma_wait3A_206] : memref<1000x32xf32, #tpu.memory_space<hbm>> -> memref<1000x32xf32, #tpu.memory_space<hbm>>
      tpu.wait_indirect_dma semaphore(%arg26 : memref<!tpu.dma_semaphore, #tpu.memory_space<semaphore_mem>>) src(%dma_wait3A_207 : memref<1000x32xf32, #tpu.memory_space<hbm>>) dst(%arg18 : memref<128x32xf32, #tpu.memory_space<vmem>>)
      "tpu.region"() ({
        %run_scoped3A = tpu.sem_alloc : memref<!tpu.dma_semaphore, #tpu.memory_space<semaphore_mem>>
        %dma_start3A_676 = arith.constant 0 : i32
        %dma_start3A_677 = tpu.memref_slice %arg7[%add3A_62, %dma_start3A_676] : memref<409600x128xf32, #tpu.memory_space<hbm>> -> memref<128x64xf32, #tpu.memory_space<hbm>>
        %dma_start3A_678 = arith.constant 0 : i32
        %dma_start3A_679 = tpu.memref_slice %arg7[%add3A_62, %dma_start3A_678] : memref<409600x128xf32, #tpu.memory_space<hbm>> -> memref<128x64xf32, #tpu.memory_space<hbm>>
        tpu.enqueue_dma source(%arg14 : memref<128x64xf32, #tpu.memory_space<vmem>>) target(%dma_start3A_679 : memref<128x64xf32, #tpu.memory_space<hbm>>) target_semaphore(%run_scoped3A : memref<!tpu.dma_semaphore, #tpu.memory_space<semaphore_mem>>)
        %dma_wait3A_680 = arith.constant 0 : i32
        %dma_wait3A_681 = tpu.memref_slice %arg7[%add3A_62, %dma_wait3A_680] : memref<409600x128xf32, #tpu.memory_space<hbm>> -> memref<128x64xf32, #tpu.memory_space<hbm>>
        %dma_wait3A_682 = arith.constant 0 : i32
        %dma_wait3A_683 = tpu.memref_slice %arg7[%add3A_62, %dma_wait3A_682] : memref<409600x128xf32, #tpu.memory_space<hbm>> -> memref<128x64xf32, #tpu.memory_space<hbm>>
        tpu.wait_dma2 semaphore(%run_scoped3A : memref<!tpu.dma_semaphore, #tpu.memory_space<semaphore_mem>>) src(%arg14 : memref<128x64xf32, #tpu.memory_space<vmem>>) dst(%dma_wait3A_683 : memref<128x64xf32, #tpu.memory_space<hbm>>)
        tpu.yield
      }) : () -> ()
      "tpu.region"() ({
        %run_scoped3A = tpu.sem_alloc : memref<!tpu.dma_semaphore, #tpu.memory_space<semaphore_mem>>
        %dma_start3A_676 = arith.constant 64 : i32
        %dma_start3A_677 = tpu.memref_slice %arg7[%add3A_62, %dma_start3A_676] : memref<409600x128xf32, #tpu.memory_space<hbm>> -> memref<128x32xf32, #tpu.memory_space<hbm>>
        %dma_start3A_678 = arith.constant 64 : i32
        %dma_start3A_679 = tpu.memref_slice %arg7[%add3A_62, %dma_start3A_678] : memref<409600x128xf32, #tpu.memory_space<hbm>> -> memref<128x32xf32, #tpu.memory_space<hbm>>
        tpu.enqueue_dma source(%arg18 : memref<128x32xf32, #tpu.memory_space<vmem>>) target(%dma_start3A_679 : memref<128x32xf32, #tpu.memory_space<hbm>>) target_semaphore(%run_scoped3A : memref<!tpu.dma_semaphore, #tpu.memory_space<semaphore_mem>>)
        %dma_wait3A_680 = arith.constant 64 : i32
        %dma_wait3A_681 = tpu.memref_slice %arg7[%add3A_62, %dma_wait3A_680] : memref<409600x128xf32, #tpu.memory_space<hbm>> -> memref<128x32xf32, #tpu.memory_space<hbm>>
        %dma_wait3A_682 = arith.constant 64 : i32
        %dma_wait3A_683 = tpu.memref_slice %arg7[%add3A_62, %dma_wait3A_682] : memref<409600x128xf32, #tpu.memory_space<hbm>> -> memref<128x32xf32, #tpu.memory_space<hbm>>
        tpu.wait_dma2 semaphore(%run_scoped3A : memref<!tpu.dma_semaphore, #tpu.memory_space<semaphore_mem>>) src(%arg18 : memref<128x32xf32, #tpu.memory_space<vmem>>) dst(%dma_wait3A_683 : memref<128x32xf32, #tpu.memory_space<hbm>>)
        tpu.yield
      }) : () -> ()
      %add3A_208 = arith.constant 1 : i32
      %add3A_209 = arith.addi %mul3A_10, %add3A_208 : i32
      %mul3A_210 = arith.constant 128 : i32
      %mul3A_211 = arith.muli %add3A_209, %mul3A_210 : i32
      %add3A_212 = arith.addi %mul3A_2, %mul3A_211 : i32
      %add3A_213 = arith.constant 0 : i32
      %add3A_214 = arith.addi %mul3A_211, %add3A_213 : i32
      %get3A_215 = arith.index_cast %add3A_214 : i32 to index
      %get3A_216 = tpu.vector_load %arg8[%get3A_215] {strides = array<i32>} : memref<12800xi32, #tpu.memory_space<vmem>>, vector<16xi32>,
      %get3A_217 = vector.shape_cast %get3A_216 : vector<16xi32> to vector<16xi32>
      %eq3A_218 = arith.constant 0 : i32
      %eq3A_219 = vector.broadcast %eq3A_218 : i32 to vector<16xi32>
      %eq3A_220 = arith.cmpi eq, %get3A_217, %eq3A_219 : vector<16xi32>
      %broadcast_in_dim3A_221 = arith.constant 0 : i32
      %broadcast_in_dim3A_222 = vector.broadcast %broadcast_in_dim3A_221 : i32 to vector<16xi32>
      %broadcast_in_dim3A_223 = arith.constant -1 : i32
      %broadcast_in_dim3A_224 = vector.broadcast %broadcast_in_dim3A_223 : i32 to vector<16xi32>
      %select_n3A_225 = arith.select %eq3A_220, %broadcast_in_dim3A_222, %broadcast_in_dim3A_224 : vector<16xi1>, vector<16xi32>
      %swap3A_226 = arith.constant 0 : index
      %swap3A_227 = tpu.vector_load %arg11[%swap3A_226] {strides = array<i32>} : memref<128xi32, #tpu.memory_space<vmem>>, vector<16xi32>,
      %swap3A_228 = vector.shape_cast %swap3A_227 : vector<16xi32> to vector<16xi32>
      %swap3A_229 = vector.shape_cast %select_n3A_225 : vector<16xi32> to vector<16xi32>
      tpu.vector_store %arg11[%swap3A_226], %swap3A_229 {strides = array<i32>} : memref<128xi32, #tpu.memory_space<vmem>>, vector<16xi32>,
      %add3A_230 = arith.constant 16 : i32
      %add3A_231 = arith.addi %mul3A_211, %add3A_230 : i32
      %get3A_232 = arith.index_cast %add3A_231 : i32 to index
      %get3A_233 = tpu.vector_load %arg8[%get3A_232] {strides = array<i32>} : memref<12800xi32, #tpu.memory_space<vmem>>, vector<16xi32>,
      %get3A_234 = vector.shape_cast %get3A_233 : vector<16xi32> to vector<16xi32>
      %eq3A_235 = arith.constant 0 : i32
      %eq3A_236 = vector.broadcast %eq3A_235 : i32 to vector<16xi32>
      %eq3A_237 = arith.cmpi eq, %get3A_234, %eq3A_236 : vector<16xi32>
      %broadcast_in_dim3A_238 = arith.constant 0 : i32
      %broadcast_in_dim3A_239 = vector.broadcast %broadcast_in_dim3A_238 : i32 to vector<16xi32>
      %broadcast_in_dim3A_240 = arith.constant -1 : i32
      %broadcast_in_dim3A_241 = vector.broadcast %broadcast_in_dim3A_240 : i32 to vector<16xi32>
      %select_n3A_242 = arith.select %eq3A_237, %broadcast_in_dim3A_239, %broadcast_in_dim3A_241 : vector<16xi1>, vector<16xi32>
      %swap3A_243 = arith.constant 16 : index
      %swap3A_244 = tpu.vector_load %arg11[%swap3A_243] {strides = array<i32>} : memref<128xi32, #tpu.memory_space<vmem>>, vector<16xi32>,
      %swap3A_245 = vector.shape_cast %swap3A_244 : vector<16xi32> to vector<16xi32>
      %swap3A_246 = vector.shape_cast %select_n3A_242 : vector<16xi32> to vector<16xi32>
      tpu.vector_store %arg11[%swap3A_243], %swap3A_246 {strides = array<i32>} : memref<128xi32, #tpu.memory_space<vmem>>, vector<16xi32>,
      %add3A_247 = arith.constant 32 : i32
      %add3A_248 = arith.addi %mul3A_211, %add3A_247 : i32
      %get3A_249 = arith.index_cast %add3A_248 : i32 to index
      %get3A_250 = tpu.vector_load %arg8[%get3A_249] {strides = array<i32>} : memref<12800xi32, #tpu.memory_space<vmem>>, vector<16xi32>,
      %get3A_251 = vector.shape_cast %get3A_250 : vector<16xi32> to vector<16xi32>
      %eq3A_252 = arith.constant 0 : i32
      %eq3A_253 = vector.broadcast %eq3A_252 : i32 to vector<16xi32>
      %eq3A_254 = arith.cmpi eq, %get3A_251, %eq3A_253 : vector<16xi32>
      %broadcast_in_dim3A_255 = arith.constant 0 : i32
      %broadcast_in_dim3A_256 = vector.broadcast %broadcast_in_dim3A_255 : i32 to vector<16xi32>
      %broadcast_in_dim3A_257 = arith.constant -1 : i32
      %broadcast_in_dim3A_258 = vector.broadcast %broadcast_in_dim3A_257 : i32 to vector<16xi32>
      %select_n3A_259 = arith.select %eq3A_254, %broadcast_in_dim3A_256, %broadcast_in_dim3A_258 : vector<16xi1>, vector<16xi32>
      %swap3A_260 = arith.constant 32 : index
      %swap3A_261 = tpu.vector_load %arg11[%swap3A_260] {strides = array<i32>} : memref<128xi32, #tpu.memory_space<vmem>>, vector<16xi32>,
      %swap3A_262 = vector.shape_cast %swap3A_261 : vector<16xi32> to vector<16xi32>
      %swap3A_263 = vector.shape_cast %select_n3A_259 : vector<16xi32> to vector<16xi32>
      tpu.vector_store %arg11[%swap3A_260], %swap3A_263 {strides = array<i32>} : memref<128xi32, #tpu.memory_space<vmem>>, vector<16xi32>,
      %add3A_264 = arith.constant 48 : i32
      %add3A_265 = arith.addi %mul3A_211, %add3A_264 : i32
      %get3A_266 = arith.index_cast %add3A_265 : i32 to index
      %get3A_267 = tpu.vector_load %arg8[%get3A_266] {strides = array<i32>} : memref<12800xi32, #tpu.memory_space<vmem>>, vector<16xi32>,
      %get3A_268 = vector.shape_cast %get3A_267 : vector<16xi32> to vector<16xi32>
      %eq3A_269 = arith.constant 0 : i32
      %eq3A_270 = vector.broadcast %eq3A_269 : i32 to vector<16xi32>
      %eq3A_271 = arith.cmpi eq, %get3A_268, %eq3A_270 : vector<16xi32>
      %broadcast_in_dim3A_272 = arith.constant 0 : i32
      %broadcast_in_dim3A_273 = vector.broadcast %broadcast_in_dim3A_272 : i32 to vector<16xi32>
      %broadcast_in_dim3A_274 = arith.constant -1 : i32
      %broadcast_in_dim3A_275 = vector.broadcast %broadcast_in_dim3A_274 : i32 to vector<16xi32>
      %select_n3A_276 = arith.select %eq3A_271, %broadcast_in_dim3A_273, %broadcast_in_dim3A_275 : vector<16xi1>, vector<16xi32>
      %swap3A_277 = arith.constant 48 : index
      %swap3A_278 = tpu.vector_load %arg11[%swap3A_277] {strides = array<i32>} : memref<128xi32, #tpu.memory_space<vmem>>, vector<16xi32>,
      %swap3A_279 = vector.shape_cast %swap3A_278 : vector<16xi32> to vector<16xi32>
      %swap3A_280 = vector.shape_cast %select_n3A_276 : vector<16xi32> to vector<16xi32>
      tpu.vector_store %arg11[%swap3A_277], %swap3A_280 {strides = array<i32>} : memref<128xi32, #tpu.memory_space<vmem>>, vector<16xi32>,
      %add3A_281 = arith.constant 64 : i32
      %add3A_282 = arith.addi %mul3A_211, %add3A_281 : i32
      %get3A_283 = arith.index_cast %add3A_282 : i32 to index
      %get3A_284 = tpu.vector_load %arg8[%get3A_283] {strides = array<i32>} : memref<12800xi32, #tpu.memory_space<vmem>>, vector<16xi32>,
      %get3A_285 = vector.shape_cast %get3A_284 : vector<16xi32> to vector<16xi32>
      %eq3A_286 = arith.constant 0 : i32
      %eq3A_287 = vector.broadcast %eq3A_286 : i32 to vector<16xi32>
      %eq3A_288 = arith.cmpi eq, %get3A_285, %eq3A_287 : vector<16xi32>
      %broadcast_in_dim3A_289 = arith.constant 0 : i32
      %broadcast_in_dim3A_290 = vector.broadcast %broadcast_in_dim3A_289 : i32 to vector<16xi32>
      %broadcast_in_dim3A_291 = arith.constant -1 : i32
      %broadcast_in_dim3A_292 = vector.broadcast %broadcast_in_dim3A_291 : i32 to vector<16xi32>
      %select_n3A_293 = arith.select %eq3A_288, %broadcast_in_dim3A_290, %broadcast_in_dim3A_292 : vector<16xi1>, vector<16xi32>
      %swap3A_294 = arith.constant 64 : index
      %swap3A_295 = tpu.vector_load %arg11[%swap3A_294] {strides = array<i32>} : memref<128xi32, #tpu.memory_space<vmem>>, vector<16xi32>,
      %swap3A_296 = vector.shape_cast %swap3A_295 : vector<16xi32> to vector<16xi32>
      %swap3A_297 = vector.shape_cast %select_n3A_293 : vector<16xi32> to vector<16xi32>
      tpu.vector_store %arg11[%swap3A_294], %swap3A_297 {strides = array<i32>} : memref<128xi32, #tpu.memory_space<vmem>>, vector<16xi32>,
      %add3A_298 = arith.constant 80 : i32
      %add3A_299 = arith.addi %mul3A_211, %add3A_298 : i32
      %get3A_300 = arith.index_cast %add3A_299 : i32 to index
      %get3A_301 = tpu.vector_load %arg8[%get3A_300] {strides = array<i32>} : memref<12800xi32, #tpu.memory_space<vmem>>, vector<16xi32>,
      %get3A_302 = vector.shape_cast %get3A_301 : vector<16xi32> to vector<16xi32>
      %eq3A_303 = arith.constant 0 : i32
      %eq3A_304 = vector.broadcast %eq3A_303 : i32 to vector<16xi32>
      %eq3A_305 = arith.cmpi eq, %get3A_302, %eq3A_304 : vector<16xi32>
      %broadcast_in_dim3A_306 = arith.constant 0 : i32
      %broadcast_in_dim3A_307 = vector.broadcast %broadcast_in_dim3A_306 : i32 to vector<16xi32>
      %broadcast_in_dim3A_308 = arith.constant -1 : i32
      %broadcast_in_dim3A_309 = vector.broadcast %broadcast_in_dim3A_308 : i32 to vector<16xi32>
      %select_n3A_310 = arith.select %eq3A_305, %broadcast_in_dim3A_307, %broadcast_in_dim3A_309 : vector<16xi1>, vector<16xi32>
      %swap3A_311 = arith.constant 80 : index
      %swap3A_312 = tpu.vector_load %arg11[%swap3A_311] {strides = array<i32>} : memref<128xi32, #tpu.memory_space<vmem>>, vector<16xi32>,
      %swap3A_313 = vector.shape_cast %swap3A_312 : vector<16xi32> to vector<16xi32>
      %swap3A_314 = vector.shape_cast %select_n3A_310 : vector<16xi32> to vector<16xi32>
      tpu.vector_store %arg11[%swap3A_311], %swap3A_314 {strides = array<i32>} : memref<128xi32, #tpu.memory_space<vmem>>, vector<16xi32>,
      %add3A_315 = arith.constant 96 : i32
      %add3A_316 = arith.addi %mul3A_211, %add3A_315 : i32
      %get3A_317 = arith.index_cast %add3A_316 : i32 to index
      %get3A_318 = tpu.vector_load %arg8[%get3A_317] {strides = array<i32>} : memref<12800xi32, #tpu.memory_space<vmem>>, vector<16xi32>,
      %get3A_319 = vector.shape_cast %get3A_318 : vector<16xi32> to vector<16xi32>
      %eq3A_320 = arith.constant 0 : i32
      %eq3A_321 = vector.broadcast %eq3A_320 : i32 to vector<16xi32>
      %eq3A_322 = arith.cmpi eq, %get3A_319, %eq3A_321 : vector<16xi32>
      %broadcast_in_dim3A_323 = arith.constant 0 : i32
      %broadcast_in_dim3A_324 = vector.broadcast %broadcast_in_dim3A_323 : i32 to vector<16xi32>
      %broadcast_in_dim3A_325 = arith.constant -1 : i32
      %broadcast_in_dim3A_326 = vector.broadcast %broadcast_in_dim3A_325 : i32 to vector<16xi32>
      %select_n3A_327 = arith.select %eq3A_322, %broadcast_in_dim3A_324, %broadcast_in_dim3A_326 : vector<16xi1>, vector<16xi32>
      %swap3A_328 = arith.constant 96 : index
      %swap3A_329 = tpu.vector_load %arg11[%swap3A_328] {strides = array<i32>} : memref<128xi32, #tpu.memory_space<vmem>>, vector<16xi32>,
      %swap3A_330 = vector.shape_cast %swap3A_329 : vector<16xi32> to vector<16xi32>
      %swap3A_331 = vector.shape_cast %select_n3A_327 : vector<16xi32> to vector<16xi32>
      tpu.vector_store %arg11[%swap3A_328], %swap3A_331 {strides = array<i32>} : memref<128xi32, #tpu.memory_space<vmem>>, vector<16xi32>,
      %add3A_332 = arith.constant 112 : i32
      %add3A_333 = arith.addi %mul3A_211, %add3A_332 : i32
      %get3A_334 = arith.index_cast %add3A_333 : i32 to index
      %get3A_335 = tpu.vector_load %arg8[%get3A_334] {strides = array<i32>} : memref<12800xi32, #tpu.memory_space<vmem>>, vector<16xi32>,
      %get3A_336 = vector.shape_cast %get3A_335 : vector<16xi32> to vector<16xi32>
      %eq3A_337 = arith.constant 0 : i32
      %eq3A_338 = vector.broadcast %eq3A_337 : i32 to vector<16xi32>
      %eq3A_339 = arith.cmpi eq, %get3A_336, %eq3A_338 : vector<16xi32>
      %broadcast_in_dim3A_340 = arith.constant 0 : i32
      %broadcast_in_dim3A_341 = vector.broadcast %broadcast_in_dim3A_340 : i32 to vector<16xi32>
      %broadcast_in_dim3A_342 = arith.constant -1 : i32
      %broadcast_in_dim3A_343 = vector.broadcast %broadcast_in_dim3A_342 : i32 to vector<16xi32>
      %select_n3A_344 = arith.select %eq3A_339, %broadcast_in_dim3A_341, %broadcast_in_dim3A_343 : vector<16xi1>, vector<16xi32>
      %swap3A_345 = arith.constant 112 : index
      %swap3A_346 = tpu.vector_load %arg11[%swap3A_345] {strides = array<i32>} : memref<128xi32, #tpu.memory_space<vmem>>, vector<16xi32>,
      %swap3A_347 = vector.shape_cast %swap3A_346 : vector<16xi32> to vector<16xi32>
      %swap3A_348 = vector.shape_cast %select_n3A_344 : vector<16xi32> to vector<16xi32>
      tpu.vector_store %arg11[%swap3A_345], %swap3A_348 {strides = array<i32>} : memref<128xi32, #tpu.memory_space<vmem>>, vector<16xi32>,
      %dma_wait3A_349 = tpu.memref_slice %arg8[%mul3A_25] : memref<12800xi32, #tpu.memory_space<vmem>> -> memref<128xi32, #tpu.memory_space<vmem>>
      %dma_wait3A_350 = arith.constant 0 : i32
      %dma_wait3A_351 = arith.constant 0 : i32
      %dma_wait3A_352 = tpu.memref_slice %arg2[%dma_wait3A_350, %dma_wait3A_351] : memref<1000000x64xf32, #tpu.memory_space<hbm>> -> memref<1000000x64xf32, #tpu.memory_space<hbm>>
      tpu.wait_indirect_dma semaphore(%arg23 : memref<!tpu.dma_semaphore, #tpu.memory_space<semaphore_mem>>) src(%dma_wait3A_352 : memref<1000000x64xf32, #tpu.memory_space<hbm>>) dst(%arg15 : memref<128x64xf32, #tpu.memory_space<vmem>>)
      %dma_start3A_353 = arith.constant 0 : i32
      %dma_start3A_354 = arith.constant 0 : i32
      %dma_start3A_355 = tpu.memref_slice %arg6[%dma_start3A_353, %dma_start3A_354] : memref<8x64xf32, #tpu.memory_space<hbm>> -> memref<8x64xf32, #tpu.memory_space<hbm>>
      %dma_start3A_356 = arith.constant -1 : i32
      tpu.enqueue_indirect_dma source(%dma_start3A_355 : memref<8x64xf32, #tpu.memory_space<hbm>>) target(%arg15 : memref<128x64xf32, #tpu.memory_space<vmem>>) offsets(%arg11 : memref<128xi32, #tpu.memory_space<vmem>>) offset_filter(%dma_start3A_356) semaphore(%arg30 : memref<!tpu.dma_semaphore, #tpu.memory_space<semaphore_mem>>)
      %dma_wait3A_357 = arith.constant 0 : i32
      %dma_wait3A_358 = arith.constant 0 : i32
      %dma_wait3A_359 = tpu.memref_slice %arg6[%dma_wait3A_357, %dma_wait3A_358] : memref<8x64xf32, #tpu.memory_space<hbm>> -> memref<8x64xf32, #tpu.memory_space<hbm>>
      tpu.wait_indirect_dma semaphore(%arg30 : memref<!tpu.dma_semaphore, #tpu.memory_space<semaphore_mem>>) src(%dma_wait3A_359 : memref<8x64xf32, #tpu.memory_space<hbm>>) dst(%arg15 : memref<128x64xf32, #tpu.memory_space<vmem>>)
      %dma_wait3A_360 = tpu.memref_slice %arg9[%mul3A_25] : memref<12800xi32, #tpu.memory_space<vmem>> -> memref<128xi32, #tpu.memory_space<vmem>>
      %dma_wait3A_361 = arith.constant 0 : i32
      %dma_wait3A_362 = arith.constant 0 : i32
      %dma_wait3A_363 = tpu.memref_slice %arg3[%dma_wait3A_361, %dma_wait3A_362] : memref<1000x32xf32, #tpu.memory_space<hbm>> -> memref<1000x32xf32, #tpu.memory_space<hbm>>
      tpu.wait_indirect_dma semaphore(%arg27 : memref<!tpu.dma_semaphore, #tpu.memory_space<semaphore_mem>>) src(%dma_wait3A_363 : memref<1000x32xf32, #tpu.memory_space<hbm>>) dst(%arg19 : memref<128x32xf32, #tpu.memory_space<vmem>>)
      "tpu.region"() ({
        %run_scoped3A = tpu.sem_alloc : memref<!tpu.dma_semaphore, #tpu.memory_space<semaphore_mem>>
        %dma_start3A_676 = arith.constant 0 : i32
        %dma_start3A_677 = tpu.memref_slice %arg7[%add3A_212, %dma_start3A_676] : memref<409600x128xf32, #tpu.memory_space<hbm>> -> memref<128x64xf32, #tpu.memory_space<hbm>>
        %dma_start3A_678 = arith.constant 0 : i32
        %dma_start3A_679 = tpu.memref_slice %arg7[%add3A_212, %dma_start3A_678] : memref<409600x128xf32, #tpu.memory_space<hbm>> -> memref<128x64xf32, #tpu.memory_space<hbm>>
        tpu.enqueue_dma source(%arg15 : memref<128x64xf32, #tpu.memory_space<vmem>>) target(%dma_start3A_679 : memref<128x64xf32, #tpu.memory_space<hbm>>) target_semaphore(%run_scoped3A : memref<!tpu.dma_semaphore, #tpu.memory_space<semaphore_mem>>)
        %dma_wait3A_680 = arith.constant 0 : i32
        %dma_wait3A_681 = tpu.memref_slice %arg7[%add3A_212, %dma_wait3A_680] : memref<409600x128xf32, #tpu.memory_space<hbm>> -> memref<128x64xf32, #tpu.memory_space<hbm>>
        %dma_wait3A_682 = arith.constant 0 : i32
        %dma_wait3A_683 = tpu.memref_slice %arg7[%add3A_212, %dma_wait3A_682] : memref<409600x128xf32, #tpu.memory_space<hbm>> -> memref<128x64xf32, #tpu.memory_space<hbm>>
        tpu.wait_dma2 semaphore(%run_scoped3A : memref<!tpu.dma_semaphore, #tpu.memory_space<semaphore_mem>>) src(%arg15 : memref<128x64xf32, #tpu.memory_space<vmem>>) dst(%dma_wait3A_683 : memref<128x64xf32, #tpu.memory_space<hbm>>)
        tpu.yield
      }) : () -> ()
      "tpu.region"() ({
        %run_scoped3A = tpu.sem_alloc : memref<!tpu.dma_semaphore, #tpu.memory_space<semaphore_mem>>
        %dma_start3A_676 = arith.constant 64 : i32
        %dma_start3A_677 = tpu.memref_slice %arg7[%add3A_212, %dma_start3A_676] : memref<409600x128xf32, #tpu.memory_space<hbm>> -> memref<128x32xf32, #tpu.memory_space<hbm>>
        %dma_start3A_678 = arith.constant 64 : i32
        %dma_start3A_679 = tpu.memref_slice %arg7[%add3A_212, %dma_start3A_678] : memref<409600x128xf32, #tpu.memory_space<hbm>> -> memref<128x32xf32, #tpu.memory_space<hbm>>
        tpu.enqueue_dma source(%arg19 : memref<128x32xf32, #tpu.memory_space<vmem>>) target(%dma_start3A_679 : memref<128x32xf32, #tpu.memory_space<hbm>>) target_semaphore(%run_scoped3A : memref<!tpu.dma_semaphore, #tpu.memory_space<semaphore_mem>>)
        %dma_wait3A_680 = arith.constant 64 : i32
        %dma_wait3A_681 = tpu.memref_slice %arg7[%add3A_212, %dma_wait3A_680] : memref<409600x128xf32, #tpu.memory_space<hbm>> -> memref<128x32xf32, #tpu.memory_space<hbm>>
        %dma_wait3A_682 = arith.constant 64 : i32
        %dma_wait3A_683 = tpu.memref_slice %arg7[%add3A_212, %dma_wait3A_682] : memref<409600x128xf32, #tpu.memory_space<hbm>> -> memref<128x32xf32, #tpu.memory_space<hbm>>
        tpu.wait_dma2 semaphore(%run_scoped3A : memref<!tpu.dma_semaphore, #tpu.memory_space<semaphore_mem>>) src(%arg19 : memref<128x32xf32, #tpu.memory_space<vmem>>) dst(%dma_wait3A_683 : memref<128x32xf32, #tpu.memory_space<hbm>>)
        tpu.yield
      }) : () -> ()
      %add3A_364 = arith.constant 2 : i32
      %add3A_365 = arith.addi %mul3A_10, %add3A_364 : i32
      %mul3A_366 = arith.constant 128 : i32
      %mul3A_367 = arith.muli %add3A_365, %mul3A_366 : i32
      %add3A_368 = arith.addi %mul3A_2, %mul3A_367 : i32
      %add3A_369 = arith.constant 0 : i32
      %add3A_370 = arith.addi %mul3A_367, %add3A_369 : i32
      %get3A_371 = arith.index_cast %add3A_370 : i32 to index
      %get3A_372 = tpu.vector_load %arg8[%get3A_371] {strides = array<i32>} : memref<12800xi32, #tpu.memory_space<vmem>>, vector<16xi32>,
      %get3A_373 = vector.shape_cast %get3A_372 : vector<16xi32> to vector<16xi32>
      %eq3A_374 = arith.constant 0 : i32
      %eq3A_375 = vector.broadcast %eq3A_374 : i32 to vector<16xi32>
      %eq3A_376 = arith.cmpi eq, %get3A_373, %eq3A_375 : vector<16xi32>
      %broadcast_in_dim3A_377 = arith.constant 0 : i32
      %broadcast_in_dim3A_378 = vector.broadcast %broadcast_in_dim3A_377 : i32 to vector<16xi32>
      %broadcast_in_dim3A_379 = arith.constant -1 : i32
      %broadcast_in_dim3A_380 = vector.broadcast %broadcast_in_dim3A_379 : i32 to vector<16xi32>
      %select_n3A_381 = arith.select %eq3A_376, %broadcast_in_dim3A_378, %broadcast_in_dim3A_380 : vector<16xi1>, vector<16xi32>
      %swap3A_382 = arith.constant 0 : index
      %swap3A_383 = tpu.vector_load %arg12[%swap3A_382] {strides = array<i32>} : memref<128xi32, #tpu.memory_space<vmem>>, vector<16xi32>,
      %swap3A_384 = vector.shape_cast %swap3A_383 : vector<16xi32> to vector<16xi32>
      %swap3A_385 = vector.shape_cast %select_n3A_381 : vector<16xi32> to vector<16xi32>
      tpu.vector_store %arg12[%swap3A_382], %swap3A_385 {strides = array<i32>} : memref<128xi32, #tpu.memory_space<vmem>>, vector<16xi32>,
      %add3A_386 = arith.constant 16 : i32
      %add3A_387 = arith.addi %mul3A_367, %add3A_386 : i32
      %get3A_388 = arith.index_cast %add3A_387 : i32 to index
      %get3A_389 = tpu.vector_load %arg8[%get3A_388] {strides = array<i32>} : memref<12800xi32, #tpu.memory_space<vmem>>, vector<16xi32>,
      %get3A_390 = vector.shape_cast %get3A_389 : vector<16xi32> to vector<16xi32>
      %eq3A_391 = arith.constant 0 : i32
      %eq3A_392 = vector.broadcast %eq3A_391 : i32 to vector<16xi32>
      %eq3A_393 = arith.cmpi eq, %get3A_390, %eq3A_392 : vector<16xi32>
      %broadcast_in_dim3A_394 = arith.constant 0 : i32
      %broadcast_in_dim3A_395 = vector.broadcast %broadcast_in_dim3A_394 : i32 to vector<16xi32>
      %broadcast_in_dim3A_396 = arith.constant -1 : i32
      %broadcast_in_dim3A_397 = vector.broadcast %broadcast_in_dim3A_396 : i32 to vector<16xi32>
      %select_n3A_398 = arith.select %eq3A_393, %broadcast_in_dim3A_395, %broadcast_in_dim3A_397 : vector<16xi1>, vector<16xi32>
      %swap3A_399 = arith.constant 16 : index
      %swap3A_400 = tpu.vector_load %arg12[%swap3A_399] {strides = array<i32>} : memref<128xi32, #tpu.memory_space<vmem>>, vector<16xi32>,
      %swap3A_401 = vector.shape_cast %swap3A_400 : vector<16xi32> to vector<16xi32>
      %swap3A_402 = vector.shape_cast %select_n3A_398 : vector<16xi32> to vector<16xi32>
      tpu.vector_store %arg12[%swap3A_399], %swap3A_402 {strides = array<i32>} : memref<128xi32, #tpu.memory_space<vmem>>, vector<16xi32>,
      %add3A_403 = arith.constant 32 : i32
      %add3A_404 = arith.addi %mul3A_367, %add3A_403 : i32
      %get3A_405 = arith.index_cast %add3A_404 : i32 to index
      %get3A_406 = tpu.vector_load %arg8[%get3A_405] {strides = array<i32>} : memref<12800xi32, #tpu.memory_space<vmem>>, vector<16xi32>,
      %get3A_407 = vector.shape_cast %get3A_406 : vector<16xi32> to vector<16xi32>
      %eq3A_408 = arith.constant 0 : i32
      %eq3A_409 = vector.broadcast %eq3A_408 : i32 to vector<16xi32>
      %eq3A_410 = arith.cmpi eq, %get3A_407, %eq3A_409 : vector<16xi32>
      %broadcast_in_dim3A_411 = arith.constant 0 : i32
      %broadcast_in_dim3A_412 = vector.broadcast %broadcast_in_dim3A_411 : i32 to vector<16xi32>
      %broadcast_in_dim3A_413 = arith.constant -1 : i32
      %broadcast_in_dim3A_414 = vector.broadcast %broadcast_in_dim3A_413 : i32 to vector<16xi32>
      %select_n3A_415 = arith.select %eq3A_410, %broadcast_in_dim3A_412, %broadcast_in_dim3A_414 : vector<16xi1>, vector<16xi32>
      %swap3A_416 = arith.constant 32 : index
      %swap3A_417 = tpu.vector_load %arg12[%swap3A_416] {strides = array<i32>} : memref<128xi32, #tpu.memory_space<vmem>>, vector<16xi32>,
      %swap3A_418 = vector.shape_cast %swap3A_417 : vector<16xi32> to vector<16xi32>
      %swap3A_419 = vector.shape_cast %select_n3A_415 : vector<16xi32> to vector<16xi32>
      tpu.vector_store %arg12[%swap3A_416], %swap3A_419 {strides = array<i32>} : memref<128xi32, #tpu.memory_space<vmem>>, vector<16xi32>,
      %add3A_420 = arith.constant 48 : i32
      %add3A_421 = arith.addi %mul3A_367, %add3A_420 : i32
      %get3A_422 = arith.index_cast %add3A_421 : i32 to index
      %get3A_423 = tpu.vector_load %arg8[%get3A_422] {strides = array<i32>} : memref<12800xi32, #tpu.memory_space<vmem>>, vector<16xi32>,
      %get3A_424 = vector.shape_cast %get3A_423 : vector<16xi32> to vector<16xi32>
      %eq3A_425 = arith.constant 0 : i32
      %eq3A_426 = vector.broadcast %eq3A_425 : i32 to vector<16xi32>
      %eq3A_427 = arith.cmpi eq, %get3A_424, %eq3A_426 : vector<16xi32>
      %broadcast_in_dim3A_428 = arith.constant 0 : i32
      %broadcast_in_dim3A_429 = vector.broadcast %broadcast_in_dim3A_428 : i32 to vector<16xi32>
      %broadcast_in_dim3A_430 = arith.constant -1 : i32
      %broadcast_in_dim3A_431 = vector.broadcast %broadcast_in_dim3A_430 : i32 to vector<16xi32>
      %select_n3A_432 = arith.select %eq3A_427, %broadcast_in_dim3A_429, %broadcast_in_dim3A_431 : vector<16xi1>, vector<16xi32>
      %swap3A_433 = arith.constant 48 : index
      %swap3A_434 = tpu.vector_load %arg12[%swap3A_433] {strides = array<i32>} : memref<128xi32, #tpu.memory_space<vmem>>, vector<16xi32>,
      %swap3A_435 = vector.shape_cast %swap3A_434 : vector<16xi32> to vector<16xi32>
      %swap3A_436 = vector.shape_cast %select_n3A_432 : vector<16xi32> to vector<16xi32>
      tpu.vector_store %arg12[%swap3A_433], %swap3A_436 {strides = array<i32>} : memref<128xi32, #tpu.memory_space<vmem>>, vector<16xi32>,
      %add3A_437 = arith.constant 64 : i32
      %add3A_438 = arith.addi %mul3A_367, %add3A_437 : i32
      %get3A_439 = arith.index_cast %add3A_438 : i32 to index
      %get3A_440 = tpu.vector_load %arg8[%get3A_439] {strides = array<i32>} : memref<12800xi32, #tpu.memory_space<vmem>>, vector<16xi32>,
      %get3A_441 = vector.shape_cast %get3A_440 : vector<16xi32> to vector<16xi32>
      %eq3A_442 = arith.constant 0 : i32
      %eq3A_443 = vector.broadcast %eq3A_442 : i32 to vector<16xi32>
      %eq3A_444 = arith.cmpi eq, %get3A_441, %eq3A_443 : vector<16xi32>
      %broadcast_in_dim3A_445 = arith.constant 0 : i32
      %broadcast_in_dim3A_446 = vector.broadcast %broadcast_in_dim3A_445 : i32 to vector<16xi32>
      %broadcast_in_dim3A_447 = arith.constant -1 : i32
      %broadcast_in_dim3A_448 = vector.broadcast %broadcast_in_dim3A_447 : i32 to vector<16xi32>
      %select_n3A_449 = arith.select %eq3A_444, %broadcast_in_dim3A_446, %broadcast_in_dim3A_448 : vector<16xi1>, vector<16xi32>
      %swap3A_450 = arith.constant 64 : index
      %swap3A_451 = tpu.vector_load %arg12[%swap3A_450] {strides = array<i32>} : memref<128xi32, #tpu.memory_space<vmem>>, vector<16xi32>,
      %swap3A_452 = vector.shape_cast %swap3A_451 : vector<16xi32> to vector<16xi32>
      %swap3A_453 = vector.shape_cast %select_n3A_449 : vector<16xi32> to vector<16xi32>
      tpu.vector_store %arg12[%swap3A_450], %swap3A_453 {strides = array<i32>} : memref<128xi32, #tpu.memory_space<vmem>>, vector<16xi32>,
      %add3A_454 = arith.constant 80 : i32
      %add3A_455 = arith.addi %mul3A_367, %add3A_454 : i32
      %get3A_456 = arith.index_cast %add3A_455 : i32 to index
      %get3A_457 = tpu.vector_load %arg8[%get3A_456] {strides = array<i32>} : memref<12800xi32, #tpu.memory_space<vmem>>, vector<16xi32>,
      %get3A_458 = vector.shape_cast %get3A_457 : vector<16xi32> to vector<16xi32>
      %eq3A_459 = arith.constant 0 : i32
      %eq3A_460 = vector.broadcast %eq3A_459 : i32 to vector<16xi32>
      %eq3A_461 = arith.cmpi eq, %get3A_458, %eq3A_460 : vector<16xi32>
      %broadcast_in_dim3A_462 = arith.constant 0 : i32
      %broadcast_in_dim3A_463 = vector.broadcast %broadcast_in_dim3A_462 : i32 to vector<16xi32>
      %broadcast_in_dim3A_464 = arith.constant -1 : i32
      %broadcast_in_dim3A_465 = vector.broadcast %broadcast_in_dim3A_464 : i32 to vector<16xi32>
      %select_n3A_466 = arith.select %eq3A_461, %broadcast_in_dim3A_463, %broadcast_in_dim3A_465 : vector<16xi1>, vector<16xi32>
      %swap3A_467 = arith.constant 80 : index
      %swap3A_468 = tpu.vector_load %arg12[%swap3A_467] {strides = array<i32>} : memref<128xi32, #tpu.memory_space<vmem>>, vector<16xi32>,
      %swap3A_469 = vector.shape_cast %swap3A_468 : vector<16xi32> to vector<16xi32>
      %swap3A_470 = vector.shape_cast %select_n3A_466 : vector<16xi32> to vector<16xi32>
      tpu.vector_store %arg12[%swap3A_467], %swap3A_470 {strides = array<i32>} : memref<128xi32, #tpu.memory_space<vmem>>, vector<16xi32>,
      %add3A_471 = arith.constant 96 : i32
      %add3A_472 = arith.addi %mul3A_367, %add3A_471 : i32
      %get3A_473 = arith.index_cast %add3A_472 : i32 to index
      %get3A_474 = tpu.vector_load %arg8[%get3A_473] {strides = array<i32>} : memref<12800xi32, #tpu.memory_space<vmem>>, vector<16xi32>,
      %get3A_475 = vector.shape_cast %get3A_474 : vector<16xi32> to vector<16xi32>
      %eq3A_476 = arith.constant 0 : i32
      %eq3A_477 = vector.broadcast %eq3A_476 : i32 to vector<16xi32>
      %eq3A_478 = arith.cmpi eq, %get3A_475, %eq3A_477 : vector<16xi32>
      %broadcast_in_dim3A_479 = arith.constant 0 : i32
      %broadcast_in_dim3A_480 = vector.broadcast %broadcast_in_dim3A_479 : i32 to vector<16xi32>
      %broadcast_in_dim3A_481 = arith.constant -1 : i32
      %broadcast_in_dim3A_482 = vector.broadcast %broadcast_in_dim3A_481 : i32 to vector<16xi32>
      %select_n3A_483 = arith.select %eq3A_478, %broadcast_in_dim3A_480, %broadcast_in_dim3A_482 : vector<16xi1>, vector<16xi32>
      %swap3A_484 = arith.constant 96 : index
      %swap3A_485 = tpu.vector_load %arg12[%swap3A_484] {strides = array<i32>} : memref<128xi32, #tpu.memory_space<vmem>>, vector<16xi32>,
      %swap3A_486 = vector.shape_cast %swap3A_485 : vector<16xi32> to vector<16xi32>
      %swap3A_487 = vector.shape_cast %select_n3A_483 : vector<16xi32> to vector<16xi32>
      tpu.vector_store %arg12[%swap3A_484], %swap3A_487 {strides = array<i32>} : memref<128xi32, #tpu.memory_space<vmem>>, vector<16xi32>,
      %add3A_488 = arith.constant 112 : i32
      %add3A_489 = arith.addi %mul3A_367, %add3A_488 : i32
      %get3A_490 = arith.index_cast %add3A_489 : i32 to index
      %get3A_491 = tpu.vector_load %arg8[%get3A_490] {strides = array<i32>} : memref<12800xi32, #tpu.memory_space<vmem>>, vector<16xi32>,
      %get3A_492 = vector.shape_cast %get3A_491 : vector<16xi32> to vector<16xi32>
      %eq3A_493 = arith.constant 0 : i32
      %eq3A_494 = vector.broadcast %eq3A_493 : i32 to vector<16xi32>
      %eq3A_495 = arith.cmpi eq, %get3A_492, %eq3A_494 : vector<16xi32>
      %broadcast_in_dim3A_496 = arith.constant 0 : i32
      %broadcast_in_dim3A_497 = vector.broadcast %broadcast_in_dim3A_496 : i32 to vector<16xi32>
      %broadcast_in_dim3A_498 = arith.constant -1 : i32
      %broadcast_in_dim3A_499 = vector.broadcast %broadcast_in_dim3A_498 : i32 to vector<16xi32>
      %select_n3A_500 = arith.select %eq3A_495, %broadcast_in_dim3A_497, %broadcast_in_dim3A_499 : vector<16xi1>, vector<16xi32>
      %swap3A_501 = arith.constant 112 : index
      %swap3A_502 = tpu.vector_load %arg12[%swap3A_501] {strides = array<i32>} : memref<128xi32, #tpu.memory_space<vmem>>, vector<16xi32>,
      %swap3A_503 = vector.shape_cast %swap3A_502 : vector<16xi32> to vector<16xi32>
      %swap3A_504 = vector.shape_cast %select_n3A_500 : vector<16xi32> to vector<16xi32>
      tpu.vector_store %arg12[%swap3A_501], %swap3A_504 {strides = array<i32>} : memref<128xi32, #tpu.memory_space<vmem>>, vector<16xi32>,
      %dma_wait3A_505 = tpu.memref_slice %arg8[%mul3A_37] : memref<12800xi32, #tpu.memory_space<vmem>> -> memref<128xi32, #tpu.memory_space<vmem>>
      %dma_wait3A_506 = arith.constant 0 : i32
      %dma_wait3A_507 = arith.constant 0 : i32
      %dma_wait3A_508 = tpu.memref_slice %arg2[%dma_wait3A_506, %dma_wait3A_507] : memref<1000000x64xf32, #tpu.memory_space<hbm>> -> memref<1000000x64xf32, #tpu.memory_space<hbm>>
      tpu.wait_indirect_dma semaphore(%arg24 : memref<!tpu.dma_semaphore, #tpu.memory_space<semaphore_mem>>) src(%dma_wait3A_508 : memref<1000000x64xf32, #tpu.memory_space<hbm>>) dst(%arg16 : memref<128x64xf32, #tpu.memory_space<vmem>>)
      %dma_start3A_509 = arith.constant 0 : i32
      %dma_start3A_510 = arith.constant 0 : i32
      %dma_start3A_511 = tpu.memref_slice %arg6[%dma_start3A_509, %dma_start3A_510] : memref<8x64xf32, #tpu.memory_space<hbm>> -> memref<8x64xf32, #tpu.memory_space<hbm>>
      %dma_start3A_512 = arith.constant -1 : i32
      tpu.enqueue_indirect_dma source(%dma_start3A_511 : memref<8x64xf32, #tpu.memory_space<hbm>>) target(%arg16 : memref<128x64xf32, #tpu.memory_space<vmem>>) offsets(%arg12 : memref<128xi32, #tpu.memory_space<vmem>>) offset_filter(%dma_start3A_512) semaphore(%arg30 : memref<!tpu.dma_semaphore, #tpu.memory_space<semaphore_mem>>)
      %dma_wait3A_513 = arith.constant 0 : i32
      %dma_wait3A_514 = arith.constant 0 : i32
      %dma_wait3A_515 = tpu.memref_slice %arg6[%dma_wait3A_513, %dma_wait3A_514] : memref<8x64xf32, #tpu.memory_space<hbm>> -> memref<8x64xf32, #tpu.memory_space<hbm>>
      tpu.wait_indirect_dma semaphore(%arg30 : memref<!tpu.dma_semaphore, #tpu.memory_space<semaphore_mem>>) src(%dma_wait3A_515 : memref<8x64xf32, #tpu.memory_space<hbm>>) dst(%arg16 : memref<128x64xf32, #tpu.memory_space<vmem>>)
      %dma_wait3A_516 = tpu.memref_slice %arg9[%mul3A_37] : memref<12800xi32, #tpu.memory_space<vmem>> -> memref<128xi32, #tpu.memory_space<vmem>>
      %dma_wait3A_517 = arith.constant 0 : i32
      %dma_wait3A_518 = arith.constant 0 : i32
      %dma_wait3A_519 = tpu.memref_slice %arg3[%dma_wait3A_517, %dma_wait3A_518] : memref<1000x32xf32, #tpu.memory_space<hbm>> -> memref<1000x32xf32, #tpu.memory_space<hbm>>
      tpu.wait_indirect_dma semaphore(%arg28 : memref<!tpu.dma_semaphore, #tpu.memory_space<semaphore_mem>>) src(%dma_wait3A_519 : memref<1000x32xf32, #tpu.memory_space<hbm>>) dst(%arg20 : memref<128x32xf32, #tpu.memory_space<vmem>>)
      "tpu.region"() ({
        %run_scoped3A = tpu.sem_alloc : memref<!tpu.dma_semaphore, #tpu.memory_space<semaphore_mem>>
        %dma_start3A_676 = arith.constant 0 : i32
        %dma_start3A_677 = tpu.memref_slice %arg7[%add3A_368, %dma_start3A_676] : memref<409600x128xf32, #tpu.memory_space<hbm>> -> memref<128x64xf32, #tpu.memory_space<hbm>>
        %dma_start3A_678 = arith.constant 0 : i32
        %dma_start3A_679 = tpu.memref_slice %arg7[%add3A_368, %dma_start3A_678] : memref<409600x128xf32, #tpu.memory_space<hbm>> -> memref<128x64xf32, #tpu.memory_space<hbm>>
        tpu.enqueue_dma source(%arg16 : memref<128x64xf32, #tpu.memory_space<vmem>>) target(%dma_start3A_679 : memref<128x64xf32, #tpu.memory_space<hbm>>) target_semaphore(%run_scoped3A : memref<!tpu.dma_semaphore, #tpu.memory_space<semaphore_mem>>)
        %dma_wait3A_680 = arith.constant 0 : i32
        %dma_wait3A_681 = tpu.memref_slice %arg7[%add3A_368, %dma_wait3A_680] : memref<409600x128xf32, #tpu.memory_space<hbm>> -> memref<128x64xf32, #tpu.memory_space<hbm>>
        %dma_wait3A_682 = arith.constant 0 : i32
        %dma_wait3A_683 = tpu.memref_slice %arg7[%add3A_368, %dma_wait3A_682] : memref<409600x128xf32, #tpu.memory_space<hbm>> -> memref<128x64xf32, #tpu.memory_space<hbm>>
        tpu.wait_dma2 semaphore(%run_scoped3A : memref<!tpu.dma_semaphore, #tpu.memory_space<semaphore_mem>>) src(%arg16 : memref<128x64xf32, #tpu.memory_space<vmem>>) dst(%dma_wait3A_683 : memref<128x64xf32, #tpu.memory_space<hbm>>)
        tpu.yield
      }) : () -> ()
      "tpu.region"() ({
        %run_scoped3A = tpu.sem_alloc : memref<!tpu.dma_semaphore, #tpu.memory_space<semaphore_mem>>
        %dma_start3A_676 = arith.constant 64 : i32
        %dma_start3A_677 = tpu.memref_slice %arg7[%add3A_368, %dma_start3A_676] : memref<409600x128xf32, #tpu.memory_space<hbm>> -> memref<128x32xf32, #tpu.memory_space<hbm>>
        %dma_start3A_678 = arith.constant 64 : i32
        %dma_start3A_679 = tpu.memref_slice %arg7[%add3A_368, %dma_start3A_678] : memref<409600x128xf32, #tpu.memory_space<hbm>> -> memref<128x32xf32, #tpu.memory_space<hbm>>
        tpu.enqueue_dma source(%arg20 : memref<128x32xf32, #tpu.memory_space<vmem>>) target(%dma_start3A_679 : memref<128x32xf32, #tpu.memory_space<hbm>>) target_semaphore(%run_scoped3A : memref<!tpu.dma_semaphore, #tpu.memory_space<semaphore_mem>>)
        %dma_wait3A_680 = arith.constant 64 : i32
        %dma_wait3A_681 = tpu.memref_slice %arg7[%add3A_368, %dma_wait3A_680] : memref<409600x128xf32, #tpu.memory_space<hbm>> -> memref<128x32xf32, #tpu.memory_space<hbm>>
        %dma_wait3A_682 = arith.constant 64 : i32
        %dma_wait3A_683 = tpu.memref_slice %arg7[%add3A_368, %dma_wait3A_682] : memref<409600x128xf32, #tpu.memory_space<hbm>> -> memref<128x32xf32, #tpu.memory_space<hbm>>
        tpu.wait_dma2 semaphore(%run_scoped3A : memref<!tpu.dma_semaphore, #tpu.memory_space<semaphore_mem>>) src(%arg20 : memref<128x32xf32, #tpu.memory_space<vmem>>) dst(%dma_wait3A_683 : memref<128x32xf32, #tpu.memory_space<hbm>>)
        tpu.yield
      }) : () -> ()
      %add3A_520 = arith.constant 3 : i32
      %add3A_521 = arith.addi %mul3A_10, %add3A_520 : i32
      %mul3A_522 = arith.constant 128 : i32
      %mul3A_523 = arith.muli %add3A_521, %mul3A_522 : i32
      %add3A_524 = arith.addi %mul3A_2, %mul3A_523 : i32
      %add3A_525 = arith.constant 0 : i32
      %add3A_526 = arith.addi %mul3A_523, %add3A_525 : i32
      %get3A_527 = arith.index_cast %add3A_526 : i32 to index
      %get3A_528 = tpu.vector_load %arg8[%get3A_527] {strides = array<i32>} : memref<12800xi32, #tpu.memory_space<vmem>>, vector<16xi32>,
      %get3A_529 = vector.shape_cast %get3A_528 : vector<16xi32> to vector<16xi32>
      %eq3A_530 = arith.constant 0 : i32
      %eq3A_531 = vector.broadcast %eq3A_530 : i32 to vector<16xi32>
      %eq3A_532 = arith.cmpi eq, %get3A_529, %eq3A_531 : vector<16xi32>
      %broadcast_in_dim3A_533 = arith.constant 0 : i32
      %broadcast_in_dim3A_534 = vector.broadcast %broadcast_in_dim3A_533 : i32 to vector<16xi32>
      %broadcast_in_dim3A_535 = arith.constant -1 : i32
      %broadcast_in_dim3A_536 = vector.broadcast %broadcast_in_dim3A_535 : i32 to vector<16xi32>
      %select_n3A_537 = arith.select %eq3A_532, %broadcast_in_dim3A_534, %broadcast_in_dim3A_536 : vector<16xi1>, vector<16xi32>
      %swap3A_538 = arith.constant 0 : index
      %swap3A_539 = tpu.vector_load %arg13[%swap3A_538] {strides = array<i32>} : memref<128xi32, #tpu.memory_space<vmem>>, vector<16xi32>,
      %swap3A_540 = vector.shape_cast %swap3A_539 : vector<16xi32> to vector<16xi32>
      %swap3A_541 = vector.shape_cast %select_n3A_537 : vector<16xi32> to vector<16xi32>
      tpu.vector_store %arg13[%swap3A_538], %swap3A_541 {strides = array<i32>} : memref<128xi32, #tpu.memory_space<vmem>>, vector<16xi32>,
      %add3A_542 = arith.constant 16 : i32
      %add3A_543 = arith.addi %mul3A_523, %add3A_542 : i32
      %get3A_544 = arith.index_cast %add3A_543 : i32 to index
      %get3A_545 = tpu.vector_load %arg8[%get3A_544] {strides = array<i32>} : memref<12800xi32, #tpu.memory_space<vmem>>, vector<16xi32>,
      %get3A_546 = vector.shape_cast %get3A_545 : vector<16xi32> to vector<16xi32>
      %eq3A_547 = arith.constant 0 : i32
      %eq3A_548 = vector.broadcast %eq3A_547 : i32 to vector<16xi32>
      %eq3A_549 = arith.cmpi eq, %get3A_546, %eq3A_548 : vector<16xi32>
      %broadcast_in_dim3A_550 = arith.constant 0 : i32
      %broadcast_in_dim3A_551 = vector.broadcast %broadcast_in_dim3A_550 : i32 to vector<16xi32>
      %broadcast_in_dim3A_552 = arith.constant -1 : i32
      %broadcast_in_dim3A_553 = vector.broadcast %broadcast_in_dim3A_552 : i32 to vector<16xi32>
      %select_n3A_554 = arith.select %eq3A_549, %broadcast_in_dim3A_551, %broadcast_in_dim3A_553 : vector<16xi1>, vector<16xi32>
      %swap3A_555 = arith.constant 16 : index
      %swap3A_556 = tpu.vector_load %arg13[%swap3A_555] {strides = array<i32>} : memref<128xi32, #tpu.memory_space<vmem>>, vector<16xi32>,
      %swap3A_557 = vector.shape_cast %swap3A_556 : vector<16xi32> to vector<16xi32>
      %swap3A_558 = vector.shape_cast %select_n3A_554 : vector<16xi32> to vector<16xi32>
      tpu.vector_store %arg13[%swap3A_555], %swap3A_558 {strides = array<i32>} : memref<128xi32, #tpu.memory_space<vmem>>, vector<16xi32>,
      %add3A_559 = arith.constant 32 : i32
      %add3A_560 = arith.addi %mul3A_523, %add3A_559 : i32
      %get3A_561 = arith.index_cast %add3A_560 : i32 to index
      %get3A_562 = tpu.vector_load %arg8[%get3A_561] {strides = array<i32>} : memref<12800xi32, #tpu.memory_space<vmem>>, vector<16xi32>,
      %get3A_563 = vector.shape_cast %get3A_562 : vector<16xi32> to vector<16xi32>
      %eq3A_564 = arith.constant 0 : i32
      %eq3A_565 = vector.broadcast %eq3A_564 : i32 to vector<16xi32>
      %eq3A_566 = arith.cmpi eq, %get3A_563, %eq3A_565 : vector<16xi32>
      %broadcast_in_dim3A_567 = arith.constant 0 : i32
      %broadcast_in_dim3A_568 = vector.broadcast %broadcast_in_dim3A_567 : i32 to vector<16xi32>
      %broadcast_in_dim3A_569 = arith.constant -1 : i32
      %broadcast_in_dim3A_570 = vector.broadcast %broadcast_in_dim3A_569 : i32 to vector<16xi32>
      %select_n3A_571 = arith.select %eq3A_566, %broadcast_in_dim3A_568, %broadcast_in_dim3A_570 : vector<16xi1>, vector<16xi32>
      %swap3A_572 = arith.constant 32 : index
      %swap3A_573 = tpu.vector_load %arg13[%swap3A_572] {strides = array<i32>} : memref<128xi32, #tpu.memory_space<vmem>>, vector<16xi32>,
      %swap3A_574 = vector.shape_cast %swap3A_573 : vector<16xi32> to vector<16xi32>
      %swap3A_575 = vector.shape_cast %select_n3A_571 : vector<16xi32> to vector<16xi32>
      tpu.vector_store %arg13[%swap3A_572], %swap3A_575 {strides = array<i32>} : memref<128xi32, #tpu.memory_space<vmem>>, vector<16xi32>,
      %add3A_576 = arith.constant 48 : i32
      %add3A_577 = arith.addi %mul3A_523, %add3A_576 : i32
      %get3A_578 = arith.index_cast %add3A_577 : i32 to index
      %get3A_579 = tpu.vector_load %arg8[%get3A_578] {strides = array<i32>} : memref<12800xi32, #tpu.memory_space<vmem>>, vector<16xi32>,
      %get3A_580 = vector.shape_cast %get3A_579 : vector<16xi32> to vector<16xi32>
      %eq3A_581 = arith.constant 0 : i32
      %eq3A_582 = vector.broadcast %eq3A_581 : i32 to vector<16xi32>
      %eq3A_583 = arith.cmpi eq, %get3A_580, %eq3A_582 : vector<16xi32>
      %broadcast_in_dim3A_584 = arith.constant 0 : i32
      %broadcast_in_dim3A_585 = vector.broadcast %broadcast_in_dim3A_584 : i32 to vector<16xi32>
      %broadcast_in_dim3A_586 = arith.constant -1 : i32
      %broadcast_in_dim3A_587 = vector.broadcast %broadcast_in_dim3A_586 : i32 to vector<16xi32>
      %select_n3A_588 = arith.select %eq3A_583, %broadcast_in_dim3A_585, %broadcast_in_dim3A_587 : vector<16xi1>, vector<16xi32>
      %swap3A_589 = arith.constant 48 : index
      %swap3A_590 = tpu.vector_load %arg13[%swap3A_589] {strides = array<i32>} : memref<128xi32, #tpu.memory_space<vmem>>, vector<16xi32>,
      %swap3A_591 = vector.shape_cast %swap3A_590 : vector<16xi32> to vector<16xi32>
      %swap3A_592 = vector.shape_cast %select_n3A_588 : vector<16xi32> to vector<16xi32>
      tpu.vector_store %arg13[%swap3A_589], %swap3A_592 {strides = array<i32>} : memref<128xi32, #tpu.memory_space<vmem>>, vector<16xi32>,
      %add3A_593 = arith.constant 64 : i32
      %add3A_594 = arith.addi %mul3A_523, %add3A_593 : i32
      %get3A_595 = arith.index_cast %add3A_594 : i32 to index
      %get3A_596 = tpu.vector_load %arg8[%get3A_595] {strides = array<i32>} : memref<12800xi32, #tpu.memory_space<vmem>>, vector<16xi32>,
      %get3A_597 = vector.shape_cast %get3A_596 : vector<16xi32> to vector<16xi32>
      %eq3A_598 = arith.constant 0 : i32
      %eq3A_599 = vector.broadcast %eq3A_598 : i32 to vector<16xi32>
      %eq3A_600 = arith.cmpi eq, %get3A_597, %eq3A_599 : vector<16xi32>
      %broadcast_in_dim3A_601 = arith.constant 0 : i32
      %broadcast_in_dim3A_602 = vector.broadcast %broadcast_in_dim3A_601 : i32 to vector<16xi32>
      %broadcast_in_dim3A_603 = arith.constant -1 : i32
      %broadcast_in_dim3A_604 = vector.broadcast %broadcast_in_dim3A_603 : i32 to vector<16xi32>
      %select_n3A_605 = arith.select %eq3A_600, %broadcast_in_dim3A_602, %broadcast_in_dim3A_604 : vector<16xi1>, vector<16xi32>
      %swap3A_606 = arith.constant 64 : index
      %swap3A_607 = tpu.vector_load %arg13[%swap3A_606] {strides = array<i32>} : memref<128xi32, #tpu.memory_space<vmem>>, vector<16xi32>,
      %swap3A_608 = vector.shape_cast %swap3A_607 : vector<16xi32> to vector<16xi32>
      %swap3A_609 = vector.shape_cast %select_n3A_605 : vector<16xi32> to vector<16xi32>
      tpu.vector_store %arg13[%swap3A_606], %swap3A_609 {strides = array<i32>} : memref<128xi32, #tpu.memory_space<vmem>>, vector<16xi32>,
      %add3A_610 = arith.constant 80 : i32
      %add3A_611 = arith.addi %mul3A_523, %add3A_610 : i32
      %get3A_612 = arith.index_cast %add3A_611 : i32 to index
      %get3A_613 = tpu.vector_load %arg8[%get3A_612] {strides = array<i32>} : memref<12800xi32, #tpu.memory_space<vmem>>, vector<16xi32>,
      %get3A_614 = vector.shape_cast %get3A_613 : vector<16xi32> to vector<16xi32>
      %eq3A_615 = arith.constant 0 : i32
      %eq3A_616 = vector.broadcast %eq3A_615 : i32 to vector<16xi32>
      %eq3A_617 = arith.cmpi eq, %get3A_614, %eq3A_616 : vector<16xi32>
      %broadcast_in_dim3A_618 = arith.constant 0 : i32
      %broadcast_in_dim3A_619 = vector.broadcast %broadcast_in_dim3A_618 : i32 to vector<16xi32>
      %broadcast_in_dim3A_620 = arith.constant -1 : i32
      %broadcast_in_dim3A_621 = vector.broadcast %broadcast_in_dim3A_620 : i32 to vector<16xi32>
      %select_n3A_622 = arith.select %eq3A_617, %broadcast_in_dim3A_619, %broadcast_in_dim3A_621 : vector<16xi1>, vector<16xi32>
      %swap3A_623 = arith.constant 80 : index
      %swap3A_624 = tpu.vector_load %arg13[%swap3A_623] {strides = array<i32>} : memref<128xi32, #tpu.memory_space<vmem>>, vector<16xi32>,
      %swap3A_625 = vector.shape_cast %swap3A_624 : vector<16xi32> to vector<16xi32>
      %swap3A_626 = vector.shape_cast %select_n3A_622 : vector<16xi32> to vector<16xi32>
      tpu.vector_store %arg13[%swap3A_623], %swap3A_626 {strides = array<i32>} : memref<128xi32, #tpu.memory_space<vmem>>, vector<16xi32>,
      %add3A_627 = arith.constant 96 : i32
      %add3A_628 = arith.addi %mul3A_523, %add3A_627 : i32
      %get3A_629 = arith.index_cast %add3A_628 : i32 to index
      %get3A_630 = tpu.vector_load %arg8[%get3A_629] {strides = array<i32>} : memref<12800xi32, #tpu.memory_space<vmem>>, vector<16xi32>,
      %get3A_631 = vector.shape_cast %get3A_630 : vector<16xi32> to vector<16xi32>
      %eq3A_632 = arith.constant 0 : i32
      %eq3A_633 = vector.broadcast %eq3A_632 : i32 to vector<16xi32>
      %eq3A_634 = arith.cmpi eq, %get3A_631, %eq3A_633 : vector<16xi32>
      %broadcast_in_dim3A_635 = arith.constant 0 : i32
      %broadcast_in_dim3A_636 = vector.broadcast %broadcast_in_dim3A_635 : i32 to vector<16xi32>
      %broadcast_in_dim3A_637 = arith.constant -1 : i32
      %broadcast_in_dim3A_638 = vector.broadcast %broadcast_in_dim3A_637 : i32 to vector<16xi32>
      %select_n3A_639 = arith.select %eq3A_634, %broadcast_in_dim3A_636, %broadcast_in_dim3A_638 : vector<16xi1>, vector<16xi32>
      %swap3A_640 = arith.constant 96 : index
      %swap3A_641 = tpu.vector_load %arg13[%swap3A_640] {strides = array<i32>} : memref<128xi32, #tpu.memory_space<vmem>>, vector<16xi32>,
      %swap3A_642 = vector.shape_cast %swap3A_641 : vector<16xi32> to vector<16xi32>
      %swap3A_643 = vector.shape_cast %select_n3A_639 : vector<16xi32> to vector<16xi32>
      tpu.vector_store %arg13[%swap3A_640], %swap3A_643 {strides = array<i32>} : memref<128xi32, #tpu.memory_space<vmem>>, vector<16xi32>,
      %add3A_644 = arith.constant 112 : i32
      %add3A_645 = arith.addi %mul3A_523, %add3A_644 : i32
      %get3A_646 = arith.index_cast %add3A_645 : i32 to index
      %get3A_647 = tpu.vector_load %arg8[%get3A_646] {strides = array<i32>} : memref<12800xi32, #tpu.memory_space<vmem>>, vector<16xi32>,
      %get3A_648 = vector.shape_cast %get3A_647 : vector<16xi32> to vector<16xi32>
      %eq3A_649 = arith.constant 0 : i32
      %eq3A_650 = vector.broadcast %eq3A_649 : i32 to vector<16xi32>
      %eq3A_651 = arith.cmpi eq, %get3A_648, %eq3A_650 : vector<16xi32>
      %broadcast_in_dim3A_652 = arith.constant 0 : i32
      %broadcast_in_dim3A_653 = vector.broadcast %broadcast_in_dim3A_652 : i32 to vector<16xi32>
      %broadcast_in_dim3A_654 = arith.constant -1 : i32
      %broadcast_in_dim3A_655 = vector.broadcast %broadcast_in_dim3A_654 : i32 to vector<16xi32>
      %select_n3A_656 = arith.select %eq3A_651, %broadcast_in_dim3A_653, %broadcast_in_dim3A_655 : vector<16xi1>, vector<16xi32>
      %swap3A_657 = arith.constant 112 : index
      %swap3A_658 = tpu.vector_load %arg13[%swap3A_657] {strides = array<i32>} : memref<128xi32, #tpu.memory_space<vmem>>, vector<16xi32>,
      %swap3A_659 = vector.shape_cast %swap3A_658 : vector<16xi32> to vector<16xi32>
      %swap3A_660 = vector.shape_cast %select_n3A_656 : vector<16xi32> to vector<16xi32>
      tpu.vector_store %arg13[%swap3A_657], %swap3A_660 {strides = array<i32>} : memref<128xi32, #tpu.memory_space<vmem>>, vector<16xi32>,
      %dma_wait3A_661 = tpu.memref_slice %arg8[%mul3A_49] : memref<12800xi32, #tpu.memory_space<vmem>> -> memref<128xi32, #tpu.memory_space<vmem>>
      %dma_wait3A_662 = arith.constant 0 : i32
      %dma_wait3A_663 = arith.constant 0 : i32
      %dma_wait3A_664 = tpu.memref_slice %arg2[%dma_wait3A_662, %dma_wait3A_663] : memref<1000000x64xf32, #tpu.memory_space<hbm>> -> memref<1000000x64xf32, #tpu.memory_space<hbm>>
      tpu.wait_indirect_dma semaphore(%arg25 : memref<!tpu.dma_semaphore, #tpu.memory_space<semaphore_mem>>) src(%dma_wait3A_664 : memref<1000000x64xf32, #tpu.memory_space<hbm>>) dst(%arg17 : memref<128x64xf32, #tpu.memory_space<vmem>>)
      %dma_start3A_665 = arith.constant 0 : i32
      %dma_start3A_666 = arith.constant 0 : i32
      %dma_start3A_667 = tpu.memref_slice %arg6[%dma_start3A_665, %dma_start3A_666] : memref<8x64xf32, #tpu.memory_space<hbm>> -> memref<8x64xf32, #tpu.memory_space<hbm>>
      %dma_start3A_668 = arith.constant -1 : i32
      tpu.enqueue_indirect_dma source(%dma_start3A_667 : memref<8x64xf32, #tpu.memory_space<hbm>>) target(%arg17 : memref<128x64xf32, #tpu.memory_space<vmem>>) offsets(%arg13 : memref<128xi32, #tpu.memory_space<vmem>>) offset_filter(%dma_start3A_668) semaphore(%arg30 : memref<!tpu.dma_semaphore, #tpu.memory_space<semaphore_mem>>)
      %dma_wait3A_669 = arith.constant 0 : i32
      %dma_wait3A_670 = arith.constant 0 : i32
      %dma_wait3A_671 = tpu.memref_slice %arg6[%dma_wait3A_669, %dma_wait3A_670] : memref<8x64xf32, #tpu.memory_space<hbm>> -> memref<8x64xf32, #tpu.memory_space<hbm>>
      tpu.wait_indirect_dma semaphore(%arg30 : memref<!tpu.dma_semaphore, #tpu.memory_space<semaphore_mem>>) src(%dma_wait3A_671 : memref<8x64xf32, #tpu.memory_space<hbm>>) dst(%arg17 : memref<128x64xf32, #tpu.memory_space<vmem>>)
      %dma_wait3A_672 = tpu.memref_slice %arg9[%mul3A_49] : memref<12800xi32, #tpu.memory_space<vmem>> -> memref<128xi32, #tpu.memory_space<vmem>>
      %dma_wait3A_673 = arith.constant 0 : i32
      %dma_wait3A_674 = arith.constant 0 : i32
      %dma_wait3A_675 = tpu.memref_slice %arg3[%dma_wait3A_673, %dma_wait3A_674] : memref<1000x32xf32, #tpu.memory_space<hbm>> -> memref<1000x32xf32, #tpu.memory_space<hbm>>
      tpu.wait_indirect_dma semaphore(%arg29 : memref<!tpu.dma_semaphore, #tpu.memory_space<semaphore_mem>>) src(%dma_wait3A_675 : memref<1000x32xf32, #tpu.memory_space<hbm>>) dst(%arg21 : memref<128x32xf32, #tpu.memory_space<vmem>>)
      "tpu.region"() ({
        %run_scoped3A = tpu.sem_alloc : memref<!tpu.dma_semaphore, #tpu.memory_space<semaphore_mem>>
        %dma_start3A_676 = arith.constant 0 : i32
        %dma_start3A_677 = tpu.memref_slice %arg7[%add3A_524, %dma_start3A_676] : memref<409600x128xf32, #tpu.memory_space<hbm>> -> memref<128x64xf32, #tpu.memory_space<hbm>>
        %dma_start3A_678 = arith.constant 0 : i32
        %dma_start3A_679 = tpu.memref_slice %arg7[%add3A_524, %dma_start3A_678] : memref<409600x128xf32, #tpu.memory_space<hbm>> -> memref<128x64xf32, #tpu.memory_space<hbm>>
        tpu.enqueue_dma source(%arg17 : memref<128x64xf32, #tpu.memory_space<vmem>>) target(%dma_start3A_679 : memref<128x64xf32, #tpu.memory_space<hbm>>) target_semaphore(%run_scoped3A : memref<!tpu.dma_semaphore, #tpu.memory_space<semaphore_mem>>)
        %dma_wait3A_680 = arith.constant 0 : i32
        %dma_wait3A_681 = tpu.memref_slice %arg7[%add3A_524, %dma_wait3A_680] : memref<409600x128xf32, #tpu.memory_space<hbm>> -> memref<128x64xf32, #tpu.memory_space<hbm>>
        %dma_wait3A_682 = arith.constant 0 : i32
        %dma_wait3A_683 = tpu.memref_slice %arg7[%add3A_524, %dma_wait3A_682] : memref<409600x128xf32, #tpu.memory_space<hbm>> -> memref<128x64xf32, #tpu.memory_space<hbm>>
        tpu.wait_dma2 semaphore(%run_scoped3A : memref<!tpu.dma_semaphore, #tpu.memory_space<semaphore_mem>>) src(%arg17 : memref<128x64xf32, #tpu.memory_space<vmem>>) dst(%dma_wait3A_683 : memref<128x64xf32, #tpu.memory_space<hbm>>)
        tpu.yield
      }) : () -> ()
      "tpu.region"() ({
        %run_scoped3A = tpu.sem_alloc : memref<!tpu.dma_semaphore, #tpu.memory_space<semaphore_mem>>
        %dma_start3A_676 = arith.constant 64 : i32
        %dma_start3A_677 = tpu.memref_slice %arg7[%add3A_524, %dma_start3A_676] : memref<409600x128xf32, #tpu.memory_space<hbm>> -> memref<128x32xf32, #tpu.memory_space<hbm>>
        %dma_start3A_678 = arith.constant 64 : i32
        %dma_start3A_679 = tpu.memref_slice %arg7[%add3A_524, %dma_start3A_678] : memref<409600x128xf32, #tpu.memory_space<hbm>> -> memref<128x32xf32, #tpu.memory_space<hbm>>
        tpu.enqueue_dma source(%arg21 : memref<128x32xf32, #tpu.memory_space<vmem>>) target(%dma_start3A_679 : memref<128x32xf32, #tpu.memory_space<hbm>>) target_semaphore(%run_scoped3A : memref<!tpu.dma_semaphore, #tpu.memory_space<semaphore_mem>>)
        %dma_wait3A_680 = arith.constant 64 : i32
        %dma_wait3A_681 = tpu.memref_slice %arg7[%add3A_524, %dma_wait3A_680] : memref<409600x128xf32, #tpu.memory_space<hbm>> -> memref<128x32xf32, #tpu.memory_space<hbm>>
        %dma_wait3A_682 = arith.constant 64 : i32
        %dma_wait3A_683 = tpu.memref_slice %arg7[%add3A_524, %dma_wait3A_682] : memref<409600x128xf32, #tpu.memory_space<hbm>> -> memref<128x32xf32, #tpu.memory_space<hbm>>
        tpu.wait_dma2 semaphore(%run_scoped3A : memref<!tpu.dma_semaphore, #tpu.memory_space<semaphore_mem>>) src(%arg21 : memref<128x32xf32, #tpu.memory_space<vmem>>) dst(%dma_wait3A_683 : memref<128x32xf32, #tpu.memory_space<hbm>>)
        tpu.yield
      }) : () -> ()
    }
    %scan3A_7 = arith.constant 25 : i32
    return
  }
}

#map = affine_map<(d0, d1) -> (0, 0)>
#map1 = affine_map<(d0, d1) -> (0)>
module attributes {stable_mosaic.version = 14 : i64} {
  func.func @_sc_gather(%arg0: i32, %arg1: i32, %arg2: memref<1000000x64xf32, #tpu.memory_space<hbm>>, %arg3: memref<1000x32xf32, #tpu.memory_space<hbm>>, %arg4: memref<409600xi32, #tpu.memory_space<hbm>>, %arg5: memref<409600xi32, #tpu.memory_space<hbm>>, %arg6: memref<8x64xf32, #tpu.memory_space<hbm>>, %arg7: memref<409600x128xf32, #tpu.memory_space<hbm>>, %arg8: memref<12800xi32, #tpu.memory_space<vmem>>, %arg9: memref<12800xi32, #tpu.memory_space<vmem>>, %arg10: memref<128xi32, #tpu.memory_space<vmem>>, %arg11: memref<128xi32, #tpu.memory_space<vmem>>, %arg12: memref<128xi32, #tpu.memory_space<vmem>>, %arg13: memref<128xi32, #tpu.memory_space<vmem>>, %arg14: memref<128x64xf32, #tpu.memory_space<vmem>>, %arg15: memref<128x64xf32, #tpu.memory_space<vmem>>, %arg16: memref<128x64xf32, #tpu.memory_space<vmem>>, %arg17: memref<128x64xf32, #tpu.memory_space<vmem>>, %arg18: memref<128x32xf32, #tpu.memory_space<vmem>>, %arg19: memref<128x32xf32, #tpu.memory_space<vmem>>, %arg20: memref<128x32xf32, #tpu.memory_space<vmem>>, %arg21: memref<128x32xf32, #tpu.memory_space<vmem>>, %arg22: memref<!tpu.dma_semaphore, #tpu.memory_space<semaphore_mem>>, %arg23: memref<!tpu.dma_semaphore, #tpu.memory_space<semaphore_mem>>, %arg24: memref<!tpu.dma_semaphore, #tpu.memory_space<semaphore_mem>>, %arg25: memref<!tpu.dma_semaphore, #tpu.memory_space<semaphore_mem>>, %arg26: memref<!tpu.dma_semaphore, #tpu.memory_space<semaphore_mem>>, %arg27: memref<!tpu.dma_semaphore, #tpu.memory_space<semaphore_mem>>, %arg28: memref<!tpu.dma_semaphore, #tpu.memory_space<semaphore_mem>>, %arg29: memref<!tpu.dma_semaphore, #tpu.memory_space<semaphore_mem>>, %arg30: memref<!tpu.dma_semaphore, #tpu.memory_space<semaphore_mem>>) attributes {dimension_semantics = [#tpu.dimension_semantics<core_parallel>, #tpu.dimension_semantics<subcore_parallel>], iteration_bounds = array<i64: 2, 16>, scalar_prefetch = 0 : i64, scratch_operands = 23 : i64, tpu.core_type = #tpu.core_type<sc_vector_subcore>, window_params = [{transform_indices = #map}, {transform_indices = #map}, {transform_indices = #map1}, {transform_indices = #map1}, {transform_indices = #map}, {transform_indices = #map}]} {
    %mul3A = arith.constant 2 : i32
    %mul3A_0 = arith.muli %arg1, %mul3A : i32
    %add3A = arith.addi %mul3A_0, %arg0 : i32
    %mul3A_1 = arith.constant 12800 : i32
    %mul3A_2 = arith.muli %add3A, %mul3A_1 : i32
    "tpu.region"() ({
      %run_scoped3A = tpu.sem_alloc : memref<!tpu.dma_semaphore, #tpu.memory_space<semaphore_mem>>
      %dma_start3A = tpu.memref_slice %arg4[%mul3A_2] : memref<409600xi32, #tpu.memory_space<hbm>> -> memref<12800xi32, #tpu.memory_space<hbm>>
      %dma_start3A_8 = tpu.memref_slice %arg4[%mul3A_2] : memref<409600xi32, #tpu.memory_space<hbm>> -> memref<12800xi32, #tpu.memory_space<hbm>>
      tpu.enqueue_dma source(%dma_start3A_8 : memref<12800xi32, #tpu.memory_space<hbm>>) target(%arg8 : memref<12800xi32, #tpu.memory_space<vmem>>) target_semaphore(%run_scoped3A : memref<!tpu.dma_semaphore, #tpu.memory_space<semaphore_mem>>)
      %dma_wait3A = tpu.memref_slice %arg4[%mul3A_2] : memref<409600xi32, #tpu.memory_space<hbm>> -> memref<12800xi32, #tpu.memory_space<hbm>>
      %dma_wait3A_9 = tpu.memref_slice %arg4[%mul3A_2] : memref<409600xi32, #tpu.memory_space<hbm>> -> memref<12800xi32, #tpu.memory_space<hbm>>
      tpu.wait_dma2 semaphore(%run_scoped3A : memref<!tpu.dma_semaphore, #tpu.memory_space<semaphore_mem>>) src(%dma_wait3A_9 : memref<12800xi32, #tpu.memory_space<hbm>>) dst(%arg8 : memref<12800xi32, #tpu.memory_space<vmem>>)
      tpu.yield
    }) : () -> ()
    "tpu.region"() ({
      %run_scoped3A = tpu.sem_alloc : memref<!tpu.dma_semaphore, #tpu.memory_space<semaphore_mem>>
      %dma_start3A = tpu.memref_slice %arg5[%mul3A_2] : memref<409600xi32, #tpu.memory_space<hbm>> -> memref<12800xi32, #tpu.memory_space<hbm>>
      %dma_start3A_8 = tpu.memref_slice %arg5[%mul3A_2] : memref<409600xi32, #tpu.memory_space<hbm>> -> memref<12800xi32, #tpu.memory_space<hbm>>
      tpu.enqueue_dma source(%dma_start3A_8 : memref<12800xi32, #tpu.memory_space<hbm>>) target(%arg9 : memref<12800xi32, #tpu.memory_space<vmem>>) target_semaphore(%run_scoped3A : memref<!tpu.dma_semaphore, #tpu.memory_space<semaphore_mem>>)
      %dma_wait3A = tpu.memref_slice %arg5[%mul3A_2] : memref<409600xi32, #tpu.memory_space<hbm>> -> memref<12800xi32, #tpu.memory_space<hbm>>
      %dma_wait3A_9 = tpu.memref_slice %arg5[%mul3A_2] : memref<409600xi32, #tpu.memory_space<hbm>> -> memref<12800xi32, #tpu.memory_space<hbm>>
      tpu.wait_dma2 semaphore(%run_scoped3A : memref<!tpu.dma_semaphore, #tpu.memory_space<semaphore_mem>>) src(%dma_wait3A_9 : memref<12800xi32, #tpu.memory_space<hbm>>) dst(%arg9 : memref<12800xi32, #tpu.memory_space<vmem>>)
      tpu.yield
    }) : () -> ()
    %scan3A = arith.constant 0 : i32
    %scan3A_3 = arith.constant 0 : i32
    %scan3A_4 = arith.constant 25 : i32
    %scan3A_5 = arith.addi %scan3A_3, %scan3A_4 : i32
    %scan3A_6 = arith.constant 1 : i32
    scf.for %scan3A_8 = %scan3A_3 to %scan3A_5 step %scan3A_6  : i32 {
      %mul3A_9 = arith.constant 4 : i32
      %mul3A_10 = arith.muli %scan3A_8, %mul3A_9 : i32
      %add3A_11 = arith.constant 0 : i32
      %add3A_12 = arith.addi %mul3A_10, %add3A_11 : i32
      %mul3A_13 = arith.constant 128 : i32
      %mul3A_14 = arith.muli %add3A_12, %mul3A_13 : i32
      %dma_start3A = tpu.memref_slice %arg8[%mul3A_14] : memref<12800xi32, #tpu.memory_space<vmem>> -> memref<128xi32, #tpu.memory_space<vmem>>
      %dma_start3A_15 = arith.constant 0 : i32
      %dma_start3A_16 = arith.constant 0 : i32
      %dma_start3A_17 = tpu.memref_slice %arg2[%dma_start3A_15, %dma_start3A_16] : memref<1000000x64xf32, #tpu.memory_space<hbm>> -> memref<1000000x64xf32, #tpu.memory_space<hbm>>
      tpu.enqueue_indirect_dma source(%dma_start3A_17 : memref<1000000x64xf32, #tpu.memory_space<hbm>>) target(%arg14 : memref<128x64xf32, #tpu.memory_space<vmem>>) offsets(%dma_start3A : memref<128xi32, #tpu.memory_space<vmem>>) semaphore(%arg22 : memref<!tpu.dma_semaphore, #tpu.memory_space<semaphore_mem>>)
      %dma_start3A_18 = tpu.memref_slice %arg9[%mul3A_14] : memref<12800xi32, #tpu.memory_space<vmem>> -> memref<128xi32, #tpu.memory_space<vmem>>
      %dma_start3A_19 = arith.constant 0 : i32
      %dma_start3A_20 = arith.constant 0 : i32
      %dma_start3A_21 = tpu.memref_slice %arg3[%dma_start3A_19, %dma_start3A_20] : memref<1000x32xf32, #tpu.memory_space<hbm>> -> memref<1000x32xf32, #tpu.memory_space<hbm>>
      tpu.enqueue_indirect_dma source(%dma_start3A_21 : memref<1000x32xf32, #tpu.memory_space<hbm>>) target(%arg18 : memref<128x32xf32, #tpu.memory_space<vmem>>) offsets(%dma_start3A_18 : memref<128xi32, #tpu.memory_space<vmem>>) semaphore(%arg26 : memref<!tpu.dma_semaphore, #tpu.memory_space<semaphore_mem>>)
      %add3A_22 = arith.constant 1 : i32
      %add3A_23 = arith.addi %mul3A_10, %add3A_22 : i32
      %mul3A_24 = arith.constant 128 : i32
      %mul3A_25 = arith.muli %add3A_23, %mul3A_24 : i32
      %dma_start3A_26 = tpu.memref_slice %arg8[%mul3A_25] : memref<12800xi32, #tpu.memory_space<vmem>> -> memref<128xi32, #tpu.memory_space<vmem>>
      %dma_start3A_27 = arith.constant 0 : i32
      %dma_start3A_28 = arith.constant 0 : i32
      %dma_start3A_29 = tpu.memref_slice %arg2[%dma_start3A_27, %dma_start3A_28] : memref<1000000x64xf32, #tpu.memory_space<hbm>> -> memref<1000000x64xf32, #tpu.memory_space<hbm>>
      tpu.enqueue_indirect_dma source(%dma_start3A_29 : memref<1000000x64xf32, #tpu.memory_space<hbm>>) target(%arg15 : memref<128x64xf32, #tpu.memory_space<vmem>>) offsets(%dma_start3A_26 : memref<128xi32, #tpu.memory_space<vmem>>) semaphore(%arg23 : memref<!tpu.dma_semaphore, #tpu.memory_space<semaphore_mem>>)
      %dma_start3A_30 = tpu.memref_slice %arg9[%mul3A_25] : memref<12800xi32, #tpu.memory_space<vmem>> -> memref<128xi32, #tpu.memory_space<vmem>>
      %dma_start3A_31 = arith.constant 0 : i32
      %dma_start3A_32 = arith.constant 0 : i32
      %dma_start3A_33 = tpu.memref_slice %arg3[%dma_start3A_31, %dma_start3A_32] : memref<1000x32xf32, #tpu.memory_space<hbm>> -> memref<1000x32xf32, #tpu.memory_space<hbm>>
      tpu.enqueue_indirect_dma source(%dma_start3A_33 : memref<1000x32xf32, #tpu.memory_space<hbm>>) target(%arg19 : memref<128x32xf32, #tpu.memory_space<vmem>>) offsets(%dma_start3A_30 : memref<128xi32, #tpu.memory_space<vmem>>) semaphore(%arg27 : memref<!tpu.dma_semaphore, #tpu.memory_space<semaphore_mem>>)
      %add3A_34 = arith.constant 2 : i32
      %add3A_35 = arith.addi %mul3A_10, %add3A_34 : i32
      %mul3A_36 = arith.constant 128 : i32
      %mul3A_37 = arith.muli %add3A_35, %mul3A_36 : i32
      %dma_start3A_38 = tpu.memref_slice %arg8[%mul3A_37] : memref<12800xi32, #tpu.memory_space<vmem>> -> memref<128xi32, #tpu.memory_space<vmem>>
      %dma_start3A_39 = arith.constant 0 : i32
      %dma_start3A_40 = arith.constant 0 : i32
      %dma_start3A_41 = tpu.memref_slice %arg2[%dma_start3A_39, %dma_start3A_40] : memref<1000000x64xf32, #tpu.memory_space<hbm>> -> memref<1000000x64xf32, #tpu.memory_space<hbm>>
      tpu.enqueue_indirect_dma source(%dma_start3A_41 : memref<1000000x64xf32, #tpu.memory_space<hbm>>) target(%arg16 : memref<128x64xf32, #tpu.memory_space<vmem>>) offsets(%dma_start3A_38 : memref<128xi32, #tpu.memory_space<vmem>>) semaphore(%arg24 : memref<!tpu.dma_semaphore, #tpu.memory_space<semaphore_mem>>)
      %dma_start3A_42 = tpu.memref_slice %arg9[%mul3A_37] : memref<12800xi32, #tpu.memory_space<vmem>> -> memref<128xi32, #tpu.memory_space<vmem>>
      %dma_start3A_43 = arith.constant 0 : i32
      %dma_start3A_44 = arith.constant 0 : i32
      %dma_start3A_45 = tpu.memref_slice %arg3[%dma_start3A_43, %dma_start3A_44] : memref<1000x32xf32, #tpu.memory_space<hbm>> -> memref<1000x32xf32, #tpu.memory_space<hbm>>
      tpu.enqueue_indirect_dma source(%dma_start3A_45 : memref<1000x32xf32, #tpu.memory_space<hbm>>) target(%arg20 : memref<128x32xf32, #tpu.memory_space<vmem>>) offsets(%dma_start3A_42 : memref<128xi32, #tpu.memory_space<vmem>>) semaphore(%arg28 : memref<!tpu.dma_semaphore, #tpu.memory_space<semaphore_mem>>)
      %add3A_46 = arith.constant 3 : i32
      %add3A_47 = arith.addi %mul3A_10, %add3A_46 : i32
      %mul3A_48 = arith.constant 128 : i32
      %mul3A_49 = arith.muli %add3A_47, %mul3A_48 : i32
      %dma_start3A_50 = tpu.memref_slice %arg8[%mul3A_49] : memref<12800xi32, #tpu.memory_space<vmem>> -> memref<128xi32, #tpu.memory_space<vmem>>
      %dma_start3A_51 = arith.constant 0 : i32
      %dma_start3A_52 = arith.constant 0 : i32
      %dma_start3A_53 = tpu.memref_slice %arg2[%dma_start3A_51, %dma_start3A_52] : memref<1000000x64xf32, #tpu.memory_space<hbm>> -> memref<1000000x64xf32, #tpu.memory_space<hbm>>
      tpu.enqueue_indirect_dma source(%dma_start3A_53 : memref<1000000x64xf32, #tpu.memory_space<hbm>>) target(%arg17 : memref<128x64xf32, #tpu.memory_space<vmem>>) offsets(%dma_start3A_50 : memref<128xi32, #tpu.memory_space<vmem>>) semaphore(%arg25 : memref<!tpu.dma_semaphore, #tpu.memory_space<semaphore_mem>>)
      %dma_start3A_54 = tpu.memref_slice %arg9[%mul3A_49] : memref<12800xi32, #tpu.memory_space<vmem>> -> memref<128xi32, #tpu.memory_space<vmem>>
      %dma_start3A_55 = arith.constant 0 : i32
      %dma_start3A_56 = arith.constant 0 : i32
      %dma_start3A_57 = tpu.memref_slice %arg3[%dma_start3A_55, %dma_start3A_56] : memref<1000x32xf32, #tpu.memory_space<hbm>> -> memref<1000x32xf32, #tpu.memory_space<hbm>>
      tpu.enqueue_indirect_dma source(%dma_start3A_57 : memref<1000x32xf32, #tpu.memory_space<hbm>>) target(%arg21 : memref<128x32xf32, #tpu.memory_space<vmem>>) offsets(%dma_start3A_54 : memref<128xi32, #tpu.memory_space<vmem>>) semaphore(%arg29 : memref<!tpu.dma_semaphore, #tpu.memory_space<semaphore_mem>>)
      %add3A_58 = arith.constant 0 : i32
      %add3A_59 = arith.addi %mul3A_10, %add3A_58 : i32
      %mul3A_60 = arith.constant 128 : i32
      %mul3A_61 = arith.muli %add3A_59, %mul3A_60 : i32
      %add3A_62 = arith.addi %mul3A_2, %mul3A_61 : i32
      %add3A_63 = arith.constant 0 : i32
      %add3A_64 = arith.addi %mul3A_61, %add3A_63 : i32
      %get3A = arith.index_cast %add3A_64 : i32 to index
      %get3A_65 = tpu.vector_load %arg8[%get3A] {strides = array<i32>} : memref<12800xi32, #tpu.memory_space<vmem>>, vector<16xi32>,
      %get3A_66 = vector.shape_cast %get3A_65 : vector<16xi32> to vector<16xi32>
      %eq3A = arith.constant 0 : i32
      %eq3A_67 = vector.broadcast %eq3A : i32 to vector<16xi32>
      %eq3A_68 = arith.cmpi eq, %get3A_66, %eq3A_67 : vector<16xi32>
      %broadcast_in_dim3A = arith.constant 0 : i32
      %broadcast_in_dim3A_69 = vector.broadcast %broadcast_in_dim3A : i32 to vector<16xi32>
      %broadcast_in_dim3A_70 = arith.constant -1 : i32
      %broadcast_in_dim3A_71 = vector.broadcast %broadcast_in_dim3A_70 : i32 to vector<16xi32>
      %select_n3A = arith.select %eq3A_68, %broadcast_in_dim3A_69, %broadcast_in_dim3A_71 : vector<16xi1>, vector<16xi32>
      %swap3A = arith.constant 0 : index
      %swap3A_72 = tpu.vector_load %arg10[%swap3A] {strides = array<i32>} : memref<128xi32, #tpu.memory_space<vmem>>, vector<16xi32>,
      %swap3A_73 = vector.shape_cast %swap3A_72 : vector<16xi32> to vector<16xi32>
      %swap3A_74 = vector.shape_cast %select_n3A : vector<16xi32> to vector<16xi32>
      tpu.vector_store %arg10[%swap3A], %swap3A_74 {strides = array<i32>} : memref<128xi32, #tpu.memory_space<vmem>>, vector<16xi32>,
      %add3A_75 = arith.constant 16 : i32
      %add3A_76 = arith.addi %mul3A_61, %add3A_75 : i32
      %get3A_77 = arith.index_cast %add3A_76 : i32 to index
      %get3A_78 = tpu.vector_load %arg8[%get3A_77] {strides = array<i32>} : memref<12800xi32, #tpu.memory_space<vmem>>, vector<16xi32>,
      %get3A_79 = vector.shape_cast %get3A_78 : vector<16xi32> to vector<16xi32>
      %eq3A_80 = arith.constant 0 : i32
      %eq3A_81 = vector.broadcast %eq3A_80 : i32 to vector<16xi32>
      %eq3A_82 = arith.cmpi eq, %get3A_79, %eq3A_81 : vector<16xi32>
      %broadcast_in_dim3A_83 = arith.constant 0 : i32
      %broadcast_in_dim3A_84 = vector.broadcast %broadcast_in_dim3A_83 : i32 to vector<16xi32>
      %broadcast_in_dim3A_85 = arith.constant -1 : i32
      %broadcast_in_dim3A_86 = vector.broadcast %broadcast_in_dim3A_85 : i32 to vector<16xi32>
      %select_n3A_87 = arith.select %eq3A_82, %broadcast_in_dim3A_84, %broadcast_in_dim3A_86 : vector<16xi1>, vector<16xi32>
      %swap3A_88 = arith.constant 16 : index
      %swap3A_89 = tpu.vector_load %arg10[%swap3A_88] {strides = array<i32>} : memref<128xi32, #tpu.memory_space<vmem>>, vector<16xi32>,
      %swap3A_90 = vector.shape_cast %swap3A_89 : vector<16xi32> to vector<16xi32>
      %swap3A_91 = vector.shape_cast %select_n3A_87 : vector<16xi32> to vector<16xi32>
      tpu.vector_store %arg10[%swap3A_88], %swap3A_91 {strides = array<i32>} : memref<128xi32, #tpu.memory_space<vmem>>, vector<16xi32>,
      %add3A_92 = arith.constant 32 : i32
      %add3A_93 = arith.addi %mul3A_61, %add3A_92 : i32
      %get3A_94 = arith.index_cast %add3A_93 : i32 to index
      %get3A_95 = tpu.vector_load %arg8[%get3A_94] {strides = array<i32>} : memref<12800xi32, #tpu.memory_space<vmem>>, vector<16xi32>,
      %get3A_96 = vector.shape_cast %get3A_95 : vector<16xi32> to vector<16xi32>
      %eq3A_97 = arith.constant 0 : i32
      %eq3A_98 = vector.broadcast %eq3A_97 : i32 to vector<16xi32>
      %eq3A_99 = arith.cmpi eq, %get3A_96, %eq3A_98 : vector<16xi32>
      %broadcast_in_dim3A_100 = arith.constant 0 : i32
      %broadcast_in_dim3A_101 = vector.broadcast %broadcast_in_dim3A_100 : i32 to vector<16xi32>
      %broadcast_in_dim3A_102 = arith.constant -1 : i32
      %broadcast_in_dim3A_103 = vector.broadcast %broadcast_in_dim3A_102 : i32 to vector<16xi32>
      %select_n3A_104 = arith.select %eq3A_99, %broadcast_in_dim3A_101, %broadcast_in_dim3A_103 : vector<16xi1>, vector<16xi32>
      %swap3A_105 = arith.constant 32 : index
      %swap3A_106 = tpu.vector_load %arg10[%swap3A_105] {strides = array<i32>} : memref<128xi32, #tpu.memory_space<vmem>>, vector<16xi32>,
      %swap3A_107 = vector.shape_cast %swap3A_106 : vector<16xi32> to vector<16xi32>
      %swap3A_108 = vector.shape_cast %select_n3A_104 : vector<16xi32> to vector<16xi32>
      tpu.vector_store %arg10[%swap3A_105], %swap3A_108 {strides = array<i32>} : memref<128xi32, #tpu.memory_space<vmem>>, vector<16xi32>,
      %add3A_109 = arith.constant 48 : i32
      %add3A_110 = arith.addi %mul3A_61, %add3A_109 : i32
      %get3A_111 = arith.index_cast %add3A_110 : i32 to index
      %get3A_112 = tpu.vector_load %arg8[%get3A_111] {strides = array<i32>} : memref<12800xi32, #tpu.memory_space<vmem>>, vector<16xi32>,
      %get3A_113 = vector.shape_cast %get3A_112 : vector<16xi32> to vector<16xi32>
      %eq3A_114 = arith.constant 0 : i32
      %eq3A_115 = vector.broadcast %eq3A_114 : i32 to vector<16xi32>
      %eq3A_116 = arith.cmpi eq, %get3A_113, %eq3A_115 : vector<16xi32>
      %broadcast_in_dim3A_117 = arith.constant 0 : i32
      %broadcast_in_dim3A_118 = vector.broadcast %broadcast_in_dim3A_117 : i32 to vector<16xi32>
      %broadcast_in_dim3A_119 = arith.constant -1 : i32
      %broadcast_in_dim3A_120 = vector.broadcast %broadcast_in_dim3A_119 : i32 to vector<16xi32>
      %select_n3A_121 = arith.select %eq3A_116, %broadcast_in_dim3A_118, %broadcast_in_dim3A_120 : vector<16xi1>, vector<16xi32>
      %swap3A_122 = arith.constant 48 : index
      %swap3A_123 = tpu.vector_load %arg10[%swap3A_122] {strides = array<i32>} : memref<128xi32, #tpu.memory_space<vmem>>, vector<16xi32>,
      %swap3A_124 = vector.shape_cast %swap3A_123 : vector<16xi32> to vector<16xi32>
      %swap3A_125 = vector.shape_cast %select_n3A_121 : vector<16xi32> to vector<16xi32>
      tpu.vector_store %arg10[%swap3A_122], %swap3A_125 {strides = array<i32>} : memref<128xi32, #tpu.memory_space<vmem>>, vector<16xi32>,
      %add3A_126 = arith.constant 64 : i32
      %add3A_127 = arith.addi %mul3A_61, %add3A_126 : i32
      %get3A_128 = arith.index_cast %add3A_127 : i32 to index
      %get3A_129 = tpu.vector_load %arg8[%get3A_128] {strides = array<i32>} : memref<12800xi32, #tpu.memory_space<vmem>>, vector<16xi32>,
      %get3A_130 = vector.shape_cast %get3A_129 : vector<16xi32> to vector<16xi32>
      %eq3A_131 = arith.constant 0 : i32
      %eq3A_132 = vector.broadcast %eq3A_131 : i32 to vector<16xi32>
      %eq3A_133 = arith.cmpi eq, %get3A_130, %eq3A_132 : vector<16xi32>
      %broadcast_in_dim3A_134 = arith.constant 0 : i32
      %broadcast_in_dim3A_135 = vector.broadcast %broadcast_in_dim3A_134 : i32 to vector<16xi32>
      %broadcast_in_dim3A_136 = arith.constant -1 : i32
      %broadcast_in_dim3A_137 = vector.broadcast %broadcast_in_dim3A_136 : i32 to vector<16xi32>
      %select_n3A_138 = arith.select %eq3A_133, %broadcast_in_dim3A_135, %broadcast_in_dim3A_137 : vector<16xi1>, vector<16xi32>
      %swap3A_139 = arith.constant 64 : index
      %swap3A_140 = tpu.vector_load %arg10[%swap3A_139] {strides = array<i32>} : memref<128xi32, #tpu.memory_space<vmem>>, vector<16xi32>,
      %swap3A_141 = vector.shape_cast %swap3A_140 : vector<16xi32> to vector<16xi32>
      %swap3A_142 = vector.shape_cast %select_n3A_138 : vector<16xi32> to vector<16xi32>
      tpu.vector_store %arg10[%swap3A_139], %swap3A_142 {strides = array<i32>} : memref<128xi32, #tpu.memory_space<vmem>>, vector<16xi32>,
      %add3A_143 = arith.constant 80 : i32
      %add3A_144 = arith.addi %mul3A_61, %add3A_143 : i32
      %get3A_145 = arith.index_cast %add3A_144 : i32 to index
      %get3A_146 = tpu.vector_load %arg8[%get3A_145] {strides = array<i32>} : memref<12800xi32, #tpu.memory_space<vmem>>, vector<16xi32>,
      %get3A_147 = vector.shape_cast %get3A_146 : vector<16xi32> to vector<16xi32>
      %eq3A_148 = arith.constant 0 : i32
      %eq3A_149 = vector.broadcast %eq3A_148 : i32 to vector<16xi32>
      %eq3A_150 = arith.cmpi eq, %get3A_147, %eq3A_149 : vector<16xi32>
      %broadcast_in_dim3A_151 = arith.constant 0 : i32
      %broadcast_in_dim3A_152 = vector.broadcast %broadcast_in_dim3A_151 : i32 to vector<16xi32>
      %broadcast_in_dim3A_153 = arith.constant -1 : i32
      %broadcast_in_dim3A_154 = vector.broadcast %broadcast_in_dim3A_153 : i32 to vector<16xi32>
      %select_n3A_155 = arith.select %eq3A_150, %broadcast_in_dim3A_152, %broadcast_in_dim3A_154 : vector<16xi1>, vector<16xi32>
      %swap3A_156 = arith.constant 80 : index
      %swap3A_157 = tpu.vector_load %arg10[%swap3A_156] {strides = array<i32>} : memref<128xi32, #tpu.memory_space<vmem>>, vector<16xi32>,
      %swap3A_158 = vector.shape_cast %swap3A_157 : vector<16xi32> to vector<16xi32>
      %swap3A_159 = vector.shape_cast %select_n3A_155 : vector<16xi32> to vector<16xi32>
      tpu.vector_store %arg10[%swap3A_156], %swap3A_159 {strides = array<i32>} : memref<128xi32, #tpu.memory_space<vmem>>, vector<16xi32>,
      %add3A_160 = arith.constant 96 : i32
      %add3A_161 = arith.addi %mul3A_61, %add3A_160 : i32
      %get3A_162 = arith.index_cast %add3A_161 : i32 to index
      %get3A_163 = tpu.vector_load %arg8[%get3A_162] {strides = array<i32>} : memref<12800xi32, #tpu.memory_space<vmem>>, vector<16xi32>,
      %get3A_164 = vector.shape_cast %get3A_163 : vector<16xi32> to vector<16xi32>
      %eq3A_165 = arith.constant 0 : i32
      %eq3A_166 = vector.broadcast %eq3A_165 : i32 to vector<16xi32>
      %eq3A_167 = arith.cmpi eq, %get3A_164, %eq3A_166 : vector<16xi32>
      %broadcast_in_dim3A_168 = arith.constant 0 : i32
      %broadcast_in_dim3A_169 = vector.broadcast %broadcast_in_dim3A_168 : i32 to vector<16xi32>
      %broadcast_in_dim3A_170 = arith.constant -1 : i32
      %broadcast_in_dim3A_171 = vector.broadcast %broadcast_in_dim3A_170 : i32 to vector<16xi32>
      %select_n3A_172 = arith.select %eq3A_167, %broadcast_in_dim3A_169, %broadcast_in_dim3A_171 : vector<16xi1>, vector<16xi32>
      %swap3A_173 = arith.constant 96 : index
      %swap3A_174 = tpu.vector_load %arg10[%swap3A_173] {strides = array<i32>} : memref<128xi32, #tpu.memory_space<vmem>>, vector<16xi32>,
      %swap3A_175 = vector.shape_cast %swap3A_174 : vector<16xi32> to vector<16xi32>
      %swap3A_176 = vector.shape_cast %select_n3A_172 : vector<16xi32> to vector<16xi32>
      tpu.vector_store %arg10[%swap3A_173], %swap3A_176 {strides = array<i32>} : memref<128xi32, #tpu.memory_space<vmem>>, vector<16xi32>,
      %add3A_177 = arith.constant 112 : i32
      %add3A_178 = arith.addi %mul3A_61, %add3A_177 : i32
      %get3A_179 = arith.index_cast %add3A_178 : i32 to index
      %get3A_180 = tpu.vector_load %arg8[%get3A_179] {strides = array<i32>} : memref<12800xi32, #tpu.memory_space<vmem>>, vector<16xi32>,
      %get3A_181 = vector.shape_cast %get3A_180 : vector<16xi32> to vector<16xi32>
      %eq3A_182 = arith.constant 0 : i32
      %eq3A_183 = vector.broadcast %eq3A_182 : i32 to vector<16xi32>
      %eq3A_184 = arith.cmpi eq, %get3A_181, %eq3A_183 : vector<16xi32>
      %broadcast_in_dim3A_185 = arith.constant 0 : i32
      %broadcast_in_dim3A_186 = vector.broadcast %broadcast_in_dim3A_185 : i32 to vector<16xi32>
      %broadcast_in_dim3A_187 = arith.constant -1 : i32
      %broadcast_in_dim3A_188 = vector.broadcast %broadcast_in_dim3A_187 : i32 to vector<16xi32>
      %select_n3A_189 = arith.select %eq3A_184, %broadcast_in_dim3A_186, %broadcast_in_dim3A_188 : vector<16xi1>, vector<16xi32>
      %swap3A_190 = arith.constant 112 : index
      %swap3A_191 = tpu.vector_load %arg10[%swap3A_190] {strides = array<i32>} : memref<128xi32, #tpu.memory_space<vmem>>, vector<16xi32>,
      %swap3A_192 = vector.shape_cast %swap3A_191 : vector<16xi32> to vector<16xi32>
      %swap3A_193 = vector.shape_cast %select_n3A_189 : vector<16xi32> to vector<16xi32>
      tpu.vector_store %arg10[%swap3A_190], %swap3A_193 {strides = array<i32>} : memref<128xi32, #tpu.memory_space<vmem>>, vector<16xi32>,
      %dma_wait3A = tpu.memref_slice %arg8[%mul3A_14] : memref<12800xi32, #tpu.memory_space<vmem>> -> memref<128xi32, #tpu.memory_space<vmem>>
      %dma_wait3A_194 = arith.constant 0 : i32
      %dma_wait3A_195 = arith.constant 0 : i32
      %dma_wait3A_196 = tpu.memref_slice %arg2[%dma_wait3A_194, %dma_wait3A_195] : memref<1000000x64xf32, #tpu.memory_space<hbm>> -> memref<1000000x64xf32, #tpu.memory_space<hbm>>
      tpu.wait_indirect_dma semaphore(%arg22 : memref<!tpu.dma_semaphore, #tpu.memory_space<semaphore_mem>>) src(%dma_wait3A_196 : memref<1000000x64xf32, #tpu.memory_space<hbm>>) dst(%arg14 : memref<128x64xf32, #tpu.memory_space<vmem>>)
      %dma_start3A_197 = arith.constant 0 : i32
      %dma_start3A_198 = arith.constant 0 : i32
      %dma_start3A_199 = tpu.memref_slice %arg6[%dma_start3A_197, %dma_start3A_198] : memref<8x64xf32, #tpu.memory_space<hbm>> -> memref<8x64xf32, #tpu.memory_space<hbm>>
      %dma_start3A_200 = arith.constant -1 : i32
      tpu.enqueue_indirect_dma source(%dma_start3A_199 : memref<8x64xf32, #tpu.memory_space<hbm>>) target(%arg14 : memref<128x64xf32, #tpu.memory_space<vmem>>) offsets(%arg10 : memref<128xi32, #tpu.memory_space<vmem>>) offset_filter(%dma_start3A_200) semaphore(%arg30 : memref<!tpu.dma_semaphore, #tpu.memory_space<semaphore_mem>>)
      %dma_wait3A_201 = arith.constant 0 : i32
      %dma_wait3A_202 = arith.constant 0 : i32
      %dma_wait3A_203 = tpu.memref_slice %arg6[%dma_wait3A_201, %dma_wait3A_202] : memref<8x64xf32, #tpu.memory_space<hbm>> -> memref<8x64xf32, #tpu.memory_space<hbm>>
      tpu.wait_indirect_dma semaphore(%arg30 : memref<!tpu.dma_semaphore, #tpu.memory_space<semaphore_mem>>) src(%dma_wait3A_203 : memref<8x64xf32, #tpu.memory_space<hbm>>) dst(%arg14 : memref<128x64xf32, #tpu.memory_space<vmem>>)
      %dma_wait3A_204 = tpu.memref_slice %arg9[%mul3A_14] : memref<12800xi32, #tpu.memory_space<vmem>> -> memref<128xi32, #tpu.memory_space<vmem>>
      %dma_wait3A_205 = arith.constant 0 : i32
      %dma_wait3A_206 = arith.constant 0 : i32
      %dma_wait3A_207 = tpu.memref_slice %arg3[%dma_wait3A_205, %dma_wait3A_206] : memref<1000x32xf32, #tpu.memory_space<hbm>> -> memref<1000x32xf32, #tpu.memory_space<hbm>>
      tpu.wait_indirect_dma semaphore(%arg26 : memref<!tpu.dma_semaphore, #tpu.memory_space<semaphore_mem>>) src(%dma_wait3A_207 : memref<1000x32xf32, #tpu.memory_space<hbm>>) dst(%arg18 : memref<128x32xf32, #tpu.memory_space<vmem>>)
      "tpu.region"() ({
        %run_scoped3A = tpu.sem_alloc : memref<!tpu.dma_semaphore, #tpu.memory_space<semaphore_mem>>
        %dma_start3A_676 = arith.constant 0 : i32
        %dma_start3A_677 = tpu.memref_slice %arg7[%add3A_62, %dma_start3A_676] : memref<409600x128xf32, #tpu.memory_space<hbm>> -> memref<128x64xf32, #tpu.memory_space<hbm>>
        %dma_start3A_678 = arith.constant 0 : i32
        %dma_start3A_679 = tpu.memref_slice %arg7[%add3A_62, %dma_start3A_678] : memref<409600x128xf32, #tpu.memory_space<hbm>> -> memref<128x64xf32, #tpu.memory_space<hbm>>
        tpu.enqueue_dma source(%arg14 : memref<128x64xf32, #tpu.memory_space<vmem>>) target(%dma_start3A_679 : memref<128x64xf32, #tpu.memory_space<hbm>>) target_semaphore(%run_scoped3A : memref<!tpu.dma_semaphore, #tpu.memory_space<semaphore_mem>>)
        %dma_wait3A_680 = arith.constant 0 : i32
        %dma_wait3A_681 = tpu.memref_slice %arg7[%add3A_62, %dma_wait3A_680] : memref<409600x128xf32, #tpu.memory_space<hbm>> -> memref<128x64xf32, #tpu.memory_space<hbm>>
        %dma_wait3A_682 = arith.constant 0 : i32
        %dma_wait3A_683 = tpu.memref_slice %arg7[%add3A_62, %dma_wait3A_682] : memref<409600x128xf32, #tpu.memory_space<hbm>> -> memref<128x64xf32, #tpu.memory_space<hbm>>
        tpu.wait_dma2 semaphore(%run_scoped3A : memref<!tpu.dma_semaphore, #tpu.memory_space<semaphore_mem>>) src(%arg14 : memref<128x64xf32, #tpu.memory_space<vmem>>) dst(%dma_wait3A_683 : memref<128x64xf32, #tpu.memory_space<hbm>>)
        tpu.yield
      }) : () -> ()
      "tpu.region"() ({
        %run_scoped3A = tpu.sem_alloc : memref<!tpu.dma_semaphore, #tpu.memory_space<semaphore_mem>>
        %dma_start3A_676 = arith.constant 64 : i32
        %dma_start3A_677 = tpu.memref_slice %arg7[%add3A_62, %dma_start3A_676] : memref<409600x128xf32, #tpu.memory_space<hbm>> -> memref<128x32xf32, #tpu.memory_space<hbm>>
        %dma_start3A_678 = arith.constant 64 : i32
        %dma_start3A_679 = tpu.memref_slice %arg7[%add3A_62, %dma_start3A_678] : memref<409600x128xf32, #tpu.memory_space<hbm>> -> memref<128x32xf32, #tpu.memory_space<hbm>>
        tpu.enqueue_dma source(%arg18 : memref<128x32xf32, #tpu.memory_space<vmem>>) target(%dma_start3A_679 : memref<128x32xf32, #tpu.memory_space<hbm>>) target_semaphore(%run_scoped3A : memref<!tpu.dma_semaphore, #tpu.memory_space<semaphore_mem>>)
        %dma_wait3A_680 = arith.constant 64 : i32
        %dma_wait3A_681 = tpu.memref_slice %arg7[%add3A_62, %dma_wait3A_680] : memref<409600x128xf32, #tpu.memory_space<hbm>> -> memref<128x32xf32, #tpu.memory_space<hbm>>
        %dma_wait3A_682 = arith.constant 64 : i32
        %dma_wait3A_683 = tpu.memref_slice %arg7[%add3A_62, %dma_wait3A_682] : memref<409600x128xf32, #tpu.memory_space<hbm>> -> memref<128x32xf32, #tpu.memory_space<hbm>>
        tpu.wait_dma2 semaphore(%run_scoped3A : memref<!tpu.dma_semaphore, #tpu.memory_space<semaphore_mem>>) src(%arg18 : memref<128x32xf32, #tpu.memory_space<vmem>>) dst(%dma_wait3A_683 : memref<128x32xf32, #tpu.memory_space<hbm>>)
        tpu.yield
      }) : () -> ()
      %add3A_208 = arith.constant 1 : i32
      %add3A_209 = arith.addi %mul3A_10, %add3A_208 : i32
      %mul3A_210 = arith.constant 128 : i32
      %mul3A_211 = arith.muli %add3A_209, %mul3A_210 : i32
      %add3A_212 = arith.addi %mul3A_2, %mul3A_211 : i32
      %add3A_213 = arith.constant 0 : i32
      %add3A_214 = arith.addi %mul3A_211, %add3A_213 : i32
      %get3A_215 = arith.index_cast %add3A_214 : i32 to index
      %get3A_216 = tpu.vector_load %arg8[%get3A_215] {strides = array<i32>} : memref<12800xi32, #tpu.memory_space<vmem>>, vector<16xi32>,
      %get3A_217 = vector.shape_cast %get3A_216 : vector<16xi32> to vector<16xi32>
      %eq3A_218 = arith.constant 0 : i32
      %eq3A_219 = vector.broadcast %eq3A_218 : i32 to vector<16xi32>
      %eq3A_220 = arith.cmpi eq, %get3A_217, %eq3A_219 : vector<16xi32>
      %broadcast_in_dim3A_221 = arith.constant 0 : i32
      %broadcast_in_dim3A_222 = vector.broadcast %broadcast_in_dim3A_221 : i32 to vector<16xi32>
      %broadcast_in_dim3A_223 = arith.constant -1 : i32
      %broadcast_in_dim3A_224 = vector.broadcast %broadcast_in_dim3A_223 : i32 to vector<16xi32>
      %select_n3A_225 = arith.select %eq3A_220, %broadcast_in_dim3A_222, %broadcast_in_dim3A_224 : vector<16xi1>, vector<16xi32>
      %swap3A_226 = arith.constant 0 : index
      %swap3A_227 = tpu.vector_load %arg11[%swap3A_226] {strides = array<i32>} : memref<128xi32, #tpu.memory_space<vmem>>, vector<16xi32>,
      %swap3A_228 = vector.shape_cast %swap3A_227 : vector<16xi32> to vector<16xi32>
      %swap3A_229 = vector.shape_cast %select_n3A_225 : vector<16xi32> to vector<16xi32>
      tpu.vector_store %arg11[%swap3A_226], %swap3A_229 {strides = array<i32>} : memref<128xi32, #tpu.memory_space<vmem>>, vector<16xi32>,
      %add3A_230 = arith.constant 16 : i32
      %add3A_231 = arith.addi %mul3A_211, %add3A_230 : i32
      %get3A_232 = arith.index_cast %add3A_231 : i32 to index
      %get3A_233 = tpu.vector_load %arg8[%get3A_232] {strides = array<i32>} : memref<12800xi32, #tpu.memory_space<vmem>>, vector<16xi32>,
      %get3A_234 = vector.shape_cast %get3A_233 : vector<16xi32> to vector<16xi32>
      %eq3A_235 = arith.constant 0 : i32
      %eq3A_236 = vector.broadcast %eq3A_235 : i32 to vector<16xi32>
      %eq3A_237 = arith.cmpi eq, %get3A_234, %eq3A_236 : vector<16xi32>
      %broadcast_in_dim3A_238 = arith.constant 0 : i32
      %broadcast_in_dim3A_239 = vector.broadcast %broadcast_in_dim3A_238 : i32 to vector<16xi32>
      %broadcast_in_dim3A_240 = arith.constant -1 : i32
      %broadcast_in_dim3A_241 = vector.broadcast %broadcast_in_dim3A_240 : i32 to vector<16xi32>
      %select_n3A_242 = arith.select %eq3A_237, %broadcast_in_dim3A_239, %broadcast_in_dim3A_241 : vector<16xi1>, vector<16xi32>
      %swap3A_243 = arith.constant 16 : index
      %swap3A_244 = tpu.vector_load %arg11[%swap3A_243] {strides = array<i32>} : memref<128xi32, #tpu.memory_space<vmem>>, vector<16xi32>,
      %swap3A_245 = vector.shape_cast %swap3A_244 : vector<16xi32> to vector<16xi32>
      %swap3A_246 = vector.shape_cast %select_n3A_242 : vector<16xi32> to vector<16xi32>
      tpu.vector_store %arg11[%swap3A_243], %swap3A_246 {strides = array<i32>} : memref<128xi32, #tpu.memory_space<vmem>>, vector<16xi32>,
      %add3A_247 = arith.constant 32 : i32
      %add3A_248 = arith.addi %mul3A_211, %add3A_247 : i32
      %get3A_249 = arith.index_cast %add3A_248 : i32 to index
      %get3A_250 = tpu.vector_load %arg8[%get3A_249] {strides = array<i32>} : memref<12800xi32, #tpu.memory_space<vmem>>, vector<16xi32>,
      %get3A_251 = vector.shape_cast %get3A_250 : vector<16xi32> to vector<16xi32>
      %eq3A_252 = arith.constant 0 : i32
      %eq3A_253 = vector.broadcast %eq3A_252 : i32 to vector<16xi32>
      %eq3A_254 = arith.cmpi eq, %get3A_251, %eq3A_253 : vector<16xi32>
      %broadcast_in_dim3A_255 = arith.constant 0 : i32
      %broadcast_in_dim3A_256 = vector.broadcast %broadcast_in_dim3A_255 : i32 to vector<16xi32>
      %broadcast_in_dim3A_257 = arith.constant -1 : i32
      %broadcast_in_dim3A_258 = vector.broadcast %broadcast_in_dim3A_257 : i32 to vector<16xi32>
      %select_n3A_259 = arith.select %eq3A_254, %broadcast_in_dim3A_256, %broadcast_in_dim3A_258 : vector<16xi1>, vector<16xi32>
      %swap3A_260 = arith.constant 32 : index
      %swap3A_261 = tpu.vector_load %arg11[%swap3A_260] {strides = array<i32>} : memref<128xi32, #tpu.memory_space<vmem>>, vector<16xi32>,
      %swap3A_262 = vector.shape_cast %swap3A_261 : vector<16xi32> to vector<16xi32>
      %swap3A_263 = vector.shape_cast %select_n3A_259 : vector<16xi32> to vector<16xi32>
      tpu.vector_store %arg11[%swap3A_260], %swap3A_263 {strides = array<i32>} : memref<128xi32, #tpu.memory_space<vmem>>, vector<16xi32>,
      %add3A_264 = arith.constant 48 : i32
      %add3A_265 = arith.addi %mul3A_211, %add3A_264 : i32
      %get3A_266 = arith.index_cast %add3A_265 : i32 to index
      %get3A_267 = tpu.vector_load %arg8[%get3A_266] {strides = array<i32>} : memref<12800xi32, #tpu.memory_space<vmem>>, vector<16xi32>,
      %get3A_268 = vector.shape_cast %get3A_267 : vector<16xi32> to vector<16xi32>
      %eq3A_269 = arith.constant 0 : i32
      %eq3A_270 = vector.broadcast %eq3A_269 : i32 to vector<16xi32>
      %eq3A_271 = arith.cmpi eq, %get3A_268, %eq3A_270 : vector<16xi32>
      %broadcast_in_dim3A_272 = arith.constant 0 : i32
      %broadcast_in_dim3A_273 = vector.broadcast %broadcast_in_dim3A_272 : i32 to vector<16xi32>
      %broadcast_in_dim3A_274 = arith.constant -1 : i32
      %broadcast_in_dim3A_275 = vector.broadcast %broadcast_in_dim3A_274 : i32 to vector<16xi32>
      %select_n3A_276 = arith.select %eq3A_271, %broadcast_in_dim3A_273, %broadcast_in_dim3A_275 : vector<16xi1>, vector<16xi32>
      %swap3A_277 = arith.constant 48 : index
      %swap3A_278 = tpu.vector_load %arg11[%swap3A_277] {strides = array<i32>} : memref<128xi32, #tpu.memory_space<vmem>>, vector<16xi32>,
      %swap3A_279 = vector.shape_cast %swap3A_278 : vector<16xi32> to vector<16xi32>
      %swap3A_280 = vector.shape_cast %select_n3A_276 : vector<16xi32> to vector<16xi32>
      tpu.vector_store %arg11[%swap3A_277], %swap3A_280 {strides = array<i32>} : memref<128xi32, #tpu.memory_space<vmem>>, vector<16xi32>,
      %add3A_281 = arith.constant 64 : i32
      %add3A_282 = arith.addi %mul3A_211, %add3A_281 : i32
      %get3A_283 = arith.index_cast %add3A_282 : i32 to index
      %get3A_284 = tpu.vector_load %arg8[%get3A_283] {strides = array<i32>} : memref<12800xi32, #tpu.memory_space<vmem>>, vector<16xi32>,
      %get3A_285 = vector.shape_cast %get3A_284 : vector<16xi32> to vector<16xi32>
      %eq3A_286 = arith.constant 0 : i32
      %eq3A_287 = vector.broadcast %eq3A_286 : i32 to vector<16xi32>
      %eq3A_288 = arith.cmpi eq, %get3A_285, %eq3A_287 : vector<16xi32>
      %broadcast_in_dim3A_289 = arith.constant 0 : i32
      %broadcast_in_dim3A_290 = vector.broadcast %broadcast_in_dim3A_289 : i32 to vector<16xi32>
      %broadcast_in_dim3A_291 = arith.constant -1 : i32
      %broadcast_in_dim3A_292 = vector.broadcast %broadcast_in_dim3A_291 : i32 to vector<16xi32>
      %select_n3A_293 = arith.select %eq3A_288, %broadcast_in_dim3A_290, %broadcast_in_dim3A_292 : vector<16xi1>, vector<16xi32>
      %swap3A_294 = arith.constant 64 : index
      %swap3A_295 = tpu.vector_load %arg11[%swap3A_294] {strides = array<i32>} : memref<128xi32, #tpu.memory_space<vmem>>, vector<16xi32>,
      %swap3A_296 = vector.shape_cast %swap3A_295 : vector<16xi32> to vector<16xi32>
      %swap3A_297 = vector.shape_cast %select_n3A_293 : vector<16xi32> to vector<16xi32>
      tpu.vector_store %arg11[%swap3A_294], %swap3A_297 {strides = array<i32>} : memref<128xi32, #tpu.memory_space<vmem>>, vector<16xi32>,
      %add3A_298 = arith.constant 80 : i32
      %add3A_299 = arith.addi %mul3A_211, %add3A_298 : i32
      %get3A_300 = arith.index_cast %add3A_299 : i32 to index
      %get3A_301 = tpu.vector_load %arg8[%get3A_300] {strides = array<i32>} : memref<12800xi32, #tpu.memory_space<vmem>>, vector<16xi32>,
      %get3A_302 = vector.shape_cast %get3A_301 : vector<16xi32> to vector<16xi32>
      %eq3A_303 = arith.constant 0 : i32
      %eq3A_304 = vector.broadcast %eq3A_303 : i32 to vector<16xi32>
      %eq3A_305 = arith.cmpi eq, %get3A_302, %eq3A_304 : vector<16xi32>
      %broadcast_in_dim3A_306 = arith.constant 0 : i32
      %broadcast_in_dim3A_307 = vector.broadcast %broadcast_in_dim3A_306 : i32 to vector<16xi32>
      %broadcast_in_dim3A_308 = arith.constant -1 : i32
      %broadcast_in_dim3A_309 = vector.broadcast %broadcast_in_dim3A_308 : i32 to vector<16xi32>
      %select_n3A_310 = arith.select %eq3A_305, %broadcast_in_dim3A_307, %broadcast_in_dim3A_309 : vector<16xi1>, vector<16xi32>
      %swap3A_311 = arith.constant 80 : index
      %swap3A_312 = tpu.vector_load %arg11[%swap3A_311] {strides = array<i32>} : memref<128xi32, #tpu.memory_space<vmem>>, vector<16xi32>,
      %swap3A_313 = vector.shape_cast %swap3A_312 : vector<16xi32> to vector<16xi32>
      %swap3A_314 = vector.shape_cast %select_n3A_310 : vector<16xi32> to vector<16xi32>
      tpu.vector_store %arg11[%swap3A_311], %swap3A_314 {strides = array<i32>} : memref<128xi32, #tpu.memory_space<vmem>>, vector<16xi32>,
      %add3A_315 = arith.constant 96 : i32
      %add3A_316 = arith.addi %mul3A_211, %add3A_315 : i32
      %get3A_317 = arith.index_cast %add3A_316 : i32 to index
      %get3A_318 = tpu.vector_load %arg8[%get3A_317] {strides = array<i32>} : memref<12800xi32, #tpu.memory_space<vmem>>, vector<16xi32>,
      %get3A_319 = vector.shape_cast %get3A_318 : vector<16xi32> to vector<16xi32>
      %eq3A_320 = arith.constant 0 : i32
      %eq3A_321 = vector.broadcast %eq3A_320 : i32 to vector<16xi32>
      %eq3A_322 = arith.cmpi eq, %get3A_319, %eq3A_321 : vector<16xi32>
      %broadcast_in_dim3A_323 = arith.constant 0 : i32
      %broadcast_in_dim3A_324 = vector.broadcast %broadcast_in_dim3A_323 : i32 to vector<16xi32>
      %broadcast_in_dim3A_325 = arith.constant -1 : i32
      %broadcast_in_dim3A_326 = vector.broadcast %broadcast_in_dim3A_325 : i32 to vector<16xi32>
      %select_n3A_327 = arith.select %eq3A_322, %broadcast_in_dim3A_324, %broadcast_in_dim3A_326 : vector<16xi1>, vector<16xi32>
      %swap3A_328 = arith.constant 96 : index
      %swap3A_329 = tpu.vector_load %arg11[%swap3A_328] {strides = array<i32>} : memref<128xi32, #tpu.memory_space<vmem>>, vector<16xi32>,
      %swap3A_330 = vector.shape_cast %swap3A_329 : vector<16xi32> to vector<16xi32>
      %swap3A_331 = vector.shape_cast %select_n3A_327 : vector<16xi32> to vector<16xi32>
      tpu.vector_store %arg11[%swap3A_328], %swap3A_331 {strides = array<i32>} : memref<128xi32, #tpu.memory_space<vmem>>, vector<16xi32>,
      %add3A_332 = arith.constant 112 : i32
      %add3A_333 = arith.addi %mul3A_211, %add3A_332 : i32
      %get3A_334 = arith.index_cast %add3A_333 : i32 to index
      %get3A_335 = tpu.vector_load %arg8[%get3A_334] {strides = array<i32>} : memref<12800xi32, #tpu.memory_space<vmem>>, vector<16xi32>,
      %get3A_336 = vector.shape_cast %get3A_335 : vector<16xi32> to vector<16xi32>
      %eq3A_337 = arith.constant 0 : i32
      %eq3A_338 = vector.broadcast %eq3A_337 : i32 to vector<16xi32>
      %eq3A_339 = arith.cmpi eq, %get3A_336, %eq3A_338 : vector<16xi32>
      %broadcast_in_dim3A_340 = arith.constant 0 : i32
      %broadcast_in_dim3A_341 = vector.broadcast %broadcast_in_dim3A_340 : i32 to vector<16xi32>
      %broadcast_in_dim3A_342 = arith.constant -1 : i32
      %broadcast_in_dim3A_343 = vector.broadcast %broadcast_in_dim3A_342 : i32 to vector<16xi32>
      %select_n3A_344 = arith.select %eq3A_339, %broadcast_in_dim3A_341, %broadcast_in_dim3A_343 : vector<16xi1>, vector<16xi32>
      %swap3A_345 = arith.constant 112 : index
      %swap3A_346 = tpu.vector_load %arg11[%swap3A_345] {strides = array<i32>} : memref<128xi32, #tpu.memory_space<vmem>>, vector<16xi32>,
      %swap3A_347 = vector.shape_cast %swap3A_346 : vector<16xi32> to vector<16xi32>
      %swap3A_348 = vector.shape_cast %select_n3A_344 : vector<16xi32> to vector<16xi32>
      tpu.vector_store %arg11[%swap3A_345], %swap3A_348 {strides = array<i32>} : memref<128xi32, #tpu.memory_space<vmem>>, vector<16xi32>,
      %dma_wait3A_349 = tpu.memref_slice %arg8[%mul3A_25] : memref<12800xi32, #tpu.memory_space<vmem>> -> memref<128xi32, #tpu.memory_space<vmem>>
      %dma_wait3A_350 = arith.constant 0 : i32
      %dma_wait3A_351 = arith.constant 0 : i32
      %dma_wait3A_352 = tpu.memref_slice %arg2[%dma_wait3A_350, %dma_wait3A_351] : memref<1000000x64xf32, #tpu.memory_space<hbm>> -> memref<1000000x64xf32, #tpu.memory_space<hbm>>
      tpu.wait_indirect_dma semaphore(%arg23 : memref<!tpu.dma_semaphore, #tpu.memory_space<semaphore_mem>>) src(%dma_wait3A_352 : memref<1000000x64xf32, #tpu.memory_space<hbm>>) dst(%arg15 : memref<128x64xf32, #tpu.memory_space<vmem>>)
      %dma_start3A_353 = arith.constant 0 : i32
      %dma_start3A_354 = arith.constant 0 : i32
      %dma_start3A_355 = tpu.memref_slice %arg6[%dma_start3A_353, %dma_start3A_354] : memref<8x64xf32, #tpu.memory_space<hbm>> -> memref<8x64xf32, #tpu.memory_space<hbm>>
      %dma_start3A_356 = arith.constant -1 : i32
      tpu.enqueue_indirect_dma source(%dma_start3A_355 : memref<8x64xf32, #tpu.memory_space<hbm>>) target(%arg15 : memref<128x64xf32, #tpu.memory_space<vmem>>) offsets(%arg11 : memref<128xi32, #tpu.memory_space<vmem>>) offset_filter(%dma_start3A_356) semaphore(%arg30 : memref<!tpu.dma_semaphore, #tpu.memory_space<semaphore_mem>>)
      %dma_wait3A_357 = arith.constant 0 : i32
      %dma_wait3A_358 = arith.constant 0 : i32
      %dma_wait3A_359 = tpu.memref_slice %arg6[%dma_wait3A_357, %dma_wait3A_358] : memref<8x64xf32, #tpu.memory_space<hbm>> -> memref<8x64xf32, #tpu.memory_space<hbm>>
      tpu.wait_indirect_dma semaphore(%arg30 : memref<!tpu.dma_semaphore, #tpu.memory_space<semaphore_mem>>) src(%dma_wait3A_359 : memref<8x64xf32, #tpu.memory_space<hbm>>) dst(%arg15 : memref<128x64xf32, #tpu.memory_space<vmem>>)
      %dma_wait3A_360 = tpu.memref_slice %arg9[%mul3A_25] : memref<12800xi32, #tpu.memory_space<vmem>> -> memref<128xi32, #tpu.memory_space<vmem>>
      %dma_wait3A_361 = arith.constant 0 : i32
      %dma_wait3A_362 = arith.constant 0 : i32
      %dma_wait3A_363 = tpu.memref_slice %arg3[%dma_wait3A_361, %dma_wait3A_362] : memref<1000x32xf32, #tpu.memory_space<hbm>> -> memref<1000x32xf32, #tpu.memory_space<hbm>>
      tpu.wait_indirect_dma semaphore(%arg27 : memref<!tpu.dma_semaphore, #tpu.memory_space<semaphore_mem>>) src(%dma_wait3A_363 : memref<1000x32xf32, #tpu.memory_space<hbm>>) dst(%arg19 : memref<128x32xf32, #tpu.memory_space<vmem>>)
      "tpu.region"() ({
        %run_scoped3A = tpu.sem_alloc : memref<!tpu.dma_semaphore, #tpu.memory_space<semaphore_mem>>
        %dma_start3A_676 = arith.constant 0 : i32
        %dma_start3A_677 = tpu.memref_slice %arg7[%add3A_212, %dma_start3A_676] : memref<409600x128xf32, #tpu.memory_space<hbm>> -> memref<128x64xf32, #tpu.memory_space<hbm>>
        %dma_start3A_678 = arith.constant 0 : i32
        %dma_start3A_679 = tpu.memref_slice %arg7[%add3A_212, %dma_start3A_678] : memref<409600x128xf32, #tpu.memory_space<hbm>> -> memref<128x64xf32, #tpu.memory_space<hbm>>
        tpu.enqueue_dma source(%arg15 : memref<128x64xf32, #tpu.memory_space<vmem>>) target(%dma_start3A_679 : memref<128x64xf32, #tpu.memory_space<hbm>>) target_semaphore(%run_scoped3A : memref<!tpu.dma_semaphore, #tpu.memory_space<semaphore_mem>>)
        %dma_wait3A_680 = arith.constant 0 : i32
        %dma_wait3A_681 = tpu.memref_slice %arg7[%add3A_212, %dma_wait3A_680] : memref<409600x128xf32, #tpu.memory_space<hbm>> -> memref<128x64xf32, #tpu.memory_space<hbm>>
        %dma_wait3A_682 = arith.constant 0 : i32
        %dma_wait3A_683 = tpu.memref_slice %arg7[%add3A_212, %dma_wait3A_682] : memref<409600x128xf32, #tpu.memory_space<hbm>> -> memref<128x64xf32, #tpu.memory_space<hbm>>
        tpu.wait_dma2 semaphore(%run_scoped3A : memref<!tpu.dma_semaphore, #tpu.memory_space<semaphore_mem>>) src(%arg15 : memref<128x64xf32, #tpu.memory_space<vmem>>) dst(%dma_wait3A_683 : memref<128x64xf32, #tpu.memory_space<hbm>>)
        tpu.yield
      }) : () -> ()
      "tpu.region"() ({
        %run_scoped3A = tpu.sem_alloc : memref<!tpu.dma_semaphore, #tpu.memory_space<semaphore_mem>>
        %dma_start3A_676 = arith.constant 64 : i32
        %dma_start3A_677 = tpu.memref_slice %arg7[%add3A_212, %dma_start3A_676] : memref<409600x128xf32, #tpu.memory_space<hbm>> -> memref<128x32xf32, #tpu.memory_space<hbm>>
        %dma_start3A_678 = arith.constant 64 : i32
        %dma_start3A_679 = tpu.memref_slice %arg7[%add3A_212, %dma_start3A_678] : memref<409600x128xf32, #tpu.memory_space<hbm>> -> memref<128x32xf32, #tpu.memory_space<hbm>>
        tpu.enqueue_dma source(%arg19 : memref<128x32xf32, #tpu.memory_space<vmem>>) target(%dma_start3A_679 : memref<128x32xf32, #tpu.memory_space<hbm>>) target_semaphore(%run_scoped3A : memref<!tpu.dma_semaphore, #tpu.memory_space<semaphore_mem>>)
        %dma_wait3A_680 = arith.constant 64 : i32
        %dma_wait3A_681 = tpu.memref_slice %arg7[%add3A_212, %dma_wait3A_680] : memref<409600x128xf32, #tpu.memory_space<hbm>> -> memref<128x32xf32, #tpu.memory_space<hbm>>
        %dma_wait3A_682 = arith.constant 64 : i32
        %dma_wait3A_683 = tpu.memref_slice %arg7[%add3A_212, %dma_wait3A_682] : memref<409600x128xf32, #tpu.memory_space<hbm>> -> memref<128x32xf32, #tpu.memory_space<hbm>>
        tpu.wait_dma2 semaphore(%run_scoped3A : memref<!tpu.dma_semaphore, #tpu.memory_space<semaphore_mem>>) src(%arg19 : memref<128x32xf32, #tpu.memory_space<vmem>>) dst(%dma_wait3A_683 : memref<128x32xf32, #tpu.memory_space<hbm>>)
        tpu.yield
      }) : () -> ()
      %add3A_364 = arith.constant 2 : i32
      %add3A_365 = arith.addi %mul3A_10, %add3A_364 : i32
      %mul3A_366 = arith.constant 128 : i32
      %mul3A_367 = arith.muli %add3A_365, %mul3A_366 : i32
      %add3A_368 = arith.addi %mul3A_2, %mul3A_367 : i32
      %add3A_369 = arith.constant 0 : i32
      %add3A_370 = arith.addi %mul3A_367, %add3A_369 : i32
      %get3A_371 = arith.index_cast %add3A_370 : i32 to index
      %get3A_372 = tpu.vector_load %arg8[%get3A_371] {strides = array<i32>} : memref<12800xi32, #tpu.memory_space<vmem>>, vector<16xi32>,
      %get3A_373 = vector.shape_cast %get3A_372 : vector<16xi32> to vector<16xi32>
      %eq3A_374 = arith.constant 0 : i32
      %eq3A_375 = vector.broadcast %eq3A_374 : i32 to vector<16xi32>
      %eq3A_376 = arith.cmpi eq, %get3A_373, %eq3A_375 : vector<16xi32>
      %broadcast_in_dim3A_377 = arith.constant 0 : i32
      %broadcast_in_dim3A_378 = vector.broadcast %broadcast_in_dim3A_377 : i32 to vector<16xi32>
      %broadcast_in_dim3A_379 = arith.constant -1 : i32
      %broadcast_in_dim3A_380 = vector.broadcast %broadcast_in_dim3A_379 : i32 to vector<16xi32>
      %select_n3A_381 = arith.select %eq3A_376, %broadcast_in_dim3A_378, %broadcast_in_dim3A_380 : vector<16xi1>, vector<16xi32>
      %swap3A_382 = arith.constant 0 : index
      %swap3A_383 = tpu.vector_load %arg12[%swap3A_382] {strides = array<i32>} : memref<128xi32, #tpu.memory_space<vmem>>, vector<16xi32>,
      %swap3A_384 = vector.shape_cast %swap3A_383 : vector<16xi32> to vector<16xi32>
      %swap3A_385 = vector.shape_cast %select_n3A_381 : vector<16xi32> to vector<16xi32>
      tpu.vector_store %arg12[%swap3A_382], %swap3A_385 {strides = array<i32>} : memref<128xi32, #tpu.memory_space<vmem>>, vector<16xi32>,
      %add3A_386 = arith.constant 16 : i32
      %add3A_387 = arith.addi %mul3A_367, %add3A_386 : i32
      %get3A_388 = arith.index_cast %add3A_387 : i32 to index
      %get3A_389 = tpu.vector_load %arg8[%get3A_388] {strides = array<i32>} : memref<12800xi32, #tpu.memory_space<vmem>>, vector<16xi32>,
      %get3A_390 = vector.shape_cast %get3A_389 : vector<16xi32> to vector<16xi32>
      %eq3A_391 = arith.constant 0 : i32
      %eq3A_392 = vector.broadcast %eq3A_391 : i32 to vector<16xi32>
      %eq3A_393 = arith.cmpi eq, %get3A_390, %eq3A_392 : vector<16xi32>
      %broadcast_in_dim3A_394 = arith.constant 0 : i32
      %broadcast_in_dim3A_395 = vector.broadcast %broadcast_in_dim3A_394 : i32 to vector<16xi32>
      %broadcast_in_dim3A_396 = arith.constant -1 : i32
      %broadcast_in_dim3A_397 = vector.broadcast %broadcast_in_dim3A_396 : i32 to vector<16xi32>
      %select_n3A_398 = arith.select %eq3A_393, %broadcast_in_dim3A_395, %broadcast_in_dim3A_397 : vector<16xi1>, vector<16xi32>
      %swap3A_399 = arith.constant 16 : index
      %swap3A_400 = tpu.vector_load %arg12[%swap3A_399] {strides = array<i32>} : memref<128xi32, #tpu.memory_space<vmem>>, vector<16xi32>,
      %swap3A_401 = vector.shape_cast %swap3A_400 : vector<16xi32> to vector<16xi32>
      %swap3A_402 = vector.shape_cast %select_n3A_398 : vector<16xi32> to vector<16xi32>
      tpu.vector_store %arg12[%swap3A_399], %swap3A_402 {strides = array<i32>} : memref<128xi32, #tpu.memory_space<vmem>>, vector<16xi32>,
      %add3A_403 = arith.constant 32 : i32
      %add3A_404 = arith.addi %mul3A_367, %add3A_403 : i32
      %get3A_405 = arith.index_cast %add3A_404 : i32 to index
      %get3A_406 = tpu.vector_load %arg8[%get3A_405] {strides = array<i32>} : memref<12800xi32, #tpu.memory_space<vmem>>, vector<16xi32>,
      %get3A_407 = vector.shape_cast %get3A_406 : vector<16xi32> to vector<16xi32>
      %eq3A_408 = arith.constant 0 : i32
      %eq3A_409 = vector.broadcast %eq3A_408 : i32 to vector<16xi32>
      %eq3A_410 = arith.cmpi eq, %get3A_407, %eq3A_409 : vector<16xi32>
      %broadcast_in_dim3A_411 = arith.constant 0 : i32
      %broadcast_in_dim3A_412 = vector.broadcast %broadcast_in_dim3A_411 : i32 to vector<16xi32>
      %broadcast_in_dim3A_413 = arith.constant -1 : i32
      %broadcast_in_dim3A_414 = vector.broadcast %broadcast_in_dim3A_413 : i32 to vector<16xi32>
      %select_n3A_415 = arith.select %eq3A_410, %broadcast_in_dim3A_412, %broadcast_in_dim3A_414 : vector<16xi1>, vector<16xi32>
      %swap3A_416 = arith.constant 32 : index
      %swap3A_417 = tpu.vector_load %arg12[%swap3A_416] {strides = array<i32>} : memref<128xi32, #tpu.memory_space<vmem>>, vector<16xi32>,
      %swap3A_418 = vector.shape_cast %swap3A_417 : vector<16xi32> to vector<16xi32>
      %swap3A_419 = vector.shape_cast %select_n3A_415 : vector<16xi32> to vector<16xi32>
      tpu.vector_store %arg12[%swap3A_416], %swap3A_419 {strides = array<i32>} : memref<128xi32, #tpu.memory_space<vmem>>, vector<16xi32>,
      %add3A_420 = arith.constant 48 : i32
      %add3A_421 = arith.addi %mul3A_367, %add3A_420 : i32
      %get3A_422 = arith.index_cast %add3A_421 : i32 to index
      %get3A_423 = tpu.vector_load %arg8[%get3A_422] {strides = array<i32>} : memref<12800xi32, #tpu.memory_space<vmem>>, vector<16xi32>,
      %get3A_424 = vector.shape_cast %get3A_423 : vector<16xi32> to vector<16xi32>
      %eq3A_425 = arith.constant 0 : i32
      %eq3A_426 = vector.broadcast %eq3A_425 : i32 to vector<16xi32>
      %eq3A_427 = arith.cmpi eq, %get3A_424, %eq3A_426 : vector<16xi32>
      %broadcast_in_dim3A_428 = arith.constant 0 : i32
      %broadcast_in_dim3A_429 = vector.broadcast %broadcast_in_dim3A_428 : i32 to vector<16xi32>
      %broadcast_in_dim3A_430 = arith.constant -1 : i32
      %broadcast_in_dim3A_431 = vector.broadcast %broadcast_in_dim3A_430 : i32 to vector<16xi32>
      %select_n3A_432 = arith.select %eq3A_427, %broadcast_in_dim3A_429, %broadcast_in_dim3A_431 : vector<16xi1>, vector<16xi32>
      %swap3A_433 = arith.constant 48 : index
      %swap3A_434 = tpu.vector_load %arg12[%swap3A_433] {strides = array<i32>} : memref<128xi32, #tpu.memory_space<vmem>>, vector<16xi32>,
      %swap3A_435 = vector.shape_cast %swap3A_434 : vector<16xi32> to vector<16xi32>
      %swap3A_436 = vector.shape_cast %select_n3A_432 : vector<16xi32> to vector<16xi32>
      tpu.vector_store %arg12[%swap3A_433], %swap3A_436 {strides = array<i32>} : memref<128xi32, #tpu.memory_space<vmem>>, vector<16xi32>,
      %add3A_437 = arith.constant 64 : i32
      %add3A_438 = arith.addi %mul3A_367, %add3A_437 : i32
      %get3A_439 = arith.index_cast %add3A_438 : i32 to index
      %get3A_440 = tpu.vector_load %arg8[%get3A_439] {strides = array<i32>} : memref<12800xi32, #tpu.memory_space<vmem>>, vector<16xi32>,
      %get3A_441 = vector.shape_cast %get3A_440 : vector<16xi32> to vector<16xi32>
      %eq3A_442 = arith.constant 0 : i32
      %eq3A_443 = vector.broadcast %eq3A_442 : i32 to vector<16xi32>
      %eq3A_444 = arith.cmpi eq, %get3A_441, %eq3A_443 : vector<16xi32>
      %broadcast_in_dim3A_445 = arith.constant 0 : i32
      %broadcast_in_dim3A_446 = vector.broadcast %broadcast_in_dim3A_445 : i32 to vector<16xi32>
      %broadcast_in_dim3A_447 = arith.constant -1 : i32
      %broadcast_in_dim3A_448 = vector.broadcast %broadcast_in_dim3A_447 : i32 to vector<16xi32>
      %select_n3A_449 = arith.select %eq3A_444, %broadcast_in_dim3A_446, %broadcast_in_dim3A_448 : vector<16xi1>, vector<16xi32>
      %swap3A_450 = arith.constant 64 : index
      %swap3A_451 = tpu.vector_load %arg12[%swap3A_450] {strides = array<i32>} : memref<128xi32, #tpu.memory_space<vmem>>, vector<16xi32>,
      %swap3A_452 = vector.shape_cast %swap3A_451 : vector<16xi32> to vector<16xi32>
      %swap3A_453 = vector.shape_cast %select_n3A_449 : vector<16xi32> to vector<16xi32>
      tpu.vector_store %arg12[%swap3A_450], %swap3A_453 {strides = array<i32>} : memref<128xi32, #tpu.memory_space<vmem>>, vector<16xi32>,
      %add3A_454 = arith.constant 80 : i32
      %add3A_455 = arith.addi %mul3A_367, %add3A_454 : i32
      %get3A_456 = arith.index_cast %add3A_455 : i32 to index
      %get3A_457 = tpu.vector_load %arg8[%get3A_456] {strides = array<i32>} : memref<12800xi32, #tpu.memory_space<vmem>>, vector<16xi32>,
      %get3A_458 = vector.shape_cast %get3A_457 : vector<16xi32> to vector<16xi32>
      %eq3A_459 = arith.constant 0 : i32
      %eq3A_460 = vector.broadcast %eq3A_459 : i32 to vector<16xi32>
      %eq3A_461 = arith.cmpi eq, %get3A_458, %eq3A_460 : vector<16xi32>
      %broadcast_in_dim3A_462 = arith.constant 0 : i32
      %broadcast_in_dim3A_463 = vector.broadcast %broadcast_in_dim3A_462 : i32 to vector<16xi32>
      %broadcast_in_dim3A_464 = arith.constant -1 : i32
      %broadcast_in_dim3A_465 = vector.broadcast %broadcast_in_dim3A_464 : i32 to vector<16xi32>
      %select_n3A_466 = arith.select %eq3A_461, %broadcast_in_dim3A_463, %broadcast_in_dim3A_465 : vector<16xi1>, vector<16xi32>
      %swap3A_467 = arith.constant 80 : index
      %swap3A_468 = tpu.vector_load %arg12[%swap3A_467] {strides = array<i32>} : memref<128xi32, #tpu.memory_space<vmem>>, vector<16xi32>,
      %swap3A_469 = vector.shape_cast %swap3A_468 : vector<16xi32> to vector<16xi32>
      %swap3A_470 = vector.shape_cast %select_n3A_466 : vector<16xi32> to vector<16xi32>
      tpu.vector_store %arg12[%swap3A_467], %swap3A_470 {strides = array<i32>} : memref<128xi32, #tpu.memory_space<vmem>>, vector<16xi32>,
      %add3A_471 = arith.constant 96 : i32
      %add3A_472 = arith.addi %mul3A_367, %add3A_471 : i32
      %get3A_473 = arith.index_cast %add3A_472 : i32 to index
      %get3A_474 = tpu.vector_load %arg8[%get3A_473] {strides = array<i32>} : memref<12800xi32, #tpu.memory_space<vmem>>, vector<16xi32>,
      %get3A_475 = vector.shape_cast %get3A_474 : vector<16xi32> to vector<16xi32>
      %eq3A_476 = arith.constant 0 : i32
      %eq3A_477 = vector.broadcast %eq3A_476 : i32 to vector<16xi32>
      %eq3A_478 = arith.cmpi eq, %get3A_475, %eq3A_477 : vector<16xi32>
      %broadcast_in_dim3A_479 = arith.constant 0 : i32
      %broadcast_in_dim3A_480 = vector.broadcast %broadcast_in_dim3A_479 : i32 to vector<16xi32>
      %broadcast_in_dim3A_481 = arith.constant -1 : i32
      %broadcast_in_dim3A_482 = vector.broadcast %broadcast_in_dim3A_481 : i32 to vector<16xi32>
      %select_n3A_483 = arith.select %eq3A_478, %broadcast_in_dim3A_480, %broadcast_in_dim3A_482 : vector<16xi1>, vector<16xi32>
      %swap3A_484 = arith.constant 96 : index
      %swap3A_485 = tpu.vector_load %arg12[%swap3A_484] {strides = array<i32>} : memref<128xi32, #tpu.memory_space<vmem>>, vector<16xi32>,
      %swap3A_486 = vector.shape_cast %swap3A_485 : vector<16xi32> to vector<16xi32>
      %swap3A_487 = vector.shape_cast %select_n3A_483 : vector<16xi32> to vector<16xi32>
      tpu.vector_store %arg12[%swap3A_484], %swap3A_487 {strides = array<i32>} : memref<128xi32, #tpu.memory_space<vmem>>, vector<16xi32>,
      %add3A_488 = arith.constant 112 : i32
      %add3A_489 = arith.addi %mul3A_367, %add3A_488 : i32
      %get3A_490 = arith.index_cast %add3A_489 : i32 to index
      %get3A_491 = tpu.vector_load %arg8[%get3A_490] {strides = array<i32>} : memref<12800xi32, #tpu.memory_space<vmem>>, vector<16xi32>,
      %get3A_492 = vector.shape_cast %get3A_491 : vector<16xi32> to vector<16xi32>
      %eq3A_493 = arith.constant 0 : i32
      %eq3A_494 = vector.broadcast %eq3A_493 : i32 to vector<16xi32>
      %eq3A_495 = arith.cmpi eq, %get3A_492, %eq3A_494 : vector<16xi32>
      %broadcast_in_dim3A_496 = arith.constant 0 : i32
      %broadcast_in_dim3A_497 = vector.broadcast %broadcast_in_dim3A_496 : i32 to vector<16xi32>
      %broadcast_in_dim3A_498 = arith.constant -1 : i32
      %broadcast_in_dim3A_499 = vector.broadcast %broadcast_in_dim3A_498 : i32 to vector<16xi32>
      %select_n3A_500 = arith.select %eq3A_495, %broadcast_in_dim3A_497, %broadcast_in_dim3A_499 : vector<16xi1>, vector<16xi32>
      %swap3A_501 = arith.constant 112 : index
      %swap3A_502 = tpu.vector_load %arg12[%swap3A_501] {strides = array<i32>} : memref<128xi32, #tpu.memory_space<vmem>>, vector<16xi32>,
      %swap3A_503 = vector.shape_cast %swap3A_502 : vector<16xi32> to vector<16xi32>
      %swap3A_504 = vector.shape_cast %select_n3A_500 : vector<16xi32> to vector<16xi32>
      tpu.vector_store %arg12[%swap3A_501], %swap3A_504 {strides = array<i32>} : memref<128xi32, #tpu.memory_space<vmem>>, vector<16xi32>,
      %dma_wait3A_505 = tpu.memref_slice %arg8[%mul3A_37] : memref<12800xi32, #tpu.memory_space<vmem>> -> memref<128xi32, #tpu.memory_space<vmem>>
      %dma_wait3A_506 = arith.constant 0 : i32
      %dma_wait3A_507 = arith.constant 0 : i32
      %dma_wait3A_508 = tpu.memref_slice %arg2[%dma_wait3A_506, %dma_wait3A_507] : memref<1000000x64xf32, #tpu.memory_space<hbm>> -> memref<1000000x64xf32, #tpu.memory_space<hbm>>
      tpu.wait_indirect_dma semaphore(%arg24 : memref<!tpu.dma_semaphore, #tpu.memory_space<semaphore_mem>>) src(%dma_wait3A_508 : memref<1000000x64xf32, #tpu.memory_space<hbm>>) dst(%arg16 : memref<128x64xf32, #tpu.memory_space<vmem>>)
      %dma_start3A_509 = arith.constant 0 : i32
      %dma_start3A_510 = arith.constant 0 : i32
      %dma_start3A_511 = tpu.memref_slice %arg6[%dma_start3A_509, %dma_start3A_510] : memref<8x64xf32, #tpu.memory_space<hbm>> -> memref<8x64xf32, #tpu.memory_space<hbm>>
      %dma_start3A_512 = arith.constant -1 : i32
      tpu.enqueue_indirect_dma source(%dma_start3A_511 : memref<8x64xf32, #tpu.memory_space<hbm>>) target(%arg16 : memref<128x64xf32, #tpu.memory_space<vmem>>) offsets(%arg12 : memref<128xi32, #tpu.memory_space<vmem>>) offset_filter(%dma_start3A_512) semaphore(%arg30 : memref<!tpu.dma_semaphore, #tpu.memory_space<semaphore_mem>>)
      %dma_wait3A_513 = arith.constant 0 : i32
      %dma_wait3A_514 = arith.constant 0 : i32
      %dma_wait3A_515 = tpu.memref_slice %arg6[%dma_wait3A_513, %dma_wait3A_514] : memref<8x64xf32, #tpu.memory_space<hbm>> -> memref<8x64xf32, #tpu.memory_space<hbm>>
      tpu.wait_indirect_dma semaphore(%arg30 : memref<!tpu.dma_semaphore, #tpu.memory_space<semaphore_mem>>) src(%dma_wait3A_515 : memref<8x64xf32, #tpu.memory_space<hbm>>) dst(%arg16 : memref<128x64xf32, #tpu.memory_space<vmem>>)
      %dma_wait3A_516 = tpu.memref_slice %arg9[%mul3A_37] : memref<12800xi32, #tpu.memory_space<vmem>> -> memref<128xi32, #tpu.memory_space<vmem>>
      %dma_wait3A_517 = arith.constant 0 : i32
      %dma_wait3A_518 = arith.constant 0 : i32
      %dma_wait3A_519 = tpu.memref_slice %arg3[%dma_wait3A_517, %dma_wait3A_518] : memref<1000x32xf32, #tpu.memory_space<hbm>> -> memref<1000x32xf32, #tpu.memory_space<hbm>>
      tpu.wait_indirect_dma semaphore(%arg28 : memref<!tpu.dma_semaphore, #tpu.memory_space<semaphore_mem>>) src(%dma_wait3A_519 : memref<1000x32xf32, #tpu.memory_space<hbm>>) dst(%arg20 : memref<128x32xf32, #tpu.memory_space<vmem>>)
      "tpu.region"() ({
        %run_scoped3A = tpu.sem_alloc : memref<!tpu.dma_semaphore, #tpu.memory_space<semaphore_mem>>
        %dma_start3A_676 = arith.constant 0 : i32
        %dma_start3A_677 = tpu.memref_slice %arg7[%add3A_368, %dma_start3A_676] : memref<409600x128xf32, #tpu.memory_space<hbm>> -> memref<128x64xf32, #tpu.memory_space<hbm>>
        %dma_start3A_678 = arith.constant 0 : i32
        %dma_start3A_679 = tpu.memref_slice %arg7[%add3A_368, %dma_start3A_678] : memref<409600x128xf32, #tpu.memory_space<hbm>> -> memref<128x64xf32, #tpu.memory_space<hbm>>
        tpu.enqueue_dma source(%arg16 : memref<128x64xf32, #tpu.memory_space<vmem>>) target(%dma_start3A_679 : memref<128x64xf32, #tpu.memory_space<hbm>>) target_semaphore(%run_scoped3A : memref<!tpu.dma_semaphore, #tpu.memory_space<semaphore_mem>>)
        %dma_wait3A_680 = arith.constant 0 : i32
        %dma_wait3A_681 = tpu.memref_slice %arg7[%add3A_368, %dma_wait3A_680] : memref<409600x128xf32, #tpu.memory_space<hbm>> -> memref<128x64xf32, #tpu.memory_space<hbm>>
        %dma_wait3A_682 = arith.constant 0 : i32
        %dma_wait3A_683 = tpu.memref_slice %arg7[%add3A_368, %dma_wait3A_682] : memref<409600x128xf32, #tpu.memory_space<hbm>> -> memref<128x64xf32, #tpu.memory_space<hbm>>
        tpu.wait_dma2 semaphore(%run_scoped3A : memref<!tpu.dma_semaphore, #tpu.memory_space<semaphore_mem>>) src(%arg16 : memref<128x64xf32, #tpu.memory_space<vmem>>) dst(%dma_wait3A_683 : memref<128x64xf32, #tpu.memory_space<hbm>>)
        tpu.yield
      }) : () -> ()
      "tpu.region"() ({
        %run_scoped3A = tpu.sem_alloc : memref<!tpu.dma_semaphore, #tpu.memory_space<semaphore_mem>>
        %dma_start3A_676 = arith.constant 64 : i32
        %dma_start3A_677 = tpu.memref_slice %arg7[%add3A_368, %dma_start3A_676] : memref<409600x128xf32, #tpu.memory_space<hbm>> -> memref<128x32xf32, #tpu.memory_space<hbm>>
        %dma_start3A_678 = arith.constant 64 : i32
        %dma_start3A_679 = tpu.memref_slice %arg7[%add3A_368, %dma_start3A_678] : memref<409600x128xf32, #tpu.memory_space<hbm>> -> memref<128x32xf32, #tpu.memory_space<hbm>>
        tpu.enqueue_dma source(%arg20 : memref<128x32xf32, #tpu.memory_space<vmem>>) target(%dma_start3A_679 : memref<128x32xf32, #tpu.memory_space<hbm>>) target_semaphore(%run_scoped3A : memref<!tpu.dma_semaphore, #tpu.memory_space<semaphore_mem>>)
        %dma_wait3A_680 = arith.constant 64 : i32
        %dma_wait3A_681 = tpu.memref_slice %arg7[%add3A_368, %dma_wait3A_680] : memref<409600x128xf32, #tpu.memory_space<hbm>> -> memref<128x32xf32, #tpu.memory_space<hbm>>
        %dma_wait3A_682 = arith.constant 64 : i32
        %dma_wait3A_683 = tpu.memref_slice %arg7[%add3A_368, %dma_wait3A_682] : memref<409600x128xf32, #tpu.memory_space<hbm>> -> memref<128x32xf32, #tpu.memory_space<hbm>>
        tpu.wait_dma2 semaphore(%run_scoped3A : memref<!tpu.dma_semaphore, #tpu.memory_space<semaphore_mem>>) src(%arg20 : memref<128x32xf32, #tpu.memory_space<vmem>>) dst(%dma_wait3A_683 : memref<128x32xf32, #tpu.memory_space<hbm>>)
        tpu.yield
      }) : () -> ()
      %add3A_520 = arith.constant 3 : i32
      %add3A_521 = arith.addi %mul3A_10, %add3A_520 : i32
      %mul3A_522 = arith.constant 128 : i32
      %mul3A_523 = arith.muli %add3A_521, %mul3A_522 : i32
      %add3A_524 = arith.addi %mul3A_2, %mul3A_523 : i32
      %add3A_525 = arith.constant 0 : i32
      %add3A_526 = arith.addi %mul3A_523, %add3A_525 : i32
      %get3A_527 = arith.index_cast %add3A_526 : i32 to index
      %get3A_528 = tpu.vector_load %arg8[%get3A_527] {strides = array<i32>} : memref<12800xi32, #tpu.memory_space<vmem>>, vector<16xi32>,
      %get3A_529 = vector.shape_cast %get3A_528 : vector<16xi32> to vector<16xi32>
      %eq3A_530 = arith.constant 0 : i32
      %eq3A_531 = vector.broadcast %eq3A_530 : i32 to vector<16xi32>
      %eq3A_532 = arith.cmpi eq, %get3A_529, %eq3A_531 : vector<16xi32>
      %broadcast_in_dim3A_533 = arith.constant 0 : i32
      %broadcast_in_dim3A_534 = vector.broadcast %broadcast_in_dim3A_533 : i32 to vector<16xi32>
      %broadcast_in_dim3A_535 = arith.constant -1 : i32
      %broadcast_in_dim3A_536 = vector.broadcast %broadcast_in_dim3A_535 : i32 to vector<16xi32>
      %select_n3A_537 = arith.select %eq3A_532, %broadcast_in_dim3A_534, %broadcast_in_dim3A_536 : vector<16xi1>, vector<16xi32>
      %swap3A_538 = arith.constant 0 : index
      %swap3A_539 = tpu.vector_load %arg13[%swap3A_538] {strides = array<i32>} : memref<128xi32, #tpu.memory_space<vmem>>, vector<16xi32>,
      %swap3A_540 = vector.shape_cast %swap3A_539 : vector<16xi32> to vector<16xi32>
      %swap3A_541 = vector.shape_cast %select_n3A_537 : vector<16xi32> to vector<16xi32>
      tpu.vector_store %arg13[%swap3A_538], %swap3A_541 {strides = array<i32>} : memref<128xi32, #tpu.memory_space<vmem>>, vector<16xi32>,
      %add3A_542 = arith.constant 16 : i32
      %add3A_543 = arith.addi %mul3A_523, %add3A_542 : i32
      %get3A_544 = arith.index_cast %add3A_543 : i32 to index
      %get3A_545 = tpu.vector_load %arg8[%get3A_544] {strides = array<i32>} : memref<12800xi32, #tpu.memory_space<vmem>>, vector<16xi32>,
      %get3A_546 = vector.shape_cast %get3A_545 : vector<16xi32> to vector<16xi32>
      %eq3A_547 = arith.constant 0 : i32
      %eq3A_548 = vector.broadcast %eq3A_547 : i32 to vector<16xi32>
      %eq3A_549 = arith.cmpi eq, %get3A_546, %eq3A_548 : vector<16xi32>
      %broadcast_in_dim3A_550 = arith.constant 0 : i32
      %broadcast_in_dim3A_551 = vector.broadcast %broadcast_in_dim3A_550 : i32 to vector<16xi32>
      %broadcast_in_dim3A_552 = arith.constant -1 : i32
      %broadcast_in_dim3A_553 = vector.broadcast %broadcast_in_dim3A_552 : i32 to vector<16xi32>
      %select_n3A_554 = arith.select %eq3A_549, %broadcast_in_dim3A_551, %broadcast_in_dim3A_553 : vector<16xi1>, vector<16xi32>
      %swap3A_555 = arith.constant 16 : index
      %swap3A_556 = tpu.vector_load %arg13[%swap3A_555] {strides = array<i32>} : memref<128xi32, #tpu.memory_space<vmem>>, vector<16xi32>,
      %swap3A_557 = vector.shape_cast %swap3A_556 : vector<16xi32> to vector<16xi32>
      %swap3A_558 = vector.shape_cast %select_n3A_554 : vector<16xi32> to vector<16xi32>
      tpu.vector_store %arg13[%swap3A_555], %swap3A_558 {strides = array<i32>} : memref<128xi32, #tpu.memory_space<vmem>>, vector<16xi32>,
      %add3A_559 = arith.constant 32 : i32
      %add3A_560 = arith.addi %mul3A_523, %add3A_559 : i32
      %get3A_561 = arith.index_cast %add3A_560 : i32 to index
      %get3A_562 = tpu.vector_load %arg8[%get3A_561] {strides = array<i32>} : memref<12800xi32, #tpu.memory_space<vmem>>, vector<16xi32>,
      %get3A_563 = vector.shape_cast %get3A_562 : vector<16xi32> to vector<16xi32>
      %eq3A_564 = arith.constant 0 : i32
      %eq3A_565 = vector.broadcast %eq3A_564 : i32 to vector<16xi32>
      %eq3A_566 = arith.cmpi eq, %get3A_563, %eq3A_565 : vector<16xi32>
      %broadcast_in_dim3A_567 = arith.constant 0 : i32
      %broadcast_in_dim3A_568 = vector.broadcast %broadcast_in_dim3A_567 : i32 to vector<16xi32>
      %broadcast_in_dim3A_569 = arith.constant -1 : i32
      %broadcast_in_dim3A_570 = vector.broadcast %broadcast_in_dim3A_569 : i32 to vector<16xi32>
      %select_n3A_571 = arith.select %eq3A_566, %broadcast_in_dim3A_568, %broadcast_in_dim3A_570 : vector<16xi1>, vector<16xi32>
      %swap3A_572 = arith.constant 32 : index
      %swap3A_573 = tpu.vector_load %arg13[%swap3A_572] {strides = array<i32>} : memref<128xi32, #tpu.memory_space<vmem>>, vector<16xi32>,
      %swap3A_574 = vector.shape_cast %swap3A_573 : vector<16xi32> to vector<16xi32>
      %swap3A_575 = vector.shape_cast %select_n3A_571 : vector<16xi32> to vector<16xi32>
      tpu.vector_store %arg13[%swap3A_572], %swap3A_575 {strides = array<i32>} : memref<128xi32, #tpu.memory_space<vmem>>, vector<16xi32>,
      %add3A_576 = arith.constant 48 : i32
      %add3A_577 = arith.addi %mul3A_523, %add3A_576 : i32
      %get3A_578 = arith.index_cast %add3A_577 : i32 to index
      %get3A_579 = tpu.vector_load %arg8[%get3A_578] {strides = array<i32>} : memref<12800xi32, #tpu.memory_space<vmem>>, vector<16xi32>,
      %get3A_580 = vector.shape_cast %get3A_579 : vector<16xi32> to vector<16xi32>
      %eq3A_581 = arith.constant 0 : i32
      %eq3A_582 = vector.broadcast %eq3A_581 : i32 to vector<16xi32>
      %eq3A_583 = arith.cmpi eq, %get3A_580, %eq3A_582 : vector<16xi32>
      %broadcast_in_dim3A_584 = arith.constant 0 : i32
      %broadcast_in_dim3A_585 = vector.broadcast %broadcast_in_dim3A_584 : i32 to vector<16xi32>
      %broadcast_in_dim3A_586 = arith.constant -1 : i32
      %broadcast_in_dim3A_587 = vector.broadcast %broadcast_in_dim3A_586 : i32 to vector<16xi32>
      %select_n3A_588 = arith.select %eq3A_583, %broadcast_in_dim3A_585, %broadcast_in_dim3A_587 : vector<16xi1>, vector<16xi32>
      %swap3A_589 = arith.constant 48 : index
      %swap3A_590 = tpu.vector_load %arg13[%swap3A_589] {strides = array<i32>} : memref<128xi32, #tpu.memory_space<vmem>>, vector<16xi32>,
      %swap3A_591 = vector.shape_cast %swap3A_590 : vector<16xi32> to vector<16xi32>
      %swap3A_592 = vector.shape_cast %select_n3A_588 : vector<16xi32> to vector<16xi32>
      tpu.vector_store %arg13[%swap3A_589], %swap3A_592 {strides = array<i32>} : memref<128xi32, #tpu.memory_space<vmem>>, vector<16xi32>,
      %add3A_593 = arith.constant 64 : i32
      %add3A_594 = arith.addi %mul3A_523, %add3A_593 : i32
      %get3A_595 = arith.index_cast %add3A_594 : i32 to index
      %get3A_596 = tpu.vector_load %arg8[%get3A_595] {strides = array<i32>} : memref<12800xi32, #tpu.memory_space<vmem>>, vector<16xi32>,
      %get3A_597 = vector.shape_cast %get3A_596 : vector<16xi32> to vector<16xi32>
      %eq3A_598 = arith.constant 0 : i32
      %eq3A_599 = vector.broadcast %eq3A_598 : i32 to vector<16xi32>
      %eq3A_600 = arith.cmpi eq, %get3A_597, %eq3A_599 : vector<16xi32>
      %broadcast_in_dim3A_601 = arith.constant 0 : i32
      %broadcast_in_dim3A_602 = vector.broadcast %broadcast_in_dim3A_601 : i32 to vector<16xi32>
      %broadcast_in_dim3A_603 = arith.constant -1 : i32
      %broadcast_in_dim3A_604 = vector.broadcast %broadcast_in_dim3A_603 : i32 to vector<16xi32>
      %select_n3A_605 = arith.select %eq3A_600, %broadcast_in_dim3A_602, %broadcast_in_dim3A_604 : vector<16xi1>, vector<16xi32>
      %swap3A_606 = arith.constant 64 : index
      %swap3A_607 = tpu.vector_load %arg13[%swap3A_606] {strides = array<i32>} : memref<128xi32, #tpu.memory_space<vmem>>, vector<16xi32>,
      %swap3A_608 = vector.shape_cast %swap3A_607 : vector<16xi32> to vector<16xi32>
      %swap3A_609 = vector.shape_cast %select_n3A_605 : vector<16xi32> to vector<16xi32>
      tpu.vector_store %arg13[%swap3A_606], %swap3A_609 {strides = array<i32>} : memref<128xi32, #tpu.memory_space<vmem>>, vector<16xi32>,
      %add3A_610 = arith.constant 80 : i32
      %add3A_611 = arith.addi %mul3A_523, %add3A_610 : i32
      %get3A_612 = arith.index_cast %add3A_611 : i32 to index
      %get3A_613 = tpu.vector_load %arg8[%get3A_612] {strides = array<i32>} : memref<12800xi32, #tpu.memory_space<vmem>>, vector<16xi32>,
      %get3A_614 = vector.shape_cast %get3A_613 : vector<16xi32> to vector<16xi32>
      %eq3A_615 = arith.constant 0 : i32
      %eq3A_616 = vector.broadcast %eq3A_615 : i32 to vector<16xi32>
      %eq3A_617 = arith.cmpi eq, %get3A_614, %eq3A_616 : vector<16xi32>
      %broadcast_in_dim3A_618 = arith.constant 0 : i32
      %broadcast_in_dim3A_619 = vector.broadcast %broadcast_in_dim3A_618 : i32 to vector<16xi32>
      %broadcast_in_dim3A_620 = arith.constant -1 : i32
      %broadcast_in_dim3A_621 = vector.broadcast %broadcast_in_dim3A_620 : i32 to vector<16xi32>
      %select_n3A_622 = arith.select %eq3A_617, %broadcast_in_dim3A_619, %broadcast_in_dim3A_621 : vector<16xi1>, vector<16xi32>
      %swap3A_623 = arith.constant 80 : index
      %swap3A_624 = tpu.vector_load %arg13[%swap3A_623] {strides = array<i32>} : memref<128xi32, #tpu.memory_space<vmem>>, vector<16xi32>,
      %swap3A_625 = vector.shape_cast %swap3A_624 : vector<16xi32> to vector<16xi32>
      %swap3A_626 = vector.shape_cast %select_n3A_622 : vector<16xi32> to vector<16xi32>
      tpu.vector_store %arg13[%swap3A_623], %swap3A_626 {strides = array<i32>} : memref<128xi32, #tpu.memory_space<vmem>>, vector<16xi32>,
      %add3A_627 = arith.constant 96 : i32
      %add3A_628 = arith.addi %mul3A_523, %add3A_627 : i32
      %get3A_629 = arith.index_cast %add3A_628 : i32 to index
      %get3A_630 = tpu.vector_load %arg8[%get3A_629] {strides = array<i32>} : memref<12800xi32, #tpu.memory_space<vmem>>, vector<16xi32>,
      %get3A_631 = vector.shape_cast %get3A_630 : vector<16xi32> to vector<16xi32>
      %eq3A_632 = arith.constant 0 : i32
      %eq3A_633 = vector.broadcast %eq3A_632 : i32 to vector<16xi32>
      %eq3A_634 = arith.cmpi eq, %get3A_631, %eq3A_633 : vector<16xi32>
      %broadcast_in_dim3A_635 = arith.constant 0 : i32
      %broadcast_in_dim3A_636 = vector.broadcast %broadcast_in_dim3A_635 : i32 to vector<16xi32>
      %broadcast_in_dim3A_637 = arith.constant -1 : i32
      %broadcast_in_dim3A_638 = vector.broadcast %broadcast_in_dim3A_637 : i32 to vector<16xi32>
      %select_n3A_639 = arith.select %eq3A_634, %broadcast_in_dim3A_636, %broadcast_in_dim3A_638 : vector<16xi1>, vector<16xi32>
      %swap3A_640 = arith.constant 96 : index
      %swap3A_641 = tpu.vector_load %arg13[%swap3A_640] {strides = array<i32>} : memref<128xi32, #tpu.memory_space<vmem>>, vector<16xi32>,
      %swap3A_642 = vector.shape_cast %swap3A_641 : vector<16xi32> to vector<16xi32>
      %swap3A_643 = vector.shape_cast %select_n3A_639 : vector<16xi32> to vector<16xi32>
      tpu.vector_store %arg13[%swap3A_640], %swap3A_643 {strides = array<i32>} : memref<128xi32, #tpu.memory_space<vmem>>, vector<16xi32>,
      %add3A_644 = arith.constant 112 : i32
      %add3A_645 = arith.addi %mul3A_523, %add3A_644 : i32
      %get3A_646 = arith.index_cast %add3A_645 : i32 to index
      %get3A_647 = tpu.vector_load %arg8[%get3A_646] {strides = array<i32>} : memref<12800xi32, #tpu.memory_space<vmem>>, vector<16xi32>,
      %get3A_648 = vector.shape_cast %get3A_647 : vector<16xi32> to vector<16xi32>
      %eq3A_649 = arith.constant 0 : i32
      %eq3A_650 = vector.broadcast %eq3A_649 : i32 to vector<16xi32>
      %eq3A_651 = arith.cmpi eq, %get3A_648, %eq3A_650 : vector<16xi32>
      %broadcast_in_dim3A_652 = arith.constant 0 : i32
      %broadcast_in_dim3A_653 = vector.broadcast %broadcast_in_dim3A_652 : i32 to vector<16xi32>
      %broadcast_in_dim3A_654 = arith.constant -1 : i32
      %broadcast_in_dim3A_655 = vector.broadcast %broadcast_in_dim3A_654 : i32 to vector<16xi32>
      %select_n3A_656 = arith.select %eq3A_651, %broadcast_in_dim3A_653, %broadcast_in_dim3A_655 : vector<16xi1>, vector<16xi32>
      %swap3A_657 = arith.constant 112 : index
      %swap3A_658 = tpu.vector_load %arg13[%swap3A_657] {strides = array<i32>} : memref<128xi32, #tpu.memory_space<vmem>>, vector<16xi32>,
      %swap3A_659 = vector.shape_cast %swap3A_658 : vector<16xi32> to vector<16xi32>
      %swap3A_660 = vector.shape_cast %select_n3A_656 : vector<16xi32> to vector<16xi32>
      tpu.vector_store %arg13[%swap3A_657], %swap3A_660 {strides = array<i32>} : memref<128xi32, #tpu.memory_space<vmem>>, vector<16xi32>,
      %dma_wait3A_661 = tpu.memref_slice %arg8[%mul3A_49] : memref<12800xi32, #tpu.memory_space<vmem>> -> memref<128xi32, #tpu.memory_space<vmem>>
      %dma_wait3A_662 = arith.constant 0 : i32
      %dma_wait3A_663 = arith.constant 0 : i32
      %dma_wait3A_664 = tpu.memref_slice %arg2[%dma_wait3A_662, %dma_wait3A_663] : memref<1000000x64xf32, #tpu.memory_space<hbm>> -> memref<1000000x64xf32, #tpu.memory_space<hbm>>
      tpu.wait_indirect_dma semaphore(%arg25 : memref<!tpu.dma_semaphore, #tpu.memory_space<semaphore_mem>>) src(%dma_wait3A_664 : memref<1000000x64xf32, #tpu.memory_space<hbm>>) dst(%arg17 : memref<128x64xf32, #tpu.memory_space<vmem>>)
      %dma_start3A_665 = arith.constant 0 : i32
      %dma_start3A_666 = arith.constant 0 : i32
      %dma_start3A_667 = tpu.memref_slice %arg6[%dma_start3A_665, %dma_start3A_666] : memref<8x64xf32, #tpu.memory_space<hbm>> -> memref<8x64xf32, #tpu.memory_space<hbm>>
      %dma_start3A_668 = arith.constant -1 : i32
      tpu.enqueue_indirect_dma source(%dma_start3A_667 : memref<8x64xf32, #tpu.memory_space<hbm>>) target(%arg17 : memref<128x64xf32, #tpu.memory_space<vmem>>) offsets(%arg13 : memref<128xi32, #tpu.memory_space<vmem>>) offset_filter(%dma_start3A_668) semaphore(%arg30 : memref<!tpu.dma_semaphore, #tpu.memory_space<semaphore_mem>>)
      %dma_wait3A_669 = arith.constant 0 : i32
      %dma_wait3A_670 = arith.constant 0 : i32
      %dma_wait3A_671 = tpu.memref_slice %arg6[%dma_wait3A_669, %dma_wait3A_670] : memref<8x64xf32, #tpu.memory_space<hbm>> -> memref<8x64xf32, #tpu.memory_space<hbm>>
      tpu.wait_indirect_dma semaphore(%arg30 : memref<!tpu.dma_semaphore, #tpu.memory_space<semaphore_mem>>) src(%dma_wait3A_671 : memref<8x64xf32, #tpu.memory_space<hbm>>) dst(%arg17 : memref<128x64xf32, #tpu.memory_space<vmem>>)
      %dma_wait3A_672 = tpu.memref_slice %arg9[%mul3A_49] : memref<12800xi32, #tpu.memory_space<vmem>> -> memref<128xi32, #tpu.memory_space<vmem>>
      %dma_wait3A_673 = arith.constant 0 : i32
      %dma_wait3A_674 = arith.constant 0 : i32
      %dma_wait3A_675 = tpu.memref_slice %arg3[%dma_wait3A_673, %dma_wait3A_674] : memref<1000x32xf32, #tpu.memory_space<hbm>> -> memref<1000x32xf32, #tpu.memory_space<hbm>>
      tpu.wait_indirect_dma semaphore(%arg29 : memref<!tpu.dma_semaphore, #tpu.memory_space<semaphore_mem>>) src(%dma_wait3A_675 : memref<1000x32xf32, #tpu.memory_space<hbm>>) dst(%arg21 : memref<128x32xf32, #tpu.memory_space<vmem>>)
      "tpu.region"() ({
        %run_scoped3A = tpu.sem_alloc : memref<!tpu.dma_semaphore, #tpu.memory_space<semaphore_mem>>
        %dma_start3A_676 = arith.constant 0 : i32
        %dma_start3A_677 = tpu.memref_slice %arg7[%add3A_524, %dma_start3A_676] : memref<409600x128xf32, #tpu.memory_space<hbm>> -> memref<128x64xf32, #tpu.memory_space<hbm>>
        %dma_start3A_678 = arith.constant 0 : i32
        %dma_start3A_679 = tpu.memref_slice %arg7[%add3A_524, %dma_start3A_678] : memref<409600x128xf32, #tpu.memory_space<hbm>> -> memref<128x64xf32, #tpu.memory_space<hbm>>
        tpu.enqueue_dma source(%arg17 : memref<128x64xf32, #tpu.memory_space<vmem>>) target(%dma_start3A_679 : memref<128x64xf32, #tpu.memory_space<hbm>>) target_semaphore(%run_scoped3A : memref<!tpu.dma_semaphore, #tpu.memory_space<semaphore_mem>>)
        %dma_wait3A_680 = arith.constant 0 : i32
        %dma_wait3A_681 = tpu.memref_slice %arg7[%add3A_524, %dma_wait3A_680] : memref<409600x128xf32, #tpu.memory_space<hbm>> -> memref<128x64xf32, #tpu.memory_space<hbm>>
        %dma_wait3A_682 = arith.constant 0 : i32
        %dma_wait3A_683 = tpu.memref_slice %arg7[%add3A_524, %dma_wait3A_682] : memref<409600x128xf32, #tpu.memory_space<hbm>> -> memref<128x64xf32, #tpu.memory_space<hbm>>
        tpu.wait_dma2 semaphore(%run_scoped3A : memref<!tpu.dma_semaphore, #tpu.memory_space<semaphore_mem>>) src(%arg17 : memref<128x64xf32, #tpu.memory_space<vmem>>) dst(%dma_wait3A_683 : memref<128x64xf32, #tpu.memory_space<hbm>>)
        tpu.yield
      }) : () -> ()
      "tpu.region"() ({
        %run_scoped3A = tpu.sem_alloc : memref<!tpu.dma_semaphore, #tpu.memory_space<semaphore_mem>>
        %dma_start3A_676 = arith.constant 64 : i32
        %dma_start3A_677 = tpu.memref_slice %arg7[%add3A_524, %dma_start3A_676] : memref<409600x128xf32, #tpu.memory_space<hbm>> -> memref<128x32xf32, #tpu.memory_space<hbm>>
        %dma_start3A_678 = arith.constant 64 : i32
        %dma_start3A_679 = tpu.memref_slice %arg7[%add3A_524, %dma_start3A_678] : memref<409600x128xf32, #tpu.memory_space<hbm>> -> memref<128x32xf32, #tpu.memory_space<hbm>>
        tpu.enqueue_dma source(%arg21 : memref<128x32xf32, #tpu.memory_space<vmem>>) target(%dma_start3A_679 : memref<128x32xf32, #tpu.memory_space<hbm>>) target_semaphore(%run_scoped3A : memref<!tpu.dma_semaphore, #tpu.memory_space<semaphore_mem>>)
        %dma_wait3A_680 = arith.constant 64 : i32
        %dma_wait3A_681 = tpu.memref_slice %arg7[%add3A_524, %dma_wait3A_680] : memref<409600x128xf32, #tpu.memory_space<hbm>> -> memref<128x32xf32, #tpu.memory_space<hbm>>
        %dma_wait3A_682 = arith.constant 64 : i32
        %dma_wait3A_683 = tpu.memref_slice %arg7[%add3A_524, %dma_wait3A_682] : memref<409600x128xf32, #tpu.memory_space<hbm>> -> memref<128x32xf32, #tpu.memory_space<hbm>>
        tpu.wait_dma2 semaphore(%run_scoped3A : memref<!tpu.dma_semaphore, #tpu.memory_space<semaphore_mem>>) src(%arg21 : memref<128x32xf32, #tpu.memory_space<vmem>>) dst(%dma_wait3A_683 : memref<128x32xf32, #tpu.memory_space<hbm>>)
        tpu.yield
      }) : () -> ()
    }
    %scan3A_7 = arith.constant 25 : i32
    return
  }
}

module attributes {stable_mosaic.version = 14 : i64} {
  func.func @_tc_body(%arg0: i32, %arg1: memref<12800x128xf32, #tpu.memory_space<vmem>>, %arg2: memref<96x128xf32, #tpu.memory_space<vmem>>, %arg3: memref<1x128xf32, #tpu.memory_space<vmem>>, %arg4: memref<12800x128xf32, #tpu.memory_space<vmem>>, %arg5: memref<12800x128xf32, #tpu.memory_space<vmem>>) attributes {dimension_semantics = [#tpu.dimension_semantics<arbitrary>], iteration_bounds = array<i64: 32>, scalar_prefetch = 0 : i64, scratch_operands = 0 : i64, tpu.core_type = #tpu.core_type<tc>, window_params = [{transform_indices = @transform_0, window_bounds = array<i64: 12800, 128>}, {pipeline_mode = #tpu.pipeline_mode<synchronous>, transform_indices = @transform_1, window_bounds = array<i64: 96, 128>}, {pipeline_mode = #tpu.pipeline_mode<synchronous>, transform_indices = @transform_2, window_bounds = array<i64: 1, 128>}, {pipeline_mode = #tpu.pipeline_mode<synchronous>, transform_indices = @transform_3, window_bounds = array<i64: 12800, 128>}, {transform_indices = @transform_4, window_bounds = array<i64: 12800, 128>}]} {
    %get3A = arith.constant 0 : index
    %get3A_0 = arith.constant 0 : index
    %get3A_1 = vector.load %arg1[%get3A, %get3A_0] : memref<12800x128xf32, #tpu.memory_space<vmem>>, vector<12800x96xf32>
    %get3A_2 = arith.constant 0 : index
    %get3A_3 = arith.constant 0 : index
    %get3A_4 = vector.load %arg2[%get3A_2, %get3A_3] : memref<96x128xf32, #tpu.memory_space<vmem>>, vector<96x128xf32>
    %dot_general3A = arith.constant dense<0.000000e+00> : vector<12800x128xf32>
    %dot_general3A_5 = tpu.matmul %get3A_1, %get3A_4, %dot_general3A {dimension_numbers = #tpu.dot_dimension_numbers<[1], [0], [0], [1], [0, 0, 1, 1], [], []>, transpose_lhs_hint = false} : vector<12800x96xf32>, vector<96x128xf32>, vector<12800x128xf32> -> vector<12800x128xf32>
    %get3A_6 = arith.constant 0 : index
    %get3A_7 = arith.constant 0 : index
    %get3A_8 = vector.load %arg3[%get3A_6, %get3A_7] : memref<1x128xf32, #tpu.memory_space<vmem>>, vector<1x128xf32>
    %add3A = vector.broadcast %get3A_8 : vector<1x128xf32> to vector<12800x128xf32>
    %add3A_9 = arith.addf %dot_general3A_5, %add3A : vector<12800x128xf32>
    %get3A_10 = arith.constant 0 : index
    %get3A_11 = arith.constant 0 : index
    %get3A_12 = vector.load %arg4[%get3A_10, %get3A_11] : memref<12800x128xf32, #tpu.memory_space<vmem>>, vector<12800x128xf32>
    %add3A_13 = arith.addf %add3A_9, %get3A_12 : vector<12800x128xf32>
    %swap3A = arith.constant 0 : index
    %swap3A_14 = arith.constant 0 : index
    %swap3A_15 = vector.load %arg5[%swap3A, %swap3A_14] : memref<12800x128xf32, #tpu.memory_space<vmem>>, vector<12800x128xf32>
    tpu.vector_store %arg5[%swap3A, %swap3A_14], %add3A_13 {strides = array<i32>} : memref<12800x128xf32, #tpu.memory_space<vmem>>, vector<12800x128xf32>,
    return
  }
  func.func @transform_0(%arg0: i32) -> (i32, i32) {
    %c0_i32 = arith.constant 0 : i32
    %c0_i32_0 = arith.constant 0 : i32
    return %arg0, %c0_i32 : i32, i32
  }
  func.func @transform_1(%arg0: i32) -> (i32, i32) {
    %c0_i32 = arith.constant 0 : i32
    %c0_i32_0 = arith.constant 0 : i32
    %c0_i32_1 = arith.constant 0 : i32
    return %c0_i32, %c0_i32_0 : i32, i32
  }
  func.func @transform_2(%arg0: i32) -> (i32, i32) {
    %c0_i32 = arith.constant 0 : i32
    %c0_i32_0 = arith.constant 0 : i32
    %c0_i32_1 = arith.constant 0 : i32
    return %c0_i32, %c0_i32_0 : i32, i32
  }
  func.func @transform_3(%arg0: i32) -> (i32, i32) {
    %c0_i32 = arith.constant 0 : i32
    %c0_i32_0 = arith.constant 0 : i32
    %c0_i32_1 = arith.constant 0 : i32
    return %c0_i32, %c0_i32_0 : i32, i32
  }
  func.func @transform_4(%arg0: i32) -> (i32, i32) {
    %add3A = arith.constant 0 : i32
    %add3A_0 = arith.addi %arg0, %add3A : i32
    %c0_i32 = arith.constant 0 : i32
    %c0_i32_1 = arith.constant 0 : i32
    return %add3A_0, %c0_i32 : i32, i32
  }
}

module attributes {stable_mosaic.version = 14 : i64} {
  func.func @_tc_body_chained(%arg0: i32, %arg1: memref<12800x128xf32, #tpu.memory_space<vmem>>, %arg2: memref<96x128xf32, #tpu.memory_space<vmem>>, %arg3: memref<1x128xf32, #tpu.memory_space<vmem>>, %arg4: memref<12800x128xf32, #tpu.memory_space<vmem>>, %arg5: memref<819200x128xf32, #tpu.memory_space<any>>, %arg6: memref<12800x128xf32, #tpu.memory_space<vmem>>) attributes {dimension_semantics = [#tpu.dimension_semantics<arbitrary>], iteration_bounds = array<i64: 32>, scalar_prefetch = 0 : i64, scratch_operands = 0 : i64, tpu.core_type = #tpu.core_type<tc>, window_params = [{transform_indices = @transform_0, window_bounds = array<i64: 12800, 128>}, {pipeline_mode = #tpu.pipeline_mode<synchronous>, transform_indices = @transform_1, window_bounds = array<i64: 96, 128>}, {pipeline_mode = #tpu.pipeline_mode<synchronous>, transform_indices = @transform_2, window_bounds = array<i64: 1, 128>}, {pipeline_mode = #tpu.pipeline_mode<synchronous>, transform_indices = @transform_3, window_bounds = array<i64: 12800, 128>}, {}, {transform_indices = @transform_5, window_bounds = array<i64: 12800, 128>}]} {
    %get3A = arith.constant 0 : index
    %get3A_0 = arith.constant 0 : index
    %get3A_1 = vector.load %arg1[%get3A, %get3A_0] : memref<12800x128xf32, #tpu.memory_space<vmem>>, vector<12800x96xf32>
    %get3A_2 = arith.constant 0 : index
    %get3A_3 = arith.constant 0 : index
    %get3A_4 = vector.load %arg2[%get3A_2, %get3A_3] : memref<96x128xf32, #tpu.memory_space<vmem>>, vector<96x128xf32>
    %dot_general3A = arith.constant dense<0.000000e+00> : vector<12800x128xf32>
    %dot_general3A_5 = tpu.matmul %get3A_1, %get3A_4, %dot_general3A {dimension_numbers = #tpu.dot_dimension_numbers<[1], [0], [0], [1], [0, 0, 1, 1], [], []>, transpose_lhs_hint = false} : vector<12800x96xf32>, vector<96x128xf32>, vector<12800x128xf32> -> vector<12800x128xf32>
    %get3A_6 = arith.constant 0 : index
    %get3A_7 = arith.constant 0 : index
    %get3A_8 = vector.load %arg3[%get3A_6, %get3A_7] : memref<1x128xf32, #tpu.memory_space<vmem>>, vector<1x128xf32>
    %add3A = vector.broadcast %get3A_8 : vector<1x128xf32> to vector<12800x128xf32>
    %add3A_9 = arith.addf %dot_general3A_5, %add3A : vector<12800x128xf32>
    %get3A_10 = arith.constant 0 : index
    %get3A_11 = arith.constant 0 : index
    %get3A_12 = vector.load %arg4[%get3A_10, %get3A_11] : memref<12800x128xf32, #tpu.memory_space<vmem>>, vector<12800x128xf32>
    %add3A_13 = arith.addf %add3A_9, %get3A_12 : vector<12800x128xf32>
    %swap3A = arith.constant 0 : index
    %swap3A_14 = arith.constant 0 : index
    %swap3A_15 = vector.load %arg6[%swap3A, %swap3A_14] : memref<12800x128xf32, #tpu.memory_space<vmem>>, vector<12800x128xf32>
    tpu.vector_store %arg6[%swap3A, %swap3A_14], %add3A_13 {strides = array<i32>} : memref<12800x128xf32, #tpu.memory_space<vmem>>, vector<12800x128xf32>,
    return
  }
  func.func @transform_0(%arg0: i32) -> (i32, i32) {
    %c0_i32 = arith.constant 0 : i32
    %c0_i32_0 = arith.constant 0 : i32
    return %arg0, %c0_i32 : i32, i32
  }
  func.func @transform_1(%arg0: i32) -> (i32, i32) {
    %c0_i32 = arith.constant 0 : i32
    %c0_i32_0 = arith.constant 0 : i32
    %c0_i32_1 = arith.constant 0 : i32
    return %c0_i32, %c0_i32_0 : i32, i32
  }
  func.func @transform_2(%arg0: i32) -> (i32, i32) {
    %c0_i32 = arith.constant 0 : i32
    %c0_i32_0 = arith.constant 0 : i32
    %c0_i32_1 = arith.constant 0 : i32
    return %c0_i32, %c0_i32_0 : i32, i32
  }
  func.func @transform_3(%arg0: i32) -> (i32, i32) {
    %c0_i32 = arith.constant 0 : i32
    %c0_i32_0 = arith.constant 0 : i32
    %c0_i32_1 = arith.constant 0 : i32
    return %c0_i32, %c0_i32_0 : i32, i32
  }
  func.func @transform_5(%arg0: i32) -> (i32, i32) {
    %add3A = arith.constant 32 : i32
    %add3A_0 = arith.addi %arg0, %add3A : i32
    %c0_i32 = arith.constant 0 : i32
    %c0_i32_1 = arith.constant 0 : i32
    return %add3A_0, %c0_i32 : i32, i32
  }
}

</mosaic_0001>

<sc_bundles>
// kernel: kernel.6.cloned.1.call-start
scs
__scs_entry_jumppad:
0x0: {  	(pc) =	sbr.rel $0x88, $3  }
0x1: {  	(tag) =	ssettag $0x0;
	lr =	simm.s32 $0x1  }
0x2: {  	[smem:$0x3F9A] =	sst lr;
	_ =	strace $0xD0000000  }
0x3: {  	_ = 	snop  }
0x4: {  	_ = 	snop  }
0x5: {  	_ = 	snop  }
0x6: {  	_ = 	snop  }
0x7: {  	_ = 	snop  }
__scs_overlays_trampoline_lowered:
0x8: {  	[smem:$0x3FA9] =	sst s0  }
0x9: {  	[smem:$0x3FAA] =	sst s1  }
0xa: {  	[smem:$0x3FAB] =	sst s2  }
0xb: {  	[smem:$0x3FAC] =	sst s3  }
0xc: {  	[smem:$0x3FAD] =	sst s4  }
0xd: {  	[smem:$0x3FAE] =	sst s5  }
0xe: {  	[smem:$0x3FAF] =	sst s6  }
0xf: {  	[smem:$0x3FB0] =	sst s7  }
0x10: {  	[smem:$0x3FB1] =	sst s8  }
0x11: {  	[smem:$0x3FB2] =	sst s9;
	s0 =	simm.s32 @!p0 $0x0  }
0x12: {  	s1 =	sld [smem:$0x3F98];
	s0 =	simm.s32 @p0 $0x1  }
0x13: {  	[smem:$0x3FB3] =	sst s0;
	s0 =	simm.s32 @!p1 $0x0  }
0x14: {  	s2 =	sld [smem:$0x3F97];
	s0 =	simm.s32 @p1 $0x1  }
0x15: {  	[smem:$0x3FB4] =	sst s0;
	s0 =	simm.s32 @!p2 $0x0  }
0x16: {  	s3 =	sld [smem:$0x3FDB];
	s0 =	simm.s32 @p2 $0x1  }
0x17: {  	s4 =	simm.s32 $0x1BF5;
	[smem:$0x3FB6] =	sst s0  }
0x18: {  	s0 =	sld [smem:$0x3F99];
	_ =	swait.ge [sflag:s4], $0x0  }
0x19: {  	s7 =	sld [smem:$0x3F9A]  }
0x1a: {  	s8 =	sadd.s32 $0xFFFFE003, lr  }
0x1b: {  	s9 =	sadd.s32 $0xFFFFFEF7, lr;
	s5 =	simm.s32 $0xFFFFFFFF;
	p2 =	slt.u32 s8, $0xFFFFF086  }
0x1c: {  	p1 =	slt.u32 s9, $0xF7A;
	s5 =	simm.s32 @!p2 $0x0  }
0x1d: {  	s5 =	simm.s32 @p1 $0x1;
	p0 =	seq.s32 s7, s2  }
0x1e: {  	s7 =	smul.u32 @!p0 $0xF7A, s2;
	p2 =	seq.s32 @!p0 s5, $0x0  }
0x1f: {  	s9 =	smul.u32 $0xF7A, s1;
	s8 =	simm.s32 @!p0 $0x1BF5;
	p2 =	por !p2, p0  }
0x20: {  	[sflag:s8] =	ssyncset.s32 @!p0 $0xFFFFF086;
	s6 =	sadd.s32 @!p0 s3, s7;
	s7 =	simm.s32 @!p0 $0x108  }
0x21: {  	s3 =	sadd.s32 s3, s9;
	s6 =	sadd.s32 @!p0 $0x88, s6;
	s7 =	simm.s32 @p2 $0x1082  }
0x22: {  	[simem:s7], [sflag:s8] =	dma.local @!p0 [hbm:s6], $0xF7A  }
0x23: {  	s9 =	sor.u32 $0xD0000000, s2;
	s6 =	simm.s32 $0x108;
	_ =	swait.ge @!p0 [sflag:s8], $0x0  }
0x24: {  	s3 =	sadd.s32 $0x88, s3;
	s6 =	simm.s32 @!p1 $0x1082;
	[sflag:s4] =	ssyncset.s32 $0xFFFFF086  }
0x25: {  	[simem:s6], [sflag:s4] =	dma.local [hbm:s3], $0xF7A  }
0x26: {  	[smem:$0x3F9A] =	sst s1;
	(tag) =	ssettag s2;
	_ =	strace s9  }
0x27: {  	s1 =	sld [smem:$0x3FAA]  }
0x28: {  	s2 =	sld [smem:$0x3FAB]  }
0x29: {  	s4 =	sld [smem:$0x3FAD]  }
0x2a: {  	p0 =	seq.s32 s5, $0x0;
	s5 =	sld [smem:$0x3FAE]  }
0x2b: {  	s6 =	sld [smem:$0x3FAF]  }
0x2c: {  	s7 =	sld [smem:$0x3FB0]  }
0x2d: {  	s3 =	simm.s32 $0x108;
	s8 =	sld [smem:$0x3FB1]  }
0x2e: {  	s3 =	simm.s32 @!p0 $0x1082;
	s9 =	sld [smem:$0x3FB2]  }
0x2f: {  	lr =	sadd.s32 s0, s3;
	s0 =	sld [smem:$0x3FA9]  }
0x30: {  	s3 =	sld [smem:$0x3FAC]  }
0x31: {  	[smem:$0x3FB5] =	sst s10  }
0x32: {  	s10 =	sld [smem:$0x3FB3];
	_ =	sdelay $0x3  }
0x33: {  	p0 =	seq.s32 s10, $0x1;
	s10 =	sld [smem:$0x3FB5];
	_ =	sdelay $0x3  }
0x34: {  	[smem:$0x3FB5] =	sst s10  }
0x35: {  	s10 =	sld [smem:$0x3FB4];
	_ =	sdelay $0x3  }
0x36: {  	p1 =	seq.s32 s10, $0x1;
	s10 =	sld [smem:$0x3FB5];
	_ =	sdelay $0x3  }
0x37: {  	[smem:$0x3FB5] =	sst s10  }
0x38: {  	s10 =	sld [smem:$0x3FB6]  }
0x39: {  	_ = 	snop;
	(pc) =	sbr.ind lr, $3  }
0x3a: {  	_ = 	snop  }
0x3b: {  	_ = 	snop  }
0x3c: {  	p2 =	seq.s32 s10, $0x1;
	s10 =	sld [smem:$0x3FB5]  }
0x3d: {  	_ =	shalt  }
0x3e: {  	_ =	shalt  }
0x3f: {  	_ =	shalt  }
0x40: {  	_ =	shalt  }
0x41: {  	_ =	shalt  }
0x42: {  	_ =	shalt  }
0x43: {  	_ =	shalt  }
0x44: {  	_ =	shalt  }
0x45: {  	_ =	shalt  }
0x46: {  	_ =	shalt  }
0x47: {  	_ =	shalt  }
0x48: {  	_ =	shalt  }
0x49: {  	_ =	shalt  }
0x4a: {  	_ =	shalt  }
0x4b: {  	_ =	shalt  }
0x4c: {  	_ =	shalt  }
0x4d: {  	_ =	shalt  }
0x4e: {  	_ =	shalt  }
0x4f: {  	_ =	shalt  }
0x50: {  	_ =	shalt  }
0x51: {  	_ =	shalt  }
0x52: {  	_ =	shalt  }
0x53: {  	_ =	shalt  }
0x54: {  	_ =	shalt  }
0x55: {  	_ =	shalt  }
0x56: {  	_ =	shalt  }
0x57: {  	_ =	shalt  }
0x58: {  	_ =	shalt  }
0x59: {  	_ =	shalt  }
0x5a: {  	_ =	shalt  }
0x5b: {  	_ =	shalt  }
0x5c: {  	_ =	shalt  }
0x5d: {  	_ =	shalt  }
0x5e: {  	_ =	shalt  }
0x5f: {  	_ =	shalt  }
0x60: {  	_ =	shalt  }
0x61: {  	_ =	shalt  }
0x62: {  	_ =	shalt  }
0x63: {  	_ =	shalt  }
0x64: {  	_ =	shalt  }
0x65: {  	_ =	shalt  }
0x66: {  	_ =	shalt  }
0x67: {  	_ =	shalt  }
0x68: {  	_ =	shalt  }
0x69: {  	_ =	shalt  }
0x6a: {  	_ =	shalt  }
0x6b: {  	_ =	shalt  }
0x6c: {  	_ =	shalt  }
0x6d: {  	_ =	shalt  }
0x6e: {  	_ =	shalt  }
0x6f: {  	_ =	shalt  }
0x70: {  	_ =	shalt  }
0x71: {  	_ =	shalt  }
0x72: {  	_ =	shalt  }
0x73: {  	_ =	shalt  }
0x74: {  	_ =	shalt  }
0x75: {  	_ =	shalt  }
0x76: {  	_ =	shalt  }
0x77: {  	_ =	shalt  }
0x78: {  	_ =	shalt  }
0x79: {  	_ =	shalt  }
0x7a: {  	_ =	shalt  }
0x7b: {  	_ =	shalt  }
0x7c: {  	_ =	shalt  }
0x7d: {  	_ =	shalt  }
0x7e: {  	_ =	shalt  }
0x7f: {  	_ =	shalt  }
0x80: {  	_ =	shalt  }
0x81: {  	_ =	shalt  }
0x82: {  	_ =	shalt  }
0x83: {  	_ =	shalt  }
0x84: {  	_ =	shalt  }
0x85: {  	_ =	shalt  }
0x86: {  	_ =	shalt  }
0x87: {  	_ =	shalt  }
.Lfunc_end0:
.L_simem_size_0:
called_computation_lowered:
.L_overlay_start_0:
0x88: {  	s2 =	sld [smem:$0x3FD9]  }
0x89: {  	s3 =	sld [smem:$0x3FFE];
	_ =	sdelay $0x1  }
0x8a: {  	s1 =	srdreg.scid  }
0x8b: {  	s0 =	sand.u32 $0x1, s1  }
0x8c: {  	s17 =	sshll.u32 s0, $0xA;
	s2 =	sadd.s32 s3, s2  }
0x8d: {  	s2 =	sadd.s32 s2, s17  }
0x8e: {  	[smem:$0x3FC1] =	sst s2  }
0x8f: {  	_ = 	snop  }
0x90: {  	s2 =	sld [smem:$0x3FD0];
	(tm) =	ssettm $0x1  }
0x91: {  	s18 =	sld [smem:$0x3FFB];
	_ =	sdelay $0x3  }
0x92: {  	_ =	strace s18  }
0x93: {  	s3 =	sld [smem:$0x3FFC];
	_ =	sdelay $0x3  }
0x94: {  	_ =	strace s3  }
0x95: {  	s3 =	sld [smem:$0x3FFD];
	_ =	sdelay $0x3  }
0x96: {  	_ =	strace s3  }
0x97: {  	_ =	strace $0x8FFFFFFF  }
0x98: {  	s19 =	sld [smem:$0x3FDB];
	_ =	sdelay $0x1  }
0x99: {  	s4 =	simm.s32 $_scs_section_size  }
0x9a: {  	s5 =	simm.s32 $_size__tile_overlayer_lowered;
	s6 =	simm.s32 $_tile_overlayer_lowered  }
0x9b: {  	s22 =	simm.s32 $0x1BFF;
	s21 =	sshll.u32 s6, $0x1;
	s3 =	sadd.s32 s4, s19  }
0x9c: {  	s7 =	simm.s32 $0x0;
	s20 =	sshll.u32 s5, $0x1;
	s5 =	sadd.s32 s21, s3  }
0x9d: {  	[timem:s7], [sflag:s22] =	dma.local [hbm:s5], s20  }
0x9e: {  	_ =	swait.ge [sflag:s22], s20  }
0x9f: {  	s4 =	ssub.s32 $0x0, s20;
	[sflag:s22] =	ssyncset.done $0x0  }
0xa0: {  	[sflag:s22] =	ssyncadd.s32 s4;
	_ =	sdelay $0x1  }
0xa1: {  	s23 =	simm.s32 $0x1B8B  }
0xa2: {  	_ =	swait.ge [sflag:s23], $0x1  }
0xa3: {  	[sflag:s23] =	ssyncset.done $0x0  }
0xa4: {  	s25 =	simm.s32 $0x1B8E;
	s24 =	sld [smem:$0x3FFE];
	[sflag:s23] =	ssyncadd.s32 $0xFFFFFFFF  }
0xa5: {  	s26 =	simm.s32 $execute0_lowered;
	[smem:$0x3FD2] =	sst s25  }
0xa6: {  	s5 =	sshll.u32 s26, $0x1;
	_ =	strace $0x80000046;
	[dreg:$0x1] =	wrdreg $0xFFFFFFFF  }
0xa7: {  	s28 =	simm.s32 $_size_execute0_lowered;
	s3 =	sadd.s32 s3, s5;
	[dreg:$0x0] =	wrdreg $0x0  }
0xa8: {  	s5 =	sshll.u32 s28, $0x1;
	[dreg:$0x2] =	wrdreg s3  }
0xa9: {  	[dreg:$0x3] =	wrdreg s5  }
0xaa: {  	[dreg:$0x4] =	wrdreg $0xC0  }
0xab: {  	_ =	task [dreg:s7], $0x5FFFF  }
0xac: {  	[dreg:$0x1] =	wrdreg $0xFFFFFFFF  }
0xad: {  	[dreg:$0x0] =	wrdreg $0x60  }
0xae: {  	[dreg:$0x2] =	wrdreg s24  }
0xaf: {  	[dreg:$0x3] =	wrdreg s2  }
0xb0: {  	[dreg:$0x4] =	wrdreg $0x9  }
0xb1: {  	_ =	task.clear_ibuf [dreg:s7], $0x5FFFF;
	_ =	strace $0x90000046  }
0xb2: {  	s29 =	simm.s32 $0x9;
	_ =	strace $0x80000048  }
0xb3: {  	_ =	swait.ge [sflag:s29], $0x1  }
0xb4: {  	[sflag:s29] =	ssyncadd.s32 $0xFFFFFFFF  }
0xb5: {  	_ =	strace $0x90000048  }
0xb6: {  	_ =	sfence  }
0xb7: {  	s30 =	sld [smem:$0x0];
	_ =	sdelay $0x2  }
0xb8: {  	s31 =	sshll.u32 s1, $0xD;
	s1 =	sshrl.u32 s1, $0x2  }
0xb9: {  	s3 =	sand.u32 $0x4000, s31;
	s1 =	sadd.s32 s1, s30  }
0xba: {  	s0 =	sor.u32 s3, s0;
	s1 =	sshll.u32 s1, $0x11  }
0xbb: {  	s0 =	sor.u32 s1, s0  }
0xbc: {  	s0 =	sadd.s32 $0x8F2B, s0  }
0xbd: {  	[sflag:s0] =	ssyncadd.remote.s32 $0x1  }
0xbe: {  	_ =	sfence.sel $0xFFFF  }
0xbf: {  	[dreg:$0x0] =	wrdreg $0xFFFFFFFF;
	(pc) =	sbr.abs _section_cstart, $3  }
0xc0: {  	[dreg:$0x1] =	wrdreg $0xFFFFFFFF  }
0xc1: {  	_ =	task.clear_ibuf [dreg:s7], $0x2FFFF;
	_ =	strace $0x9FFFFFFF  }
0xc2: {  	(tm) =	ssettm $0x7FFFFFFF  }
0xc3: {  	_ =	shalt  }
tec
execute0_lowered:
.L_overlay_start_1:
0x0: {  	(tag) =	ssettag $0x1  }
0x1: {  	s0 =	rddreg [dreg:$0x0]  }
0x2: {  	s1 =	rddreg [dreg:$0x1]  }
0x3: {  	s2 =	srdreg.scid;
	s7 =	stileid.u32;
	s4 =	simm.s32 $0x0  }
0x4: {  	s12 =	simm.s32 $0x80;
	s13 =	simm.s32 $0x6600;
	s14 =	simm.s32 $0xE600  }
0x5: {  	s15 =	simm.s32 $0x8600;
	s16 =	simm.s32 $0xF600;
	s17 =	simm.s32 $0xA600  }
0x6: {  	s18 =	simm.s32 $0x10600;
	s19 =	simm.s32 $0xC600;
	s20 =	simm.s32 $0x11600  }
0x7: {  	s21 =	simm.s32 $0x1;
	s23 =	simm.s32 $0x6400;
	s24 =	simm.s32 $0x6480  }
0x8: {  	s25 =	simm.s32 $0x6500;
	s26 =	simm.s32 $0x6580;
	s28 =	simm.s32 $0x6  }
0x9: {  	s29 =	simm.s32 $0x3;
	s30 =	simm.s32 $0x7;
	s31 =	simm.s32 $0x4  }
0xa: {  	s2 =	sand.u32 $0x1, s2;
	s3 =	sshll.u32 s7, $0x1;
	[smem:$0x7FF] =	sst s4  }
0xb: {  	s4 =	sadd.s32 $0x1A00, s0;
	_ =	strace $0x80000047;
	[dreg:$0x3] =	wrdreg s23  }
0xc: {  	s7 =	smul.u32 $0x64000, s7;
	s3 =	sor.u32 s2, s3;
	[dreg:$0x4] =	wrdreg s24  }
0xd: {  	s8 =	ssub.s32 $0x2, s2;
	s2 =	smul.u32 $0x32000, s2;
	[dreg:$0x5] =	wrdreg s25  }
0xe: {  	s23 =	simm.s32 $0x5;
	s24 =	simm.s32 $0x40;
	[dreg:$0x6] =	wrdreg s26  }
0xf: {  	s25 =	simm.s32 $0x20;
	s5 =	smul.u32 $0x3200, s3;
	s10 =	sshrl.u32 s8, $0x1  }
0x10: {  	s26 =	simm.s32 $0x2;
	s3 =	sadd.s32 $0xF51600, s0;
	s8 =	ssub.s32 s8, s10  }
0x11: {  	s10 =	simm.s32 $0xA;
	s6 =	sshrl.u32 s5, $0x3;
	s5 =	sadd.s32 $0xF200, s0  }
0x12: {  	s8 =	smax.u32 s8, $0x1;
	s9 =	sadd.s32 s6, s0;
	s1 =	sadd.s32 s1, s6  }
0x13: {  	s0 =	sadd.s32 s7, s0;
	[dreg:$0x7] =	wrdreg s1;
	s22 =	sadd.s32 $0x2A00, s9  }
0x14: {  	s0 =	sadd.s32 s2, s0;
	s1 =	simm.s32 $0x0;
	[dreg:$0x8] =	wrdreg s22  }
0x15: {  	v0 =	vimm.s32 $0x0;
	s11 =	sadd.s32 $0x10400, s0;
	s22 =	simm.s32 $0x9;
	s0 =	simm.s32 $0x8  }
.LBB2_1:
0x16: {  	s2 =	simm.s32 $0x0;
	s6 =	rddreg [dreg:$0x7]  }
0x17: {  	[tilespmem:s2], [sflag:$0xA] =	stream.linear.gather [hbm4b:s6+s2], $0x3200, $0x38;
	[tilespmem:$0x12600] =	vst v63  }
0x18: {  	_ =	swait.ge [sflag:s10], $0x3200  }
0x19: {  	[sflag:s10] =	ssyncset.done $0x0  }
0x1a: {  	s7 =	simm.s32 $0x3200;
	s9 =	rddreg [dreg:$0x8];
	[sflag:s10] =	ssyncadd.s32 $0xFFFFCE00  }
0x1b: {  	[tilespmem:s7], [sflag:$0xA] =	stream.linear.gather [hbm4b:s9+s2], $0x3200, $0x38;
	[tilespmem:$0x12600] =	vst v63  }
0x1c: {  	_ =	swait.ge [sflag:s10], $0x3200  }
0x1d: {  	[sflag:s10] =	ssyncset.done $0x0  }
0x1e: {  	s9 =	smov.u32 s11;
	s2 =	simm.s32 $0x0;
	[sflag:s10] =	ssyncadd.s32 $0xFFFFCE00  }
.LBB2_2:
0x1f: {  	s6 =	sshra.s32 s2, $0x2  }
0x20: {  	[tilespmem:s13], [sflag:$0x1] =	stream.indirect.gather [hbm4b:s3+s12], $0x40, s6, s12, $0xb8;
	[tilespmem:$0x12600] =	vst v63  }
0x21: {  	s7 =	sadd.s32 $0x3200, s6  }
0x22: {  	[tilespmem:s14], [sflag:$0x5] =	stream.indirect.gather [hbm4b:s4+s12], $0x20, s7, s12, $0xb8;
	[tilespmem:$0x12600] =	vst v63  }
0x23: {  	s7 =	sadd.s32 $0x80, s6  }
0x24: {  	[tilespmem:s15], [sflag:$0x2] =	stream.indirect.gather [hbm4b:s3+s12], $0x40, s7, s12, $0xb8;
	[tilespmem:$0x12600] =	vst v63  }
0x25: {  	s7 =	sadd.s32 $0x3280, s6  }
0x26: {  	[tilespmem:s16], [sflag:$0x6] =	stream.indirect.gather [hbm4b:s4+s12], $0x20, s7, s12, $0xb8;
	[tilespmem:$0x12600] =	vst v63  }
0x27: {  	s7 =	sadd.s32 $0x100, s6  }
0x28: {  	[tilespmem:s17], [sflag:$0x3] =	stream.indirect.gather [hbm4b:s3+s12], $0x40, s7, s12, $0xb8;
	[tilespmem:$0x12600] =	vst v63  }
0x29: {  	s7 =	sadd.s32 $0x3300, s6  }
0x2a: {  	[tilespmem:s18], [sflag:$0x7] =	stream.indirect.gather [hbm4b:s4+s12], $0x20, s7, s12, $0xb8;
	[tilespmem:$0x12600] =	vst v63  }
0x2b: {  	s7 =	sadd.s32 $0x180, s6  }
0x2c: {  	[tilespmem:s19], [sflag:$0x4] =	stream.indirect.gather [hbm4b:s3+s12], $0x40, s7, s12, $0xb8;
	[tilespmem:$0x12600] =	vst v63  }
0x2d: {  	s7 =	sadd.s32 $0x3380, s6  }
0x2e: {  	[tilespmem:s20], [sflag:$0x8] =	stream.indirect.gather [hbm4b:s4+s12], $0x20, s7, s12, $0xb8;
	[tilespmem:$0x12600] =	vst v63  }
0x2f: {  	v1 =	vld [tilespmem:s6+$0x0];
	_ =	sdelay $0x4  }
0x30: {  	vm0 =	vne.s32 v1, $0x0  }
0x31: {  	v1 =	vsel vm0, $0xFFFFFFFF, v0  }
0x32: {  	[tilespmem:$0x6400] =	vst v1  }
0x33: {  	v1 =	vld [tilespmem:s6+$0x10];
	_ =	sdelay $0x4  }
0x34: {  	vm9 =	vne.s32 v1, $0x0  }
0x35: {  	v1 =	vsel vm9, $0xFFFFFFFF, v0  }
0x36: {  	[tilespmem:$0x6410] =	vst v1  }
0x37: {  	v1 =	vld [tilespmem:s6+$0x20];
	_ =	sdelay $0x4  }
0x38: {  	vm10 =	vne.s32 v1, $0x0  }
0x39: {  	v1 =	vsel vm10, $0xFFFFFFFF, v0  }
0x3a: {  	[tilespmem:$0x6420] =	vst v1  }
0x3b: {  	v1 =	vld [tilespmem:s6+$0x30];
	_ =	sdelay $0x4  }
0x3c: {  	vm11 =	vne.s32 v1, $0x0  }
0x3d: {  	v1 =	vsel vm11, $0xFFFFFFFF, v0  }
0x3e: {  	[tilespmem:$0x6430] =	vst v1  }
0x3f: {  	v1 =	vld [tilespmem:s6+$0x40];
	_ =	sdelay $0x4  }
0x40: {  	vm12 =	vne.s32 v1, $0x0  }
0x41: {  	v1 =	vsel vm12, $0xFFFFFFFF, v0  }
0x42: {  	[tilespmem:$0x6440] =	vst v1  }
0x43: {  	v1 =	vld [tilespmem:s6+$0x50];
	_ =	sdelay $0x4  }
0x44: {  	vm13 =	vne.s32 v1, $0x0  }
0x45: {  	v1 =	vsel vm13, $0xFFFFFFFF, v0  }
0x46: {  	[tilespmem:$0x6450] =	vst v1  }
0x47: {  	v1 =	vld [tilespmem:s6+$0x60];
	_ =	sdelay $0x4  }
0x48: {  	vm14 =	vne.s32 v1, $0x0  }
0x49: {  	v1 =	vsel vm14, $0xFFFFFFFF, v0  }
0x4a: {  	[tilespmem:$0x6460] =	vst v1  }
0x4b: {  	v1 =	vld [tilespmem:s6+$0x70];
	_ =	sdelay $0x4  }
0x4c: {  	vm15 =	vne.s32 v1, $0x0  }
0x4d: {  	v1 =	vsel vm15, $0xFFFFFFFF, v0  }
0x4e: {  	[tilespmem:$0x6470] =	vst v1  }
0x4f: {  	_ =	swait.ge [sflag:s21], $0x2000  }
0x50: {  	[sflag:s21] =	ssyncset.done $0x0  }
0x51: {  	[sflag:s21] =	ssyncadd.s32 $0xFFFFE000;
	(ifvalue) =	ssetifvalue $0xFFFFFFFF  }
0x52: {  	(ifvalue) =	ssetifvalue $0xFFFFFFFF;
	s7 =	rddreg [dreg:$0x3]  }
0x53: {  	[tilespmem:s13], [sflag:$0x9] =	stream.indirect.gather [hbm4b:s5+s12], $0x40, s7, s12, $0x40b8;
	[tilespmem:$0x12600] =	vst v63  }
0x54: {  	_ =	swait.ge [sflag:s22], $0x2000  }
0x55: {  	[sflag:s22] =	ssyncset.done $0x0  }
0x56: {  	[sflag:s22] =	ssyncadd.s32 $0xFFFFE000  }
0x57: {  	_ =	swait.ge [sflag:s23], $0x1000  }
0x58: {  	[sflag:s23] =	ssyncset.done $0x0  }
0x59: {  	s7 =	sadd.s32 $0xFFFFF000, s9;
	[sflag:s23] =	ssyncadd.s32 $0xFFFFF000  }
0x5a: {  	[hbm4b:s7+s24] =	stream.strided.scatter [tilespmem:s13], [sflag:$0xA], $0x2000, s12, s24, $0x38;
	[tilespmem:$0x12600] =	vst v63  }
0x5b: {  	_ =	swait.ge [sflag:s10], $0x2000  }
0x5c: {  	[sflag:s10] =	ssyncset.done $0x0  }
0x5d: {  	s7 =	sadd.s32 $0xFFFFF008, s9;
	[sflag:s10] =	ssyncadd.s32 $0xFFFFE000  }
0x5e: {  	[hbm4b:s7+s25] =	stream.strided.scatter [tilespmem:s14], [sflag:$0xA], $0x1000, s12, s25, $0x38;
	[tilespmem:$0x12600] =	vst v63  }
0x5f: {  	_ =	swait.ge [sflag:s10], $0x1000  }
0x60: {  	[sflag:s10] =	ssyncset.done $0x0  }
0x61: {  	[sflag:s10] =	ssyncadd.s32 $0xFFFFF000  }
0x62: {  	v1 =	vld [tilespmem:s6+$0x80];
	_ =	sdelay $0x4  }
0x63: {  	vm4 =	vne.s32 v1, $0x0  }
0x64: {  	v1 =	vsel vm4, $0xFFFFFFFF, v0  }
0x65: {  	[tilespmem:$0x6480] =	vst v1  }
0x66: {  	v1 =	vld [tilespmem:s6+$0x90];
	_ =	sdelay $0x4  }
0x67: {  	vm5 =	vne.s32 v1, $0x0  }
0x68: {  	v1 =	vsel vm5, $0xFFFFFFFF, v0  }
0x69: {  	[tilespmem:$0x6490] =	vst v1  }
0x6a: {  	v1 =	vld [tilespmem:s6+$0xA0];
	_ =	sdelay $0x4  }
0x6b: {  	vm6 =	vne.s32 v1, $0x0  }
0x6c: {  	v1 =	vsel vm6, $0xFFFFFFFF, v0  }
0x6d: {  	[tilespmem:$0x64A0] =	vst v1  }
0x6e: {  	v1 =	vld [tilespmem:s6+$0xB0];
	_ =	sdelay $0x4  }
0x6f: {  	vm7 =	vne.s32 v1, $0x0  }
0x70: {  	v1 =	vsel vm7, $0xFFFFFFFF, v0  }
0x71: {  	[tilespmem:$0x64B0] =	vst v1  }
0x72: {  	v1 =	vld [tilespmem:s6+$0xC0];
	_ =	sdelay $0x4  }
0x73: {  	vm8 =	vne.s32 v1, $0x0  }
0x74: {  	v1 =	vsel vm8, $0xFFFFFFFF, v0  }
0x75: {  	[tilespmem:$0x64C0] =	vst v1  }
0x76: {  	v1 =	vld [tilespmem:s6+$0xD0];
	_ =	sdelay $0x4  }
0x77: {  	vm9 =	vne.s32 v1, $0x0  }
0x78: {  	v1 =	vsel vm9, $0xFFFFFFFF, v0  }
0x79: {  	[tilespmem:$0x64D0] =	vst v1  }
0x7a: {  	v1 =	vld [tilespmem:s6+$0xE0];
	_ =	sdelay $0x4  }
0x7b: {  	vm10 =	vne.s32 v1, $0x0  }
0x7c: {  	v1 =	vsel vm10, $0xFFFFFFFF, v0  }
0x7d: {  	[tilespmem:$0x64E0] =	vst v1  }
0x7e: {  	v1 =	vld [tilespmem:s6+$0xF0];
	_ =	sdelay $0x4  }
0x7f: {  	vm11 =	vne.s32 v1, $0x0  }
0x80: {  	v1 =	vsel vm11, $0xFFFFFFFF, v0  }
0x81: {  	[tilespmem:$0x64F0] =	vst v1  }
0x82: {  	_ =	swait.ge [sflag:s26], $0x2000  }
0x83: {  	[sflag:s26] =	ssyncset.done $0x0  }
0x84: {  	[sflag:s26] =	ssyncadd.s32 $0xFFFFE000;
	(ifvalue) =	ssetifvalue $0xFFFFFFFF  }
0x85: {  	(ifvalue) =	ssetifvalue $0xFFFFFFFF;
	s7 =	rddreg [dreg:$0x4]  }
0x86: {  	[tilespmem:s15], [sflag:$0x9] =	stream.indirect.gather [hbm4b:s5+s12], $0x40, s7, s12, $0x40b8;
	[tilespmem:$0x12600] =	vst v63  }
0x87: {  	_ =	swait.ge [sflag:s22], $0x2000  }
0x88: {  	[sflag:s22] =	ssyncset.done $0x0  }
0x89: {  	[sflag:s22] =	ssyncadd.s32 $0xFFFFE000  }
0x8a: {  	_ =	swait.ge [sflag:s28], $0x1000  }
0x8b: {  	[sflag:s28] =	ssyncset.done $0x0  }
0x8c: {  	s7 =	sadd.s32 $0xFFFFF800, s9;
	[sflag:s28] =	ssyncadd.s32 $0xFFFFF000  }
0x8d: {  	[hbm4b:s7+s24] =	stream.strided.scatter [tilespmem:s15], [sflag:$0xA], $0x2000, s12, s24, $0x38;
	[tilespmem:$0x12600] =	vst v63  }
0x8e: {  	_ =	swait.ge [sflag:s10], $0x2000  }
0x8f: {  	[sflag:s10] =	ssyncset.done $0x0  }
0x90: {  	s7 =	sadd.s32 $0xFFFFF808, s9;
	[sflag:s10] =	ssyncadd.s32 $0xFFFFE000  }
0x91: {  	[hbm4b:s7+s25] =	stream.strided.scatter [tilespmem:s16], [sflag:$0xA], $0x1000, s12, s25, $0x38;
	[tilespmem:$0x12600] =	vst v63  }
0x92: {  	_ =	swait.ge [sflag:s10], $0x1000  }
0x93: {  	[sflag:s10] =	ssyncset.done $0x0  }
0x94: {  	[sflag:s10] =	ssyncadd.s32 $0xFFFFF000  }
0x95: {  	v1 =	vld [tilespmem:s6+$0x100];
	_ =	sdelay $0x4  }
0x96: {  	vm12 =	vne.s32 v1, $0x0  }
0x97: {  	v1 =	vsel vm12, $0xFFFFFFFF, v0  }
0x98: {  	[tilespmem:$0x6500] =	vst v1  }
0x99: {  	v1 =	vld [tilespmem:s6+$0x110];
	_ =	sdelay $0x4  }
0x9a: {  	vm13 =	vne.s32 v1, $0x0  }
0x9b: {  	v1 =	vsel vm13, $0xFFFFFFFF, v0  }
0x9c: {  	[tilespmem:$0x6510] =	vst v1  }
0x9d: {  	v1 =	vld [tilespmem:s6+$0x120];
	_ =	sdelay $0x4  }
0x9e: {  	vm14 =	vne.s32 v1, $0x0  }
0x9f: {  	v1 =	vsel vm14, $0xFFFFFFFF, v0  }
0xa0: {  	[tilespmem:$0x6520] =	vst v1  }
0xa1: {  	v1 =	vld [tilespmem:s6+$0x130];
	_ =	sdelay $0x4  }
0xa2: {  	vm15 =	vne.s32 v1, $0x0  }
0xa3: {  	v1 =	vsel vm15, $0xFFFFFFFF, v0  }
0xa4: {  	[tilespmem:$0x6530] =	vst v1  }
0xa5: {  	v1 =	vld [tilespmem:s6+$0x140];
	_ =	sdelay $0x4  }
0xa6: {  	vm4 =	vne.s32 v1, $0x0  }
0xa7: {  	v1 =	vsel vm4, $0xFFFFFFFF, v0  }
0xa8: {  	[tilespmem:$0x6540] =	vst v1  }
0xa9: {  	v1 =	vld [tilespmem:s6+$0x150];
	_ =	sdelay $0x4  }
0xaa: {  	vm5 =	vne.s32 v1, $0x0  }
0xab: {  	v1 =	vsel vm5, $0xFFFFFFFF, v0  }
0xac: {  	[tilespmem:$0x6550] =	vst v1  }
0xad: {  	v1 =	vld [tilespmem:s6+$0x160];
	_ =	sdelay $0x4  }
0xae: {  	vm6 =	vne.s32 v1, $0x0  }
0xaf: {  	v1 =	vsel vm6, $0xFFFFFFFF, v0  }
0xb0: {  	[tilespmem:$0x6560] =	vst v1  }
0xb1: {  	v1 =	vld [tilespmem:s6+$0x170];
	_ =	sdelay $0x4  }
0xb2: {  	vm7 =	vne.s32 v1, $0x0  }
0xb3: {  	v1 =	vsel vm7, $0xFFFFFFFF, v0  }
0xb4: {  	[tilespmem:$0x6570] =	vst v1  }
0xb5: {  	_ =	swait.ge [sflag:s29], $0x2000  }
0xb6: {  	[sflag:s29] =	ssyncset.done $0x0  }
0xb7: {  	[sflag:s29] =	ssyncadd.s32 $0xFFFFE000;
	(ifvalue) =	ssetifvalue $0xFFFFFFFF  }
0xb8: {  	(ifvalue) =	ssetifvalue $0xFFFFFFFF;
	s7 =	rddreg [dreg:$0x5]  }
0xb9: {  	[tilespmem:s17], [sflag:$0x9] =	stream.indirect.gather [hbm4b:s5+s12], $0x40, s7, s12, $0x40b8;
	[tilespmem:$0x12600] =	vst v63  }
0xba: {  	_ =	swait.ge [sflag:s22], $0x2000  }
0xbb: {  	[sflag:s22] =	ssyncset.done $0x0  }
0xbc: {  	[sflag:s22] =	ssyncadd.s32 $0xFFFFE000  }
0xbd: {  	_ =	swait.ge [sflag:s30], $0x1000  }
0xbe: {  	[sflag:s30] =	ssyncset.done $0x0  }
0xbf: {  	[sflag:s30] =	ssyncadd.s32 $0xFFFFF000  }
0xc0: {  	[hbm4b:s9+s24] =	stream.strided.scatter [tilespmem:s17], [sflag:$0xA], $0x2000, s12, s24, $0x38;
	[tilespmem:$0x12600] =	vst v63  }
0xc1: {  	_ =	swait.ge [sflag:s10], $0x2000  }
0xc2: {  	[sflag:s10] =	ssyncset.done $0x0  }
0xc3: {  	s7 =	sadd.s32 $0x8, s9;
	[sflag:s10] =	ssyncadd.s32 $0xFFFFE000  }
0xc4: {  	[hbm4b:s7+s25] =	stream.strided.scatter [tilespmem:s18], [sflag:$0xA], $0x1000, s12, s25, $0x38;
	[tilespmem:$0x12600] =	vst v63  }
0xc5: {  	_ =	swait.ge [sflag:s10], $0x1000  }
0xc6: {  	[sflag:s10] =	ssyncset.done $0x0  }
0xc7: {  	[sflag:s10] =	ssyncadd.s32 $0xFFFFF000  }
0xc8: {  	v1 =	vld [tilespmem:s6+$0x180];
	_ =	sdelay $0x4  }
0xc9: {  	vm8 =	vne.s32 v1, $0x0  }
0xca: {  	v1 =	vsel vm8, $0xFFFFFFFF, v0  }
0xcb: {  	[tilespmem:$0x6580] =	vst v1  }
0xcc: {  	v1 =	vld [tilespmem:s6+$0x190];
	_ =	sdelay $0x4  }
0xcd: {  	vm9 =	vne.s32 v1, $0x0  }
0xce: {  	v1 =	vsel vm9, $0xFFFFFFFF, v0  }
0xcf: {  	[tilespmem:$0x6590] =	vst v1  }
0xd0: {  	v1 =	vld [tilespmem:s6+$0x1A0];
	_ =	sdelay $0x4  }
0xd1: {  	vm10 =	vne.s32 v1, $0x0  }
0xd2: {  	v1 =	vsel vm10, $0xFFFFFFFF, v0  }
0xd3: {  	[tilespmem:$0x65A0] =	vst v1  }
0xd4: {  	v1 =	vld [tilespmem:s6+$0x1B0];
	_ =	sdelay $0x4  }
0xd5: {  	vm11 =	vne.s32 v1, $0x0  }
0xd6: {  	v1 =	vsel vm11, $0xFFFFFFFF, v0  }
0xd7: {  	[tilespmem:$0x65B0] =	vst v1  }
0xd8: {  	v1 =	vld [tilespmem:s6+$0x1C0];
	_ =	sdelay $0x4  }
0xd9: {  	vm12 =	vne.s32 v1, $0x0  }
0xda: {  	v1 =	vsel vm12, $0xFFFFFFFF, v0  }
0xdb: {  	[tilespmem:$0x65C0] =	vst v1  }
0xdc: {  	v1 =	vld [tilespmem:s6+$0x1D0];
	_ =	sdelay $0x4  }
0xdd: {  	vm13 =	vne.s32 v1, $0x0  }
0xde: {  	v1 =	vsel vm13, $0xFFFFFFFF, v0  }
0xdf: {  	[tilespmem:$0x65D0] =	vst v1  }
0xe0: {  	v1 =	vld [tilespmem:s6+$0x1E0];
	_ =	sdelay $0x4  }
0xe1: {  	vm14 =	vne.s32 v1, $0x0  }
0xe2: {  	v1 =	vsel vm14, $0xFFFFFFFF, v0  }
0xe3: {  	[tilespmem:$0x65E0] =	vst v1  }
0xe4: {  	v1 =	vld [tilespmem:s6+$0x1F0];
	_ =	sdelay $0x4  }
0xe5: {  	vm15 =	vne.s32 v1, $0x0  }
0xe6: {  	v1 =	vsel vm15, $0xFFFFFFFF, v0  }
0xe7: {  	[tilespmem:$0x65F0] =	vst v1  }
0xe8: {  	_ =	swait.ge [sflag:s31], $0x2000  }
0xe9: {  	[sflag:s31] =	ssyncset.done $0x0  }
0xea: {  	[sflag:s31] =	ssyncadd.s32 $0xFFFFE000;
	(ifvalue) =	ssetifvalue $0xFFFFFFFF  }
0xeb: {  	(ifvalue) =	ssetifvalue $0xFFFFFFFF;
	s7 =	rddreg [dreg:$0x6]  }
0xec: {  	[tilespmem:s19], [sflag:$0x9] =	stream.indirect.gather [hbm4b:s5+s12], $0x40, s7, s12, $0x40b8;
	[tilespmem:$0x12600] =	vst v63  }
0xed: {  	_ =	swait.ge [sflag:s22], $0x2000  }
0xee: {  	[sflag:s22] =	ssyncset.done $0x0  }
0xef: {  	[sflag:s22] =	ssyncadd.s32 $0xFFFFE000  }
0xf0: {  	_ =	swait.ge [sflag:s0], $0x1000  }
0xf1: {  	[sflag:s0] =	ssyncset.done $0x0  }
0xf2: {  	s7 =	sadd.s32 $0x800, s9;
	[sflag:s0] =	ssyncadd.s32 $0xFFFFF000  }
0xf3: {  	[hbm4b:s7+s24] =	stream.strided.scatter [tilespmem:s19], [sflag:$0xA], $0x2000, s12, s24, $0x38;
	[tilespmem:$0x12600] =	vst v63  }
0xf4: {  	_ =	swait.ge [sflag:s10], $0x2000  }
0xf5: {  	p0 =	sne.s32 s2, $0xC000;
	[sflag:s10] =	ssyncset.done $0x0  }
.Ltmp0:
0xf6: {  	s7 =	sadd.s32 $0x808, s9;
	[sflag:s10] =	ssyncadd.s32 $0xFFFFE000;
	(pc) =	sbr.rel @p0 .LBB2_2-.Ltmp0, $4  }
0xf7: {  	[hbm4b:s7+s25] =	stream.strided.scatter [tilespmem:s20], [sflag:$0xA], $0x1000, s12, s25, $0x38;
	[tilespmem:$0x12600] =	vst v63  }
0xf8: {  	_ =	swait.ge [sflag:s10], $0x1000  }
0xf9: {  	[sflag:s10] =	ssyncset.done $0x0  }
0xfa: {  	s2 =	sadd.s32 $0x800, s2;
	s9 =	sadd.s32 $0x2000, s9;
	[sflag:s10] =	ssyncadd.s32 $0xFFFFF000  }
0xfb: {  	s1 =	sadd.s32 $0x1, s1  }
0xfc: {  	p0 =	sne.s32 s1, s8  }
.Ltmp1:
0xfd: {  	_ = 	snop;
	(pc) =	sbr.rel @p0 .LBB2_1-.Ltmp1, $1  }
0xfe: {  	_ =	sdelay $0x3  }
0xff: {  	_ =	sfence.sel $0x180000  }
0x100: {  	[bflag:$0x0] =	sbarrier.arrive $0xFFFF  }
0x101: {  	_ =	strace $0x90000047  }
0x102: {  	s0 =	stileid.u32;
	[bflag:$0x2] =	sbarrier.arrive $0xFFFF  }
0x103: {  	p0 =	sne.s32 s0, $0x0;
	s0 =	rddreg [dreg:$0x2]  }
0x104: {  	s0 =	sadd.s32 @!p0 $0x100000, s0  }
0x105: {  	[sflag:s0] =	ssyncadd.tile.s32 @!p0 $0x1;
	_ =	shalt  }
.Lfunc_end2:
_tile_overlayer_lowered:
.L_overlay_start_2:
0x106: {  	(tag) =	ssettag $0x2  }
0x107: {  	s0 =	rddreg [dreg:$0x0];
	s2 =	stileid.u32  }
0x108: {  	s1 =	rddreg [dreg:$0x1];
	p0 =	sne.s32 s2, $0x0  }
0x109: {  	s3 =	rddreg [dreg:$0x2];
	[bflag:$0x3] =	sbarrier.arrive $0xFFFF;
	s2 =	simm.s32 @!p0 $0x1C0A  }
0x10a: {  	[timem:s3], [sflag:s2] =	dma.local @!p0 [hbm:s0], s1  }
0x10b: {  	s0 =	simm.s32 @!p0 $0xA  }
0x10c: {  	_ =	swait.ge @!p0 [sflag:s0], s1  }
0x10d: {  	s1 =	ssub.s32 @!p0 $0x0, s1;
	[sflag:s0] =	ssyncset.done @!p0 $0x0  }
0x10e: {  	[sflag:s0] =	ssyncadd.s32 @!p0 s1  }
0x10f: {  	[bflag:$0x3] =	sbarrier.arrive $0xFFFF  }
0x110: {  	_ =	shalt  }

// kernel: kernel.9.cloned.1.call-start
scs
__scs_entry_jumppad:
0x0: {  	(pc) =	sbr.rel $0x88, $3  }
0x1: {  	(tag) =	ssettag $0x0;
	lr =	simm.s32 $0x1  }
0x2: {  	[smem:$0x3F9A] =	sst lr;
	_ =	strace $0xD0000000  }
0x3: {  	_ = 	snop  }
0x4: {  	_ = 	snop  }
0x5: {  	_ = 	snop  }
0x6: {  	_ = 	snop  }
0x7: {  	_ = 	snop  }
__scs_overlays_trampoline_lowered:
0x8: {  	[smem:$0x3FA9] =	sst s0  }
0x9: {  	[smem:$0x3FAA] =	sst s1  }
0xa: {  	[smem:$0x3FAB] =	sst s2  }
0xb: {  	[smem:$0x3FAC] =	sst s3  }
0xc: {  	[smem:$0x3FAD] =	sst s4  }
0xd: {  	[smem:$0x3FAE] =	sst s5  }
0xe: {  	[smem:$0x3FAF] =	sst s6  }
0xf: {  	[smem:$0x3FB0] =	sst s7  }
0x10: {  	[smem:$0x3FB1] =	sst s8  }
0x11: {  	[smem:$0x3FB2] =	sst s9;
	s0 =	simm.s32 @!p0 $0x0  }
0x12: {  	s1 =	sld [smem:$0x3F98];
	s0 =	simm.s32 @p0 $0x1  }
0x13: {  	[smem:$0x3FB3] =	sst s0;
	s0 =	simm.s32 @!p1 $0x0  }
0x14: {  	s2 =	sld [smem:$0x3F97];
	s0 =	simm.s32 @p1 $0x1  }
0x15: {  	[smem:$0x3FB4] =	sst s0;
	s0 =	simm.s32 @!p2 $0x0  }
0x16: {  	s3 =	sld [smem:$0x3FDB];
	s0 =	simm.s32 @p2 $0x1  }
0x17: {  	s4 =	simm.s32 $0x1BF5;
	[smem:$0x3FB6] =	sst s0  }
0x18: {  	s0 =	sld [smem:$0x3F99];
	_ =	swait.ge [sflag:s4], $0x0  }
0x19: {  	s7 =	sld [smem:$0x3F9A]  }
0x1a: {  	s8 =	sadd.s32 $0xFFFFE003, lr  }
0x1b: {  	s9 =	sadd.s32 $0xFFFFFEF7, lr;
	s5 =	simm.s32 $0xFFFFFFFF;
	p2 =	slt.u32 s8, $0xFFFFF086  }
0x1c: {  	p1 =	slt.u32 s9, $0xF7A;
	s5 =	simm.s32 @!p2 $0x0  }
0x1d: {  	s5 =	simm.s32 @p1 $0x1;
	p0 =	seq.s32 s7, s2  }
0x1e: {  	s7 =	smul.u32 @!p0 $0xF7A, s2;
	p2 =	seq.s32 @!p0 s5, $0x0  }
0x1f: {  	s9 =	smul.u32 $0xF7A, s1;
	s8 =	simm.s32 @!p0 $0x1BF5;
	p2 =	por !p2, p0  }
0x20: {  	[sflag:s8] =	ssyncset.s32 @!p0 $0xFFFFF086;
	s6 =	sadd.s32 @!p0 s3, s7;
	s7 =	simm.s32 @!p0 $0x108  }
0x21: {  	s3 =	sadd.s32 s3, s9;
	s6 =	sadd.s32 @!p0 $0x88, s6;
	s7 =	simm.s32 @p2 $0x1082  }
0x22: {  	[simem:s7], [sflag:s8] =	dma.local @!p0 [hbm:s6], $0xF7A  }
0x23: {  	s9 =	sor.u32 $0xD0000000, s2;
	s6 =	simm.s32 $0x108;
	_ =	swait.ge @!p0 [sflag:s8], $0x0  }
0x24: {  	s3 =	sadd.s32 $0x88, s3;
	s6 =	simm.s32 @!p1 $0x1082;
	[sflag:s4] =	ssyncset.s32 $0xFFFFF086  }
0x25: {  	[simem:s6], [sflag:s4] =	dma.local [hbm:s3], $0xF7A  }
0x26: {  	[smem:$0x3F9A] =	sst s1;
	(tag) =	ssettag s2;
	_ =	strace s9  }
0x27: {  	s1 =	sld [smem:$0x3FAA]  }
0x28: {  	s2 =	sld [smem:$0x3FAB]  }
0x29: {  	s4 =	sld [smem:$0x3FAD]  }
0x2a: {  	p0 =	seq.s32 s5, $0x0;
	s5 =	sld [smem:$0x3FAE]  }
0x2b: {  	s6 =	sld [smem:$0x3FAF]  }
0x2c: {  	s7 =	sld [smem:$0x3FB0]  }
0x2d: {  	s3 =	simm.s32 $0x108;
	s8 =	sld [smem:$0x3FB1]  }
0x2e: {  	s3 =	simm.s32 @!p0 $0x1082;
	s9 =	sld [smem:$0x3FB2]  }
0x2f: {  	lr =	sadd.s32 s0, s3;
	s0 =	sld [smem:$0x3FA9]  }
0x30: {  	s3 =	sld [smem:$0x3FAC]  }
0x31: {  	[smem:$0x3FB5] =	sst s10  }
0x32: {  	s10 =	sld [smem:$0x3FB3];
	_ =	sdelay $0x3  }
0x33: {  	p0 =	seq.s32 s10, $0x1;
	s10 =	sld [smem:$0x3FB5];
	_ =	sdelay $0x3  }
0x34: {  	[smem:$0x3FB5] =	sst s10  }
0x35: {  	s10 =	sld [smem:$0x3FB4];
	_ =	sdelay $0x3  }
0x36: {  	p1 =	seq.s32 s10, $0x1;
	s10 =	sld [smem:$0x3FB5];
	_ =	sdelay $0x3  }
0x37: {  	[smem:$0x3FB5] =	sst s10  }
0x38: {  	s10 =	sld [smem:$0x3FB6]  }
0x39: {  	_ = 	snop;
	(pc) =	sbr.ind lr, $3  }
0x3a: {  	_ = 	snop  }
0x3b: {  	_ = 	snop  }
0x3c: {  	p2 =	seq.s32 s10, $0x1;
	s10 =	sld [smem:$0x3FB5]  }
0x3d: {  	_ =	shalt  }
0x3e: {  	_ =	shalt  }
0x3f: {  	_ =	shalt  }
0x40: {  	_ =	shalt  }
0x41: {  	_ =	shalt  }
0x42: {  	_ =	shalt  }
0x43: {  	_ =	shalt  }
0x44: {  	_ =	shalt  }
0x45: {  	_ =	shalt  }
0x46: {  	_ =	shalt  }
0x47: {  	_ =	shalt  }
0x48: {  	_ =	shalt  }
0x49: {  	_ =	shalt  }
0x4a: {  	_ =	shalt  }
0x4b: {  	_ =	shalt  }
0x4c: {  	_ =	shalt  }
0x4d: {  	_ =	shalt  }
0x4e: {  	_ =	shalt  }
0x4f: {  	_ =	shalt  }
0x50: {  	_ =	shalt  }
0x51: {  	_ =	shalt  }
0x52: {  	_ =	shalt  }
0x53: {  	_ =	shalt  }
0x54: {  	_ =	shalt  }
0x55: {  	_ =	shalt  }
0x56: {  	_ =	shalt  }
0x57: {  	_ =	shalt  }
0x58: {  	_ =	shalt  }
0x59: {  	_ =	shalt  }
0x5a: {  	_ =	shalt  }
0x5b: {  	_ =	shalt  }
0x5c: {  	_ =	shalt  }
0x5d: {  	_ =	shalt  }
0x5e: {  	_ =	shalt  }
0x5f: {  	_ =	shalt  }
0x60: {  	_ =	shalt  }
0x61: {  	_ =	shalt  }
0x62: {  	_ =	shalt  }
0x63: {  	_ =	shalt  }
0x64: {  	_ =	shalt  }
0x65: {  	_ =	shalt  }
0x66: {  	_ =	shalt  }
0x67: {  	_ =	shalt  }
0x68: {  	_ =	shalt  }
0x69: {  	_ =	shalt  }
0x6a: {  	_ =	shalt  }
0x6b: {  	_ =	shalt  }
0x6c: {  	_ =	shalt  }
0x6d: {  	_ =	shalt  }
0x6e: {  	_ =	shalt  }
0x6f: {  	_ =	shalt  }
0x70: {  	_ =	shalt  }
0x71: {  	_ =	shalt  }
0x72: {  	_ =	shalt  }
0x73: {  	_ =	shalt  }
0x74: {  	_ =	shalt  }
0x75: {  	_ =	shalt  }
0x76: {  	_ =	shalt  }
0x77: {  	_ =	shalt  }
0x78: {  	_ =	shalt  }
0x79: {  	_ =	shalt  }
0x7a: {  	_ =	shalt  }
0x7b: {  	_ =	shalt  }
0x7c: {  	_ =	shalt  }
0x7d: {  	_ =	shalt  }
0x7e: {  	_ =	shalt  }
0x7f: {  	_ =	shalt  }
0x80: {  	_ =	shalt  }
0x81: {  	_ =	shalt  }
0x82: {  	_ =	shalt  }
0x83: {  	_ =	shalt  }
0x84: {  	_ =	shalt  }
0x85: {  	_ =	shalt  }
0x86: {  	_ =	shalt  }
0x87: {  	_ =	shalt  }
.Lfunc_end0:
.L_simem_size_0:
called_computation.1_lowered:
.L_overlay_start_0:
0x88: {  	s2 =	sld [smem:$0x3FD9]  }
0x89: {  	s3 =	sld [smem:$0x3FFE];
	_ =	sdelay $0x1  }
0x8a: {  	s1 =	srdreg.scid  }
0x8b: {  	s0 =	sand.u32 $0x1, s1  }
0x8c: {  	s17 =	sshll.u32 s0, $0xA;
	s2 =	sadd.s32 s3, s2  }
0x8d: {  	s2 =	sadd.s32 s2, s17  }
0x8e: {  	[smem:$0x3FC1] =	sst s2  }
0x8f: {  	_ = 	snop  }
0x90: {  	(tm) =	ssettm $0x1  }
0x91: {  	s18 =	sld [smem:$0x3FFB];
	_ =	sdelay $0x3  }
0x92: {  	_ =	strace s18  }
0x93: {  	s2 =	sld [smem:$0x3FFC];
	_ =	sdelay $0x3  }
0x94: {  	_ =	strace s2  }
0x95: {  	s2 =	sld [smem:$0x3FFD];
	_ =	sdelay $0x3  }
0x96: {  	_ =	strace s2  }
0x97: {  	_ =	strace $0x8FFFFFFF  }
0x98: {  	s19 =	sld [smem:$0x3FDB];
	_ =	sdelay $0x1  }
0x99: {  	s20 =	simm.s32 $_scs_section_size  }
0x9a: {  	s4 =	simm.s32 $_size__tile_overlayer_lowered;
	s5 =	simm.s32 $_tile_overlayer_lowered  }
0x9b: {  	s6 =	simm.s32 $0x1BFF;
	s21 =	sshll.u32 s5, $0x1;
	s3 =	sadd.s32 s20, s19  }
0x9c: {  	s22 =	simm.s32 $0x0;
	s4 =	sshll.u32 s4, $0x1;
	s5 =	sadd.s32 s21, s3  }
0x9d: {  	[timem:s22], [sflag:s6] =	dma.local [hbm:s5], s4  }
0x9e: {  	_ =	swait.ge [sflag:s6], s4  }
0x9f: {  	s4 =	ssub.s32 $0x0, s4;
	[sflag:s6] =	ssyncset.done $0x0  }
0xa0: {  	[sflag:s6] =	ssyncadd.s32 s4;
	_ =	sdelay $0x1  }
0xa1: {  	s23 =	simm.s32 $0x1B8B  }
0xa2: {  	_ =	swait.ge [sflag:s23], $0x1  }
0xa3: {  	[sflag:s23] =	ssyncset.done $0x0  }
0xa4: {  	[sflag:s23] =	ssyncadd.s32 $0xFFFFFFFF  }
0xa5: {  	s4 =	sld [smem:$0x0]  }
0xa6: {  	s5 =	sand.u32 $0xFFFFFFFE, s1  }
0xa7: {  	p0 =	sne.s32 s1, s5  }
0xa8: {  	s5 =	sshll.u32 @p0 s5, $0xE  }
0xa9: {  	s5 =	sadd.s32 @p0 $0x11B8D, s5;
	s6 =	sshll.u32 @p0 s4, $0x11  }
0xaa: {  	s5 =	sor.u32 @p0 s6, s5  }
0xab: {  	[sflag:s5] =	ssyncadd.remote.s32 @p0 $0x1;
	_ =	sdelay $0x1  }
0xac: {  	s5 =	simm.s32 @p0 $0x1B8D  }
0xad: {  	_ =	swait.eq @p0 [sflag:s5], $0x1  }
0xae: {  	[sflag:s5] =	ssyncadd.s32 @p0 $0xFFFFFFFF  }
0xaf: {  	s6 =	sshll.u32 @!p0 s1, $0xE  }
0xb0: {  	s6 =	sor.u32 @!p0 $0x4000, s6;
	s5 =	simm.s32 @!p0 $0x1B8D  }
0xb1: {  	s4 =	sshll.u32 @!p0 s4, $0x11;
	s6 =	sadd.s32 @!p0 $0x11B8D, s6;
	_ =	swait.eq @!p0 [sflag:s5], $0x1  }
0xb2: {  	s4 =	sor.u32 @!p0 s4, s6;
	[sflag:s5] =	ssyncadd.s32 @!p0 $0xFFFFFFFF  }
0xb3: {  	s25 =	simm.s32 $0x1B8E;
	s24 =	sld [smem:$0x3FFE];
	[sflag:s4] =	ssyncadd.remote.s32 @!p0 $0x1  }
0xb4: {  	s26 =	simm.s32 $execute0_lowered;
	[smem:$0x3FD2] =	sst s25  }
0xb5: {  	s5 =	sshll.u32 s26, $0x1;
	_ =	strace $0x80000049;
	[dreg:$0x1] =	wrdreg $0xFFFFFFFF  }
0xb6: {  	s28 =	simm.s32 $_size_execute0_lowered;
	s3 =	sadd.s32 s3, s5;
	[dreg:$0x0] =	wrdreg $0x0  }
0xb7: {  	s5 =	sshll.u32 s28, $0x1;
	[dreg:$0x2] =	wrdreg s3  }
0xb8: {  	[dreg:$0x3] =	wrdreg s5  }
0xb9: {  	[dreg:$0x4] =	wrdreg $0xC0  }
0xba: {  	_ =	task [dreg:s22], $0x5FFFF  }
0xbb: {  	[dreg:$0x1] =	wrdreg $0xFFFFFFFF  }
0xbc: {  	[dreg:$0x0] =	wrdreg $0x60  }
0xbd: {  	[dreg:$0x2] =	wrdreg s24  }
0xbe: {  	[dreg:$0x3] =	wrdreg $0xA  }
0xbf: {  	_ =	task.clear_ibuf [dreg:s22], $0x4FFFF;
	_ =	strace $0x90000049  }
0xc0: {  	s29 =	simm.s32 $0xA;
	_ =	strace $0x8000004B  }
0xc1: {  	_ =	swait.ge [sflag:s29], $0x1  }
0xc2: {  	[sflag:s29] =	ssyncadd.s32 $0xFFFFFFFF  }
0xc3: {  	_ =	strace $0x9000004B  }
0xc4: {  	_ =	sfence  }
0xc5: {  	s30 =	sld [smem:$0x0];
	_ =	sdelay $0x2  }
0xc6: {  	s31 =	sshll.u32 s1, $0xD;
	s1 =	sshrl.u32 s1, $0x2  }
0xc7: {  	s4 =	sand.u32 $0x4000, s31;
	s1 =	sadd.s32 s1, s30  }
0xc8: {  	s0 =	sor.u32 s4, s0;
	s1 =	sshll.u32 s1, $0x11  }
0xc9: {  	s0 =	sor.u32 s1, s0  }
0xca: {  	s0 =	sadd.s32 $0x8F2B, s0  }
0xcb: {  	[sflag:s0] =	ssyncadd.remote.s32 $0x1  }
0xcc: {  	_ =	sfence.sel $0xFFFF  }
0xcd: {  	[dreg:$0x0] =	wrdreg $0xFFFFFFFF;
	(pc) =	sbr.abs _section_cstart, $3  }
0xce: {  	[dreg:$0x1] =	wrdreg $0xFFFFFFFF  }
0xcf: {  	_ =	task.clear_ibuf [dreg:s22], $0x2FFFF;
	_ =	strace $0x9FFFFFFF  }
0xd0: {  	(tm) =	ssettm $0x7FFFFFFF  }
0xd1: {  	_ =	shalt  }
tec
execute0_lowered:
.L_overlay_start_1:
0x0: {  	(tag) =	ssettag $0x1  }
0x1: {  	s0 =	rddreg [dreg:$0x0]  }
0x2: {  	s1 =	srdreg.scid;
	s5 =	stileid.u32;
	s3 =	simm.s32 $0x0  }
0x3: {  	s10 =	simm.s32 $0xA;
	s12 =	simm.s32 $0x80;
	s13 =	simm.s32 $0x6600  }
0x4: {  	s14 =	simm.s32 $0xE600;
	s15 =	simm.s32 $0x8600;
	s16 =	simm.s32 $0xF600  }
0x5: {  	s17 =	simm.s32 $0xA600;
	s18 =	simm.s32 $0x10600;
	s19 =	simm.s32 $0xC600  }
0x6: {  	s20 =	simm.s32 $0x11600;
	s23 =	simm.s32 $0x6400;
	s24 =	simm.s32 $0x6480  }
0x7: {  	s25 =	simm.s32 $0x6500;
	s26 =	simm.s32 $0x6580;
	s28 =	simm.s32 $0x6  }
0x8: {  	s29 =	simm.s32 $0x3;
	s30 =	simm.s32 $0x7;
	s31 =	simm.s32 $0x4  }
0x9: {  	s1 =	sand.u32 $0x1, s1;
	s2 =	sshll.u32 s5, $0x1;
	[smem:$0x7FF] =	sst s3  }
0xa: {  	s3 =	sadd.s32 $0xF51600, s0;
	s4 =	sadd.s32 $0x1A00, s0;
	s6 =	smul.u32 $0x64000, s5  }
0xb: {  	s2 =	sor.u32 s1, s2;
	_ =	strace $0x8000004A;
	[dreg:$0x2] =	wrdreg s23  }
0xc: {  	s7 =	ssub.s32 $0x2, s1;
	s1 =	smul.u32 $0x32000, s1;
	[dreg:$0x3] =	wrdreg s24  }
0xd: {  	s5 =	sadd.s32 $0xF200, s0;
	[dreg:$0x4] =	wrdreg s25;
	s2 =	smul.u32 $0x3200, s2  }
0xe: {  	s23 =	simm.s32 $0x5;
	s24 =	simm.s32 $0x40;
	[dreg:$0x5] =	wrdreg s26  }
0xf: {  	s25 =	simm.s32 $0x20;
	s8 =	sshrl.u32 s7, $0x1;
	s2 =	sshrl.u32 s2, $0x3  }
0x10: {  	s26 =	simm.s32 $0x2;
	s21 =	ssub.s32 s7, s8;
	s2 =	sadd.s32 s2, s0  }
0x11: {  	s8 =	smax.u32 s21, $0x1;
	s21 =	simm.s32 $0x1;
	s22 =	sadd.s32 $0x64F400, s2  }
0x12: {  	s0 =	sadd.s32 s6, s0;
	s2 =	sadd.s32 $0x65BC00, s2;
	[dreg:$0x6] =	wrdreg s22  }
0x13: {  	s0 =	sadd.s32 s1, s0;
	s1 =	simm.s32 $0x0;
	[dreg:$0x7] =	wrdreg s2  }
0x14: {  	v0 =	vimm.s32 $0x0;
	s11 =	sadd.s32 $0x669400, s0;
	s22 =	simm.s32 $0x9;
	s0 =	simm.s32 $0x8  }
.LBB2_1:
0x15: {  	s2 =	simm.s32 $0x0;
	s6 =	rddreg [dreg:$0x6]  }
0x16: {  	[tilespmem:s2], [sflag:$0xA] =	stream.linear.gather [hbm4b:s6+s2], $0x3200, $0x38;
	[tilespmem:$0x12600] =	vst v63  }
0x17: {  	_ =	swait.ge [sflag:s10], $0x3200  }
0x18: {  	[sflag:s10] =	ssyncset.done $0x0  }
0x19: {  	s7 =	simm.s32 $0x3200;
	s9 =	rddreg [dreg:$0x7];
	[sflag:s10] =	ssyncadd.s32 $0xFFFFCE00  }
0x1a: {  	[tilespmem:s7], [sflag:$0xA] =	stream.linear.gather [hbm4b:s9+s2], $0x3200, $0x38;
	[tilespmem:$0x12600] =	vst v63  }
0x1b: {  	_ =	swait.ge [sflag:s10], $0x3200  }
0x1c: {  	[sflag:s10] =	ssyncset.done $0x0  }
0x1d: {  	s9 =	smov.u32 s11;
	s2 =	simm.s32 $0x0;
	[sflag:s10] =	ssyncadd.s32 $0xFFFFCE00  }
.LBB2_2:
0x1e: {  	s6 =	sshra.s32 s2, $0x2  }
0x1f: {  	[tilespmem:s13], [sflag:$0x1] =	stream.indirect.gather [hbm4b:s3+s12], $0x40, s6, s12, $0xb8;
	[tilespmem:$0x12600] =	vst v63  }
0x20: {  	s7 =	sadd.s32 $0x3200, s6  }
0x21: {  	[tilespmem:s14], [sflag:$0x5] =	stream.indirect.gather [hbm4b:s4+s12], $0x20, s7, s12, $0xb8;
	[tilespmem:$0x12600] =	vst v63  }
0x22: {  	s7 =	sadd.s32 $0x80, s6  }
0x23: {  	[tilespmem:s15], [sflag:$0x2] =	stream.indirect.gather [hbm4b:s3+s12], $0x40, s7, s12, $0xb8;
	[tilespmem:$0x12600] =	vst v63  }
0x24: {  	s7 =	sadd.s32 $0x3280, s6  }
0x25: {  	[tilespmem:s16], [sflag:$0x6] =	stream.indirect.gather [hbm4b:s4+s12], $0x20, s7, s12, $0xb8;
	[tilespmem:$0x12600] =	vst v63  }
0x26: {  	s7 =	sadd.s32 $0x100, s6  }
0x27: {  	[tilespmem:s17], [sflag:$0x3] =	stream.indirect.gather [hbm4b:s3+s12], $0x40, s7, s12, $0xb8;
	[tilespmem:$0x12600] =	vst v63  }
0x28: {  	s7 =	sadd.s32 $0x3300, s6  }
0x29: {  	[tilespmem:s18], [sflag:$0x7] =	stream.indirect.gather [hbm4b:s4+s12], $0x20, s7, s12, $0xb8;
	[tilespmem:$0x12600] =	vst v63  }
0x2a: {  	s7 =	sadd.s32 $0x180, s6  }
0x2b: {  	[tilespmem:s19], [sflag:$0x4] =	stream.indirect.gather [hbm4b:s3+s12], $0x40, s7, s12, $0xb8;
	[tilespmem:$0x12600] =	vst v63  }
0x2c: {  	s7 =	sadd.s32 $0x3380, s6  }
0x2d: {  	[tilespmem:s20], [sflag:$0x8] =	stream.indirect.gather [hbm4b:s4+s12], $0x20, s7, s12, $0xb8;
	[tilespmem:$0x12600] =	vst v63  }
0x2e: {  	v1 =	vld [tilespmem:s6+$0x0];
	_ =	sdelay $0x4  }
0x2f: {  	vm0 =	vne.s32 v1, $0x0  }
0x30: {  	v1 =	vsel vm0, $0xFFFFFFFF, v0  }
0x31: {  	[tilespmem:$0x6400] =	vst v1  }
0x32: {  	v1 =	vld [tilespmem:s6+$0x10];
	_ =	sdelay $0x4  }
0x33: {  	vm9 =	vne.s32 v1, $0x0  }
0x34: {  	v1 =	vsel vm9, $0xFFFFFFFF, v0  }
0x35: {  	[tilespmem:$0x6410] =	vst v1  }
0x36: {  	v1 =	vld [tilespmem:s6+$0x20];
	_ =	sdelay $0x4  }
0x37: {  	vm10 =	vne.s32 v1, $0x0  }
0x38: {  	v1 =	vsel vm10, $0xFFFFFFFF, v0  }
0x39: {  	[tilespmem:$0x6420] =	vst v1  }
0x3a: {  	v1 =	vld [tilespmem:s6+$0x30];
	_ =	sdelay $0x4  }
0x3b: {  	vm11 =	vne.s32 v1, $0x0  }
0x3c: {  	v1 =	vsel vm11, $0xFFFFFFFF, v0  }
0x3d: {  	[tilespmem:$0x6430] =	vst v1  }
0x3e: {  	v1 =	vld [tilespmem:s6+$0x40];
	_ =	sdelay $0x4  }
0x3f: {  	vm12 =	vne.s32 v1, $0x0  }
0x40: {  	v1 =	vsel vm12, $0xFFFFFFFF, v0  }
0x41: {  	[tilespmem:$0x6440] =	vst v1  }
0x42: {  	v1 =	vld [tilespmem:s6+$0x50];
	_ =	sdelay $0x4  }
0x43: {  	vm13 =	vne.s32 v1, $0x0  }
0x44: {  	v1 =	vsel vm13, $0xFFFFFFFF, v0  }
0x45: {  	[tilespmem:$0x6450] =	vst v1  }
0x46: {  	v1 =	vld [tilespmem:s6+$0x60];
	_ =	sdelay $0x4  }
0x47: {  	vm14 =	vne.s32 v1, $0x0  }
0x48: {  	v1 =	vsel vm14, $0xFFFFFFFF, v0  }
0x49: {  	[tilespmem:$0x6460] =	vst v1  }
0x4a: {  	v1 =	vld [tilespmem:s6+$0x70];
	_ =	sdelay $0x4  }
0x4b: {  	vm15 =	vne.s32 v1, $0x0  }
0x4c: {  	v1 =	vsel vm15, $0xFFFFFFFF, v0  }
0x4d: {  	[tilespmem:$0x6470] =	vst v1  }
0x4e: {  	_ =	swait.ge [sflag:s21], $0x2000  }
0x4f: {  	[sflag:s21] =	ssyncset.done $0x0  }
0x50: {  	[sflag:s21] =	ssyncadd.s32 $0xFFFFE000;
	(ifvalue) =	ssetifvalue $0xFFFFFFFF  }
0x51: {  	(ifvalue) =	ssetifvalue $0xFFFFFFFF;
	s7 =	rddreg [dreg:$0x2]  }
0x52: {  	[tilespmem:s13], [sflag:$0x9] =	stream.indirect.gather [hbm4b:s5+s12], $0x40, s7, s12, $0x40b8;
	[tilespmem:$0x12600] =	vst v63  }
0x53: {  	_ =	swait.ge [sflag:s22], $0x2000  }
0x54: {  	[sflag:s22] =	ssyncset.done $0x0  }
0x55: {  	[sflag:s22] =	ssyncadd.s32 $0xFFFFE000  }
0x56: {  	_ =	swait.ge [sflag:s23], $0x1000  }
0x57: {  	[sflag:s23] =	ssyncset.done $0x0  }
0x58: {  	s7 =	sadd.s32 $0xFFFFF000, s9;
	[sflag:s23] =	ssyncadd.s32 $0xFFFFF000  }
0x59: {  	[hbm4b:s7+s24] =	stream.strided.scatter [tilespmem:s13], [sflag:$0xA], $0x2000, s12, s24, $0x38;
	[tilespmem:$0x12600] =	vst v63  }
0x5a: {  	_ =	swait.ge [sflag:s10], $0x2000  }
0x5b: {  	[sflag:s10] =	ssyncset.done $0x0  }
0x5c: {  	s7 =	sadd.s32 $0xFFFFF008, s9;
	[sflag:s10] =	ssyncadd.s32 $0xFFFFE000  }
0x5d: {  	[hbm4b:s7+s25] =	stream.strided.scatter [tilespmem:s14], [sflag:$0xA], $0x1000, s12, s25, $0x38;
	[tilespmem:$0x12600] =	vst v63  }
0x5e: {  	_ =	swait.ge [sflag:s10], $0x1000  }
0x5f: {  	[sflag:s10] =	ssyncset.done $0x0  }
0x60: {  	[sflag:s10] =	ssyncadd.s32 $0xFFFFF000  }
0x61: {  	v1 =	vld [tilespmem:s6+$0x80];
	_ =	sdelay $0x4  }
0x62: {  	vm4 =	vne.s32 v1, $0x0  }
0x63: {  	v1 =	vsel vm4, $0xFFFFFFFF, v0  }
0x64: {  	[tilespmem:$0x6480] =	vst v1  }
0x65: {  	v1 =	vld [tilespmem:s6+$0x90];
	_ =	sdelay $0x4  }
0x66: {  	vm5 =	vne.s32 v1, $0x0  }
0x67: {  	v1 =	vsel vm5, $0xFFFFFFFF, v0  }
0x68: {  	[tilespmem:$0x6490] =	vst v1  }
0x69: {  	v1 =	vld [tilespmem:s6+$0xA0];
	_ =	sdelay $0x4  }
0x6a: {  	vm6 =	vne.s32 v1, $0x0  }
0x6b: {  	v1 =	vsel vm6, $0xFFFFFFFF, v0  }
0x6c: {  	[tilespmem:$0x64A0] =	vst v1  }
0x6d: {  	v1 =	vld [tilespmem:s6+$0xB0];
	_ =	sdelay $0x4  }
0x6e: {  	vm7 =	vne.s32 v1, $0x0  }
0x6f: {  	v1 =	vsel vm7, $0xFFFFFFFF, v0  }
0x70: {  	[tilespmem:$0x64B0] =	vst v1  }
0x71: {  	v1 =	vld [tilespmem:s6+$0xC0];
	_ =	sdelay $0x4  }
0x72: {  	vm8 =	vne.s32 v1, $0x0  }
0x73: {  	v1 =	vsel vm8, $0xFFFFFFFF, v0  }
0x74: {  	[tilespmem:$0x64C0] =	vst v1  }
0x75: {  	v1 =	vld [tilespmem:s6+$0xD0];
	_ =	sdelay $0x4  }
0x76: {  	vm9 =	vne.s32 v1, $0x0  }
0x77: {  	v1 =	vsel vm9, $0xFFFFFFFF, v0  }
0x78: {  	[tilespmem:$0x64D0] =	vst v1  }
0x79: {  	v1 =	vld [tilespmem:s6+$0xE0];
	_ =	sdelay $0x4  }
0x7a: {  	vm10 =	vne.s32 v1, $0x0  }
0x7b: {  	v1 =	vsel vm10, $0xFFFFFFFF, v0  }
0x7c: {  	[tilespmem:$0x64E0] =	vst v1  }
0x7d: {  	v1 =	vld [tilespmem:s6+$0xF0];
	_ =	sdelay $0x4  }
0x7e: {  	vm11 =	vne.s32 v1, $0x0  }
0x7f: {  	v1 =	vsel vm11, $0xFFFFFFFF, v0  }
0x80: {  	[tilespmem:$0x64F0] =	vst v1  }
0x81: {  	_ =	swait.ge [sflag:s26], $0x2000  }
0x82: {  	[sflag:s26] =	ssyncset.done $0x0  }
0x83: {  	[sflag:s26] =	ssyncadd.s32 $0xFFFFE000;
	(ifvalue) =	ssetifvalue $0xFFFFFFFF  }
0x84: {  	(ifvalue) =	ssetifvalue $0xFFFFFFFF;
	s7 =	rddreg [dreg:$0x3]  }
0x85: {  	[tilespmem:s15], [sflag:$0x9] =	stream.indirect.gather [hbm4b:s5+s12], $0x40, s7, s12, $0x40b8;
	[tilespmem:$0x12600] =	vst v63  }
0x86: {  	_ =	swait.ge [sflag:s22], $0x2000  }
0x87: {  	[sflag:s22] =	ssyncset.done $0x0  }
0x88: {  	[sflag:s22] =	ssyncadd.s32 $0xFFFFE000  }
0x89: {  	_ =	swait.ge [sflag:s28], $0x1000  }
0x8a: {  	[sflag:s28] =	ssyncset.done $0x0  }
0x8b: {  	s7 =	sadd.s32 $0xFFFFF800, s9;
	[sflag:s28] =	ssyncadd.s32 $0xFFFFF000  }
0x8c: {  	[hbm4b:s7+s24] =	stream.strided.scatter [tilespmem:s15], [sflag:$0xA], $0x2000, s12, s24, $0x38;
	[tilespmem:$0x12600] =	vst v63  }
0x8d: {  	_ =	swait.ge [sflag:s10], $0x2000  }
0x8e: {  	[sflag:s10] =	ssyncset.done $0x0  }
0x8f: {  	s7 =	sadd.s32 $0xFFFFF808, s9;
	[sflag:s10] =	ssyncadd.s32 $0xFFFFE000  }
0x90: {  	[hbm4b:s7+s25] =	stream.strided.scatter [tilespmem:s16], [sflag:$0xA], $0x1000, s12, s25, $0x38;
	[tilespmem:$0x12600] =	vst v63  }
0x91: {  	_ =	swait.ge [sflag:s10], $0x1000  }
0x92: {  	[sflag:s10] =	ssyncset.done $0x0  }
0x93: {  	[sflag:s10] =	ssyncadd.s32 $0xFFFFF000  }
0x94: {  	v1 =	vld [tilespmem:s6+$0x100];
	_ =	sdelay $0x4  }
0x95: {  	vm12 =	vne.s32 v1, $0x0  }
0x96: {  	v1 =	vsel vm12, $0xFFFFFFFF, v0  }
0x97: {  	[tilespmem:$0x6500] =	vst v1  }
0x98: {  	v1 =	vld [tilespmem:s6+$0x110];
	_ =	sdelay $0x4  }
0x99: {  	vm13 =	vne.s32 v1, $0x0  }
0x9a: {  	v1 =	vsel vm13, $0xFFFFFFFF, v0  }
0x9b: {  	[tilespmem:$0x6510] =	vst v1  }
0x9c: {  	v1 =	vld [tilespmem:s6+$0x120];
	_ =	sdelay $0x4  }
0x9d: {  	vm14 =	vne.s32 v1, $0x0  }
0x9e: {  	v1 =	vsel vm14, $0xFFFFFFFF, v0  }
0x9f: {  	[tilespmem:$0x6520] =	vst v1  }
0xa0: {  	v1 =	vld [tilespmem:s6+$0x130];
	_ =	sdelay $0x4  }
0xa1: {  	vm15 =	vne.s32 v1, $0x0  }
0xa2: {  	v1 =	vsel vm15, $0xFFFFFFFF, v0  }
0xa3: {  	[tilespmem:$0x6530] =	vst v1  }
0xa4: {  	v1 =	vld [tilespmem:s6+$0x140];
	_ =	sdelay $0x4  }
0xa5: {  	vm4 =	vne.s32 v1, $0x0  }
0xa6: {  	v1 =	vsel vm4, $0xFFFFFFFF, v0  }
0xa7: {  	[tilespmem:$0x6540] =	vst v1  }
0xa8: {  	v1 =	vld [tilespmem:s6+$0x150];
	_ =	sdelay $0x4  }
0xa9: {  	vm5 =	vne.s32 v1, $0x0  }
0xaa: {  	v1 =	vsel vm5, $0xFFFFFFFF, v0  }
0xab: {  	[tilespmem:$0x6550] =	vst v1  }
0xac: {  	v1 =	vld [tilespmem:s6+$0x160];
	_ =	sdelay $0x4  }
0xad: {  	vm6 =	vne.s32 v1, $0x0  }
0xae: {  	v1 =	vsel vm6, $0xFFFFFFFF, v0  }
0xaf: {  	[tilespmem:$0x6560] =	vst v1  }
0xb0: {  	v1 =	vld [tilespmem:s6+$0x170];
	_ =	sdelay $0x4  }
0xb1: {  	vm7 =	vne.s32 v1, $0x0  }
0xb2: {  	v1 =	vsel vm7, $0xFFFFFFFF, v0  }
0xb3: {  	[tilespmem:$0x6570] =	vst v1  }
0xb4: {  	_ =	swait.ge [sflag:s29], $0x2000  }
0xb5: {  	[sflag:s29] =	ssyncset.done $0x0  }
0xb6: {  	[sflag:s29] =	ssyncadd.s32 $0xFFFFE000;
	(ifvalue) =	ssetifvalue $0xFFFFFFFF  }
0xb7: {  	(ifvalue) =	ssetifvalue $0xFFFFFFFF;
	s7 =	rddreg [dreg:$0x4]  }
0xb8: {  	[tilespmem:s17], [sflag:$0x9] =	stream.indirect.gather [hbm4b:s5+s12], $0x40, s7, s12, $0x40b8;
	[tilespmem:$0x12600] =	vst v63  }
0xb9: {  	_ =	swait.ge [sflag:s22], $0x2000  }
0xba: {  	[sflag:s22] =	ssyncset.done $0x0  }
0xbb: {  	[sflag:s22] =	ssyncadd.s32 $0xFFFFE000  }
0xbc: {  	_ =	swait.ge [sflag:s30], $0x1000  }
0xbd: {  	[sflag:s30] =	ssyncset.done $0x0  }
0xbe: {  	[sflag:s30] =	ssyncadd.s32 $0xFFFFF000  }
0xbf: {  	[hbm4b:s9+s24] =	stream.strided.scatter [tilespmem:s17], [sflag:$0xA], $0x2000, s12, s24, $0x38;
	[tilespmem:$0x12600] =	vst v63  }
0xc0: {  	_ =	swait.ge [sflag:s10], $0x2000  }
0xc1: {  	[sflag:s10] =	ssyncset.done $0x0  }
0xc2: {  	s7 =	sadd.s32 $0x8, s9;
	[sflag:s10] =	ssyncadd.s32 $0xFFFFE000  }
0xc3: {  	[hbm4b:s7+s25] =	stream.strided.scatter [tilespmem:s18], [sflag:$0xA], $0x1000, s12, s25, $0x38;
	[tilespmem:$0x12600] =	vst v63  }
0xc4: {  	_ =	swait.ge [sflag:s10], $0x1000  }
0xc5: {  	[sflag:s10] =	ssyncset.done $0x0  }
0xc6: {  	[sflag:s10] =	ssyncadd.s32 $0xFFFFF000  }
0xc7: {  	v1 =	vld [tilespmem:s6+$0x180];
	_ =	sdelay $0x4  }
0xc8: {  	vm8 =	vne.s32 v1, $0x0  }
0xc9: {  	v1 =	vsel vm8, $0xFFFFFFFF, v0  }
0xca: {  	[tilespmem:$0x6580] =	vst v1  }
0xcb: {  	v1 =	vld [tilespmem:s6+$0x190];
	_ =	sdelay $0x4  }
0xcc: {  	vm9 =	vne.s32 v1, $0x0  }
0xcd: {  	v1 =	vsel vm9, $0xFFFFFFFF, v0  }
0xce: {  	[tilespmem:$0x6590] =	vst v1  }
0xcf: {  	v1 =	vld [tilespmem:s6+$0x1A0];
	_ =	sdelay $0x4  }
0xd0: {  	vm10 =	vne.s32 v1, $0x0  }
0xd1: {  	v1 =	vsel vm10, $0xFFFFFFFF, v0  }
0xd2: {  	[tilespmem:$0x65A0] =	vst v1  }
0xd3: {  	v1 =	vld [tilespmem:s6+$0x1B0];
	_ =	sdelay $0x4  }
0xd4: {  	vm11 =	vne.s32 v1, $0x0  }
0xd5: {  	v1 =	vsel vm11, $0xFFFFFFFF, v0  }
0xd6: {  	[tilespmem:$0x65B0] =	vst v1  }
0xd7: {  	v1 =	vld [tilespmem:s6+$0x1C0];
	_ =	sdelay $0x4  }
0xd8: {  	vm12 =	vne.s32 v1, $0x0  }
0xd9: {  	v1 =	vsel vm12, $0xFFFFFFFF, v0  }
0xda: {  	[tilespmem:$0x65C0] =	vst v1  }
0xdb: {  	v1 =	vld [tilespmem:s6+$0x1D0];
	_ =	sdelay $0x4  }
0xdc: {  	vm13 =	vne.s32 v1, $0x0  }
0xdd: {  	v1 =	vsel vm13, $0xFFFFFFFF, v0  }
0xde: {  	[tilespmem:$0x65D0] =	vst v1  }
0xdf: {  	v1 =	vld [tilespmem:s6+$0x1E0];
	_ =	sdelay $0x4  }
0xe0: {  	vm14 =	vne.s32 v1, $0x0  }
0xe1: {  	v1 =	vsel vm14, $0xFFFFFFFF, v0  }
0xe2: {  	[tilespmem:$0x65E0] =	vst v1  }
0xe3: {  	v1 =	vld [tilespmem:s6+$0x1F0];
	_ =	sdelay $0x4  }
0xe4: {  	vm15 =	vne.s32 v1, $0x0  }
0xe5: {  	v1 =	vsel vm15, $0xFFFFFFFF, v0  }
0xe6: {  	[tilespmem:$0x65F0] =	vst v1  }
0xe7: {  	_ =	swait.ge [sflag:s31], $0x2000  }
0xe8: {  	[sflag:s31] =	ssyncset.done $0x0  }
0xe9: {  	[sflag:s31] =	ssyncadd.s32 $0xFFFFE000;
	(ifvalue) =	ssetifvalue $0xFFFFFFFF  }
0xea: {  	(ifvalue) =	ssetifvalue $0xFFFFFFFF;
	s7 =	rddreg [dreg:$0x5]  }
0xeb: {  	[tilespmem:s19], [sflag:$0x9] =	stream.indirect.gather [hbm4b:s5+s12], $0x40, s7, s12, $0x40b8;
	[tilespmem:$0x12600] =	vst v63  }
0xec: {  	_ =	swait.ge [sflag:s22], $0x2000  }
0xed: {  	[sflag:s22] =	ssyncset.done $0x0  }
0xee: {  	[sflag:s22] =	ssyncadd.s32 $0xFFFFE000  }
0xef: {  	_ =	swait.ge [sflag:s0], $0x1000  }
0xf0: {  	[sflag:s0] =	ssyncset.done $0x0  }
0xf1: {  	s7 =	sadd.s32 $0x800, s9;
	[sflag:s0] =	ssyncadd.s32 $0xFFFFF000  }
0xf2: {  	[hbm4b:s7+s24] =	stream.strided.scatter [tilespmem:s19], [sflag:$0xA], $0x2000, s12, s24, $0x38;
	[tilespmem:$0x12600] =	vst v63  }
0xf3: {  	_ =	swait.ge [sflag:s10], $0x2000  }
0xf4: {  	p0 =	sne.s32 s2, $0xC000;
	[sflag:s10] =	ssyncset.done $0x0  }
.Ltmp0:
0xf5: {  	s7 =	sadd.s32 $0x808, s9;
	[sflag:s10] =	ssyncadd.s32 $0xFFFFE000;
	(pc) =	sbr.rel @p0 .LBB2_2-.Ltmp0, $4  }
0xf6: {  	[hbm4b:s7+s25] =	stream.strided.scatter [tilespmem:s20], [sflag:$0xA], $0x1000, s12, s25, $0x38;
	[tilespmem:$0x12600] =	vst v63  }
0xf7: {  	_ =	swait.ge [sflag:s10], $0x1000  }
0xf8: {  	[sflag:s10] =	ssyncset.done $0x0  }
0xf9: {  	s2 =	sadd.s32 $0x800, s2;
	s9 =	sadd.s32 $0x2000, s9;
	[sflag:s10] =	ssyncadd.s32 $0xFFFFF000  }
0xfa: {  	s1 =	sadd.s32 $0x1, s1  }
0xfb: {  	p0 =	sne.s32 s1, s8  }
.Ltmp1:
0xfc: {  	_ = 	snop;
	(pc) =	sbr.rel @p0 .LBB2_1-.Ltmp1, $1  }
0xfd: {  	_ =	sdelay $0x3  }
0xfe: {  	_ =	sfence.sel $0x180000  }
0xff: {  	[bflag:$0x0] =	sbarrier.arrive $0xFFFF  }
0x100: {  	_ =	strace $0x9000004A  }
0x101: {  	s0 =	stileid.u32;
	[bflag:$0x2] =	sbarrier.arrive $0xFFFF  }
0x102: {  	p0 =	sne.s32 s0, $0x0;
	s0 =	rddreg [dreg:$0x1]  }
0x103: {  	s0 =	sadd.s32 @!p0 $0x100000, s0  }
0x104: {  	[sflag:s0] =	ssyncadd.tile.s32 @!p0 $0x1;
	_ =	shalt  }
.Lfunc_end2:
_tile_overlayer_lowered:
.L_overlay_start_2:
0x105: {  	(tag) =	ssettag $0x2  }
0x106: {  	s0 =	rddreg [dreg:$0x0];
	s2 =	stileid.u32  }
0x107: {  	s1 =	rddreg [dreg:$0x1];
	p0 =	sne.s32 s2, $0x0  }
0x108: {  	s3 =	rddreg [dreg:$0x2];
	[bflag:$0x3] =	sbarrier.arrive $0xFFFF;
	s2 =	simm.s32 @!p0 $0x1C0A  }
0x109: {  	[timem:s3], [sflag:s2] =	dma.local @!p0 [hbm:s0], s1  }
0x10a: {  	s0 =	simm.s32 @!p0 $0xA  }
0x10b: {  	_ =	swait.ge @!p0 [sflag:s0], s1  }
0x10c: {  	s1 =	ssub.s32 @!p0 $0x0, s1;
	[sflag:s0] =	ssyncset.done @!p0 $0x0  }
0x10d: {  	[sflag:s0] =	ssyncadd.s32 @!p0 s1  }
0x10e: {  	[bflag:$0x3] =	sbarrier.arrive $0xFFFF  }
0x10f: {  	_ =	shalt  }

</sc_bundles>
